<compile_context>
chip_gen: v7x
topology: tpu7x:2x2x1
jax: 0.10.2.dev20260603
libtpu: 0.0.44.dev20260713+nightly
codegen_flags: <defaults>
</compile_context>

<pallas_src>
import functools

import jax
import jax.numpy as jnp
from jax import lax
from jax.experimental import pallas as pl
from jax.experimental.pallas import tpu as pltpu
from jax.experimental.pallas import tpu_sc as plsc

_BATCH = 16384
_EMBED_DIM = 64
_OUT_PAD = 128
_NUM_CORES = 2
_NUM_SUBCORES = 16
_NUM_WORKERS = _NUM_CORES * _NUM_SUBCORES
_CHUNK = 512
_N_FULL_CHUNKS = 1953
_TAIL_COL0 = _N_FULL_CHUNKS * _CHUNK
_TAIL_W = 64
_RING = 16
_LANES = 16


def _iota16():
    return lax.broadcasted_iota(jnp.int32, (_LANES,), 0)


def _scalar(x):
    return x[0] if getattr(x, "ndim", 0) else x


def _gather_body(idx_hbm, tableT_hbm, tail_hbm, out_hbm, midx, mpos, gbuf,
                 chunk_v, tail_v, scr_mv, scr_mp, rowbufs, sem, csem):
    wid = lax.axis_index("s") * _NUM_CORES + lax.axis_index("c")
    pltpu.sync_copy(idx_hbm, gbuf.at[pl.ds(0, _BATCH)])

    def scan_step(t, cnt):
        v = gbuf[pl.ds(t * _LANES, _LANES)]
        pos = _iota16() + t * _LANES
        mine = ((v >> 9) & (_NUM_WORKERS - 1)) == wid
        plsc.store_compressed(midx.at[pl.ds(cnt, _LANES)], v, mask=mine)
        plsc.store_compressed(mpos.at[pl.ds(cnt, _LANES)], pos, mask=mine)
        return cnt + _scalar(plsc.all_reduce_population_count(mine))

    cnt = lax.fori_loop(0, _BATCH // _LANES, scan_step, 0)
    midx[pl.ds(cnt, _LANES)] = jnp.full((_LANES,), jnp.int32(0x7F000000))
    nvec = (cnt + _LANES - 1) // _LANES

    def process_chunk(c, col0, chunk_ref, mc, swap=False):

        def vec_step(t, mc):
            mv = midx[pl.ds(t * _LANES, _LANES)]
            mp = mpos[pl.ds(t * _LANES, _LANES)]
            hit = (mv >> 9) == c
            nmatch = _scalar(plsc.all_reduce_population_count(hit))
            plsc.store_compressed(scr_mv.at[:], mv, mask=hit)
            plsc.store_compressed(scr_mp.at[:], mp, mask=hit)

            def match_step(j, mc):
                jf = jnp.full((_LANES,), j, jnp.int32)
                lcol = plsc.load_gather(scr_mv.at[:], [jf]) - col0
                pos = _scalar(plsc.load_gather(scr_mp.at[:], [jf]))
                slot = mc & (_RING - 1)
                @pl.when(mc >= _RING)
                def _():
                    pltpu.make_async_copy(
                        out_hbm.at[0], rowbufs.at[0], sem.at[slot]
                    ).wait()
                for q in range(_EMBED_DIM // _LANES):
                    d_idx = _iota16() + q * _LANES
                    idxs = [lcol, d_idx] if swap else [d_idx, lcol]
                    g = plsc.load_gather(chunk_ref.at[:, :], idxs)
                    rowbufs[slot, pl.ds(q * _LANES, _LANES)] = g
                pltpu.async_copy(rowbufs.at[slot], out_hbm.at[pos], sem.at[slot])
                return mc + 1

            return lax.fori_loop(0, nmatch, match_step, mc)

        return lax.fori_loop(0, nvec, vec_step, mc)

    n_sweep = jnp.where(wid == 0, 62, 61)

    def start_load(k):
        c = k * _NUM_WORKERS + wid
        col0 = pl.multiple_of(c * _CHUNK, _CHUNK)
        pltpu.async_copy(
            tableT_hbm.at[:, pl.ds(col0, _CHUNK)],
            chunk_v.at[k & 1],
            csem.at[k & 1],
        )

    start_load(0)

    def sweep_step(k, mc):
        @pl.when(k + 1 < n_sweep)
        def _():
            start_load(k + 1)

        pltpu.make_async_copy(
            tableT_hbm.at[:, pl.ds(0, _CHUNK)], chunk_v.at[k & 1],
            csem.at[k & 1],
        ).wait()
        c = k * _NUM_WORKERS + wid
        return process_chunk(c, c * _CHUNK, chunk_v.at[k & 1], mc)

    mc = lax.fori_loop(0, n_sweep, sweep_step, 0)

    def drain(mc):
        def wait_one(i, c):
            pltpu.make_async_copy(
                out_hbm.at[0], rowbufs.at[0], sem.at[i]
            ).wait()
            return c

        lax.fori_loop(0, jnp.minimum(mc, _RING), wait_one, 0)

    tail_owner = _N_FULL_CHUNKS & (_NUM_WORKERS - 1)

    @pl.when(wid == tail_owner)
    def _():
        pltpu.sync_copy(tail_hbm, tail_v)
        drain(process_chunk(_N_FULL_CHUNKS, _TAIL_COL0, tail_v, mc, swap=True))

    @pl.when(wid != tail_owner)
    def _():
        drain(mc)


def kernel(user_ids, table):
    mesh = plsc.VectorSubcoreMesh(core_axis_name="c", subcore_axis_name="s")
    f = pl.kernel(
        _gather_body,
        mesh=mesh,
        out_type=jax.ShapeDtypeStruct((_BATCH, _OUT_PAD), jnp.float32),
        scratch_types=[
            pltpu.VMEM((_BATCH + 2 * _LANES,), jnp.int32),
            pltpu.VMEM((_BATCH + 2 * _LANES,), jnp.int32),
            pltpu.VMEM((_BATCH + 2 * _LANES,), jnp.int32),
            pltpu.VMEM((2, _EMBED_DIM, _CHUNK), jnp.float32),
            pltpu.VMEM((_TAIL_W, _EMBED_DIM), jnp.float32),
            pltpu.VMEM((_LANES,), jnp.int32),
            pltpu.VMEM((_LANES,), jnp.int32),
            pltpu.VMEM((_RING, _OUT_PAD), jnp.float32),
            pltpu.SemaphoreType.DMA((_RING,)),
            pltpu.SemaphoreType.DMA((2,)),
        ],
        compiler_params=pltpu.CompilerParams(
            use_tc_tiling_on_sc=True, needs_layout_passes=False
        ),
    )
    tail_block = lax.slice(
        table, (_TAIL_COL0, 0), (_TAIL_COL0 + _TAIL_W, _EMBED_DIM)
    )
    out_pad = f(user_ids.astype(jnp.int32), table.T, tail_block)
    return out_pad[:, :_EMBED_DIM]

# --- scband reference (transcript-rebuilt; emitter-appended) ---
"""Pipeline reference for scband-user-encoder-3401614098766 (READ-ONLY COPY).

The authoritative reference and input builder live on the scoring server;
editing this copy changes nothing except your own understanding.
"""

import jax, jax.numpy as jnp
import numpy as np

NUM_USERS = 1000000
EMBED_DIM = 64
BATCH = 16384

def setup_inputs(seed: int = 0) -> dict:
    key = jax.random.key(seed)
    k_idx, k_tab = jax.random.split(key)
    user_ids = jax.random.randint(k_idx, (BATCH,), 0, NUM_USERS, dtype=jnp.int64 if jax.config.read('jax_enable_x64') else jnp.int32)
    table = jax.random.normal(k_tab, (NUM_USERS + 1, EMBED_DIM), dtype=jnp.float32)
    return {"user_ids": user_ids, "table": table}

def reference(user_ids, table):
    # nn.Embedding forward: row gather from the embedding table
    return jnp.take(table, user_ids, axis=0)

if __name__ == "__main__":
    import jax
    _d = setup_inputs()
    print(jax.jit(kernel)(*tuple(_d.values())))

</pallas_src>

<mosaic_0001>
#map = affine_map<(d0, d1) -> (0)>
#map1 = affine_map<(d0, d1) -> (0, 0)>
module attributes {stable_mosaic.version = 14 : i64} {
  func.func @_gather_body(%arg0: i32, %arg1: i32, %arg2: memref<16384xi32, #tpu.memory_space<hbm>>, %arg3: memref<64x1000001xf32, #tpu.memory_space<hbm>>, %arg4: memref<64x64xf32, #tpu.memory_space<hbm>>, %arg5: memref<16384x128xf32, #tpu.memory_space<hbm>>, %arg6: memref<16416xi32, #tpu.memory_space<vmem>>, %arg7: memref<16416xi32, #tpu.memory_space<vmem>>, %arg8: memref<16416xi32, #tpu.memory_space<vmem>>, %arg9: memref<2x64x512xf32, #tpu.memory_space<vmem>>, %arg10: memref<64x64xf32, #tpu.memory_space<vmem>>, %arg11: memref<16xi32, #tpu.memory_space<vmem>>, %arg12: memref<16xi32, #tpu.memory_space<vmem>>, %arg13: memref<16x128xf32, #tpu.memory_space<vmem>>, %arg14: memref<16x!tpu.dma_semaphore, #tpu.memory_space<semaphore_mem>>, %arg15: memref<2x!tpu.dma_semaphore, #tpu.memory_space<semaphore_mem>>) attributes {dimension_semantics = [#tpu.dimension_semantics<core_parallel>, #tpu.dimension_semantics<subcore_parallel>], iteration_bounds = array<i64: 2, 16>, scalar_prefetch = 0 : i64, scratch_operands = 10 : i64, tpu.core_type = #tpu.core_type<sc_vector_subcore>, window_params = [{transform_indices = #map}, {transform_indices = #map1}, {transform_indices = #map1}, {transform_indices = #map1}]} {
    %mul3A = arith.constant 2 : i32
    %mul3A_0 = arith.muli %arg1, %mul3A : i32
    %add3A = arith.addi %mul3A_0, %arg0 : i32
    "tpu.region"() ({
      %run_scoped3A = tpu.sem_alloc : memref<!tpu.dma_semaphore, #tpu.memory_space<semaphore_mem>>
      %dma_start3A_71 = arith.constant 0 : i32
      %dma_start3A_72 = tpu.memref_slice %arg8[%dma_start3A_71] : memref<16416xi32, #tpu.memory_space<vmem>> -> memref<16384xi32, #tpu.memory_space<vmem>>
      %dma_start3A_73 = arith.constant 0 : i32
      %dma_start3A_74 = tpu.memref_slice %arg8[%dma_start3A_73] : memref<16416xi32, #tpu.memory_space<vmem>> -> memref<16384xi32, #tpu.memory_space<vmem>>
      tpu.enqueue_dma source(%arg2 : memref<16384xi32, #tpu.memory_space<hbm>>) target(%dma_start3A_74 : memref<16384xi32, #tpu.memory_space<vmem>>) target_semaphore(%run_scoped3A : memref<!tpu.dma_semaphore, #tpu.memory_space<semaphore_mem>>)
      %dma_wait3A = arith.constant 0 : i32
      %dma_wait3A_75 = tpu.memref_slice %arg8[%dma_wait3A] : memref<16416xi32, #tpu.memory_space<vmem>> -> memref<16384xi32, #tpu.memory_space<vmem>>
      %dma_wait3A_76 = arith.constant 0 : i32
      %dma_wait3A_77 = tpu.memref_slice %arg8[%dma_wait3A_76] : memref<16416xi32, #tpu.memory_space<vmem>> -> memref<16384xi32, #tpu.memory_space<vmem>>
      tpu.wait_dma2 semaphore(%run_scoped3A : memref<!tpu.dma_semaphore, #tpu.memory_space<semaphore_mem>>) src(%arg2 : memref<16384xi32, #tpu.memory_space<hbm>>) dst(%dma_wait3A_77 : memref<16384xi32, #tpu.memory_space<vmem>>)
      tpu.yield
    }) : () -> ()
    %scan3A = arith.constant 0 : i32
    %scan3A_1 = arith.constant 0 : i32
    %scan3A_2 = arith.constant 1024 : i32
    %scan3A_3 = arith.addi %scan3A_1, %scan3A_2 : i32
    %scan3A_4 = arith.constant 1 : i32
    %scan3A_5 = scf.for %scan3A_71 = %scan3A_1 to %scan3A_3 step %scan3A_4 iter_args(%scan3A_72 = %scan3A) -> (i32)  : i32 {
      %mul3A_73 = arith.constant 16 : i32
      %mul3A_74 = arith.muli %scan3A_71, %mul3A_73 : i32
      %get3A = arith.index_cast %mul3A_74 : i32 to index
      %get3A_75 = tpu.vector_load %arg8[%get3A] {strides = array<i32>} : memref<16416xi32, #tpu.memory_space<vmem>>, vector<16xi32>,
      %iota3A = tpu.iota {dimensions = array<i32: 0>} : vector<16xi32>
      %mul3A_76 = arith.constant 16 : i32
      %mul3A_77 = arith.muli %scan3A_71, %mul3A_76 : i32
      %add3A_78 = vector.broadcast %mul3A_77 : i32 to vector<16xi32>
      %add3A_79 = arith.addi %iota3A, %add3A_78 : vector<16xi32>
      %shift_right_arithmetic3A = arith.constant 9 : i32
      %shift_right_arithmetic3A_80 = vector.broadcast %shift_right_arithmetic3A : i32 to vector<16xi32>
      %shift_right_arithmetic3A_81 = arith.shrsi %get3A_75, %shift_right_arithmetic3A_80 : vector<16xi32>
      %and3A_82 = arith.constant 31 : i32
      %and3A_83 = vector.broadcast %and3A_82 : i32 to vector<16xi32>
      %and3A_84 = arith.andi %shift_right_arithmetic3A_81, %and3A_83 : vector<16xi32>
      %eq3A_85 = vector.broadcast %add3A : i32 to vector<16xi32>
      %eq3A_86 = arith.cmpi eq, %and3A_84, %eq3A_85 : vector<16xi32>
      %swap3A_87 = arith.index_cast %scan3A_72 : i32 to index
      %swap3A_88 = tpu.vector_load %arg6[%swap3A_87] masked %eq3A_86 {strides = array<i32>} : memref<16416xi32, #tpu.memory_space<vmem>>, vector<16xi32>, vector<16xi1>
      tpu.vector_store %arg6[%swap3A_87], %get3A_75 masked %eq3A_86 {strides = array<i32>} : memref<16416xi32, #tpu.memory_space<vmem>>, vector<16xi32>, vector<16xi1>
      %swap3A_89 = arith.index_cast %scan3A_72 : i32 to index
      %swap3A_90 = tpu.vector_load %arg7[%swap3A_89] masked %eq3A_86 {strides = array<i32>} : memref<16416xi32, #tpu.memory_space<vmem>>, vector<16xi32>, vector<16xi1>
      tpu.vector_store %arg7[%swap3A_89], %add3A_79 masked %eq3A_86 {strides = array<i32>} : memref<16416xi32, #tpu.memory_space<vmem>>, vector<16xi32>, vector<16xi1>
      %all_reduce_population_count3A = tpu.all_reduce %eq3A_86 {dim = 0 : i64, kind = #tpu.reduction_kind<sum>} : vector<16xi1> -> vector<16xi32>
      %slice3A = vector.extract_strided_slice %all_reduce_population_count3A {offsets = [0], sizes = [1], strides = [1]} : vector<16xi32> to vector<1xi32>
      %squeeze3A = vector.extract %slice3A[0] : i32 from vector<1xi32>
      %add3A_91 = arith.addi %scan3A_72, %squeeze3A : i32
      scf.yield %add3A_91 : i32
    }
    %scan3A_6 = arith.constant 1024 : i32
    %broadcast_in_dim3A = arith.constant 2130706432 : i32
    %broadcast_in_dim3A_7 = vector.broadcast %broadcast_in_dim3A : i32 to vector<16xi32>
    %swap3A = arith.index_cast %scan3A_5 : i32 to index
    %swap3A_8 = tpu.vector_load %arg6[%swap3A] {strides = array<i32>} : memref<16416xi32, #tpu.memory_space<vmem>>, vector<16xi32>,
    tpu.vector_store %arg6[%swap3A], %broadcast_in_dim3A_7 {strides = array<i32>} : memref<16416xi32, #tpu.memory_space<vmem>>, vector<16xi32>,
    %add3A_9 = arith.constant 16 : i32
    %add3A_10 = arith.addi %scan3A_5, %add3A_9 : i32
    %sub3A = arith.constant 1 : i32
    %sub3A_11 = arith.subi %add3A_10, %sub3A : i32
    %jit3A = arith.constant 16 : i32
    %div3A = arith.divsi %sub3A_11, %jit3A : i32
    %sign3A = arith.constant 0 : i32
    %sign3A_12 = arith.cmpi sgt, %sub3A_11, %sign3A : i32
    %sign3A_13 = arith.extui %sign3A_12 : i1 to i32
    %sign3A_14 = arith.constant 0 : i32
    %sign3A_15 = arith.cmpi slt, %sub3A_11, %sign3A_14 : i32
    %sign3A_16 = arith.extui %sign3A_15 : i1 to i32
    %sign3A_17 = arith.subi %sign3A_13, %sign3A_16 : i32
    %sign3A_18 = arith.constant 0 : i32
    %sign3A_19 = arith.cmpi sgt, %jit3A, %sign3A_18 : i32
    %sign3A_20 = arith.extui %sign3A_19 : i1 to i32
    %sign3A_21 = arith.constant 0 : i32
    %sign3A_22 = arith.cmpi slt, %jit3A, %sign3A_21 : i32
    %sign3A_23 = arith.extui %sign3A_22 : i1 to i32
    %sign3A_24 = arith.subi %sign3A_20, %sign3A_23 : i32
    %ne3A = arith.cmpi ne, %sign3A_17, %sign3A_24 : i32
    %rem3A = arith.remsi %sub3A_11, %jit3A : i32
    %ne3A_25 = arith.constant 0 : i32
    %ne3A_26 = arith.cmpi ne, %rem3A, %ne3A_25 : i32
    %and3A = arith.andi %ne3A, %ne3A_26 : i1
    %sub3A_27 = arith.constant 1 : i32
    %sub3A_28 = arith.subi %div3A, %sub3A_27 : i32
    %select_n3A = arith.select %and3A, %sub3A_28, %div3A : i32
    %eq3A = arith.constant 0 : i32
    %eq3A_29 = arith.cmpi eq, %add3A, %eq3A : i32
    %jit3A_30 = arith.constant 62 : i32
    %jit3A_31 = arith.constant 61 : i32
    %select_n3A_32 = arith.select %eq3A_29, %jit3A_30, %jit3A_31 : i32
    %add3A_33 = arith.constant 0 : i32
    %add3A_34 = arith.addi %add3A_33, %add3A : i32
    %mul3A_35 = arith.constant 512 : i32
    %mul3A_36 = arith.muli %add3A_34, %mul3A_35 : i32
    %multiple_of3A = tpu.assume_multiple %mul3A_36, 512 : i32
    %dma_start3A = arith.constant 0 : i32
    %dma_start3A_37 = arith.constant 0 : i32
    %dma_start3A_38 = arith.constant 0 : i32
    %dma_start3A_39 = arith.constant 0 : i32
    %dma_start3A_40 = tpu.memref_slice %arg9[%dma_start3A, %dma_start3A_38, %dma_start3A_39] : memref<2x64x512xf32, #tpu.memory_space<vmem>> -> memref<1x64x512xf32, #tpu.memory_space<vmem>>
    %dma_start3A_41 = tpu.memref_squeeze %dma_start3A_40 : memref<1x64x512xf32, #tpu.memory_space<vmem>> -> memref<64x512xf32, #tpu.memory_space<vmem>>
    %dma_start3A_42 = arith.constant 0 : i32
    %dma_start3A_43 = tpu.memref_slice %arg3[%dma_start3A_42, %multiple_of3A] : memref<64x1000001xf32, #tpu.memory_space<hbm>> -> memref<64x512xf32, #tpu.memory_space<hbm>>
    %dma_start3A_44 = tpu.memref_slice %arg15[%dma_start3A_37] : memref<2x!tpu.dma_semaphore, #tpu.memory_space<semaphore_mem>> -> memref<1x!tpu.dma_semaphore, #tpu.memory_space<semaphore_mem>>
    %dma_start3A_45 = tpu.memref_squeeze %dma_start3A_44 : memref<1x!tpu.dma_semaphore, #tpu.memory_space<semaphore_mem>> -> memref<!tpu.dma_semaphore, #tpu.memory_space<semaphore_mem>>
    %dma_start3A_46 = arith.constant 0 : i32
    %dma_start3A_47 = arith.constant 0 : i32
    %dma_start3A_48 = tpu.memref_slice %arg9[%dma_start3A, %dma_start3A_46, %dma_start3A_47] : memref<2x64x512xf32, #tpu.memory_space<vmem>> -> memref<1x64x512xf32, #tpu.memory_space<vmem>>
    %dma_start3A_49 = tpu.memref_squeeze %dma_start3A_48 : memref<1x64x512xf32, #tpu.memory_space<vmem>> -> memref<64x512xf32, #tpu.memory_space<vmem>>
    %dma_start3A_50 = arith.constant 0 : i32
    %dma_start3A_51 = tpu.memref_slice %arg3[%dma_start3A_50, %multiple_of3A] : memref<64x1000001xf32, #tpu.memory_space<hbm>> -> memref<64x512xf32, #tpu.memory_space<hbm>>
    tpu.enqueue_dma source(%dma_start3A_51 : memref<64x512xf32, #tpu.memory_space<hbm>>) target(%dma_start3A_49 : memref<64x512xf32, #tpu.memory_space<vmem>>) target_semaphore(%dma_start3A_45 : memref<!tpu.dma_semaphore, #tpu.memory_space<semaphore_mem>>)
    %while3A = arith.constant 0 : i32
    %while3A_52 = arith.constant 0 : i32
    %while3A_53 = arith.subi %select_n3A_32, %while3A : i32
    %while3A_54 = arith.addi %while3A, %while3A_53 : i32
    %while3A_55 = arith.constant 1 : i32
    %while3A_56 = arith.divsi %while3A_53, %while3A_55 : i32
    %while3A_57 = arith.muli %while3A_56, %while3A_55 : i32
    %while3A_58 = arith.addi %while3A, %while3A_57 : i32
    %while3A_59 = arith.constant 1 : i32
    %while3A_60 = scf.for %while3A_71 = %while3A to %while3A_58 step %while3A_59 iter_args(%while3A_72 = %while3A_52) -> (i32)  : i32 {
      %add3A_73 = arith.constant 1 : i32
      %add3A_74 = arith.addi %while3A_71, %add3A_73 : i32
      %lt3A = arith.cmpi slt, %add3A_74, %select_n3A_32 : i32
      %convert_element_type3A_75 = arith.extui %lt3A : i1 to i32
      %cond3A_76 = arith.constant 0 : i32
      %cond3A_77 = arith.cmpi ne, %convert_element_type3A_75, %cond3A_76 : i32
      scf.if %cond3A_77 {
        %add3A_115 = arith.constant 1 : i32
        %add3A_116 = arith.addi %while3A_71, %add3A_115 : i32
        %mul3A_117 = arith.constant 32 : i32
        %mul3A_118 = arith.muli %add3A_116, %mul3A_117 : i32
        %add3A_119 = arith.addi %mul3A_118, %add3A : i32
        %mul3A_120 = arith.constant 512 : i32
        %mul3A_121 = arith.muli %add3A_119, %mul3A_120 : i32
        %multiple_of3A_122 = tpu.assume_multiple %mul3A_121, 512 : i32
        %and3A_123 = arith.constant 1 : i32
        %and3A_124 = arith.andi %add3A_116, %and3A_123 : i32
        %and3A_125 = arith.constant 1 : i32
        %and3A_126 = arith.andi %add3A_116, %and3A_125 : i32
        %dma_start3A_127 = arith.constant 0 : i32
        %dma_start3A_128 = arith.constant 0 : i32
        %dma_start3A_129 = tpu.memref_slice %arg9[%and3A_124, %dma_start3A_127, %dma_start3A_128] : memref<2x64x512xf32, #tpu.memory_space<vmem>> -> memref<1x64x512xf32, #tpu.memory_space<vmem>>
        %dma_start3A_130 = tpu.memref_squeeze %dma_start3A_129 : memref<1x64x512xf32, #tpu.memory_space<vmem>> -> memref<64x512xf32, #tpu.memory_space<vmem>>
        %dma_start3A_131 = arith.constant 0 : i32
        %dma_start3A_132 = tpu.memref_slice %arg3[%dma_start3A_131, %multiple_of3A_122] : memref<64x1000001xf32, #tpu.memory_space<hbm>> -> memref<64x512xf32, #tpu.memory_space<hbm>>
        %dma_start3A_133 = tpu.memref_slice %arg15[%and3A_126] : memref<2x!tpu.dma_semaphore, #tpu.memory_space<semaphore_mem>> -> memref<1x!tpu.dma_semaphore, #tpu.memory_space<semaphore_mem>>
        %dma_start3A_134 = tpu.memref_squeeze %dma_start3A_133 : memref<1x!tpu.dma_semaphore, #tpu.memory_space<semaphore_mem>> -> memref<!tpu.dma_semaphore, #tpu.memory_space<semaphore_mem>>
        %dma_start3A_135 = arith.constant 0 : i32
        %dma_start3A_136 = arith.constant 0 : i32
        %dma_start3A_137 = tpu.memref_slice %arg9[%and3A_124, %dma_start3A_135, %dma_start3A_136] : memref<2x64x512xf32, #tpu.memory_space<vmem>> -> memref<1x64x512xf32, #tpu.memory_space<vmem>>
        %dma_start3A_138 = tpu.memref_squeeze %dma_start3A_137 : memref<1x64x512xf32, #tpu.memory_space<vmem>> -> memref<64x512xf32, #tpu.memory_space<vmem>>
        %dma_start3A_139 = arith.constant 0 : i32
        %dma_start3A_140 = tpu.memref_slice %arg3[%dma_start3A_139, %multiple_of3A_122] : memref<64x1000001xf32, #tpu.memory_space<hbm>> -> memref<64x512xf32, #tpu.memory_space<hbm>>
        tpu.enqueue_dma source(%dma_start3A_140 : memref<64x512xf32, #tpu.memory_space<hbm>>) target(%dma_start3A_138 : memref<64x512xf32, #tpu.memory_space<vmem>>) target_semaphore(%dma_start3A_134 : memref<!tpu.dma_semaphore, #tpu.memory_space<semaphore_mem>>)
      } else {
      }
      %and3A_78 = arith.constant 1 : i32
      %and3A_79 = arith.andi %while3A_71, %and3A_78 : i32
      %and3A_80 = arith.constant 1 : i32
      %and3A_81 = arith.andi %while3A_71, %and3A_80 : i32
      %dma_wait3A = arith.constant 0 : i32
      %dma_wait3A_82 = arith.constant 0 : i32
      %dma_wait3A_83 = tpu.memref_slice %arg9[%and3A_79, %dma_wait3A, %dma_wait3A_82] : memref<2x64x512xf32, #tpu.memory_space<vmem>> -> memref<1x64x512xf32, #tpu.memory_space<vmem>>
      %dma_wait3A_84 = tpu.memref_squeeze %dma_wait3A_83 : memref<1x64x512xf32, #tpu.memory_space<vmem>> -> memref<64x512xf32, #tpu.memory_space<vmem>>
      %dma_wait3A_85 = arith.constant 0 : i32
      %dma_wait3A_86 = arith.constant 0 : i32
      %dma_wait3A_87 = tpu.memref_slice %arg3[%dma_wait3A_85, %dma_wait3A_86] : memref<64x1000001xf32, #tpu.memory_space<hbm>> -> memref<64x512xf32, #tpu.memory_space<hbm>>
      %dma_wait3A_88 = tpu.memref_slice %arg15[%and3A_81] : memref<2x!tpu.dma_semaphore, #tpu.memory_space<semaphore_mem>> -> memref<1x!tpu.dma_semaphore, #tpu.memory_space<semaphore_mem>>
      %dma_wait3A_89 = tpu.memref_squeeze %dma_wait3A_88 : memref<1x!tpu.dma_semaphore, #tpu.memory_space<semaphore_mem>> -> memref<!tpu.dma_semaphore, #tpu.memory_space<semaphore_mem>>
      %dma_wait3A_90 = arith.constant 0 : i32
      %dma_wait3A_91 = arith.constant 0 : i32
      %dma_wait3A_92 = tpu.memref_slice %arg9[%and3A_79, %dma_wait3A_90, %dma_wait3A_91] : memref<2x64x512xf32, #tpu.memory_space<vmem>> -> memref<1x64x512xf32, #tpu.memory_space<vmem>>
      %dma_wait3A_93 = tpu.memref_squeeze %dma_wait3A_92 : memref<1x64x512xf32, #tpu.memory_space<vmem>> -> memref<64x512xf32, #tpu.memory_space<vmem>>
      %dma_wait3A_94 = arith.constant 0 : i32
      %dma_wait3A_95 = arith.constant 0 : i32
      %dma_wait3A_96 = tpu.memref_slice %arg3[%dma_wait3A_94, %dma_wait3A_95] : memref<64x1000001xf32, #tpu.memory_space<hbm>> -> memref<64x512xf32, #tpu.memory_space<hbm>>
      tpu.wait_dma2 semaphore(%dma_wait3A_89 : memref<!tpu.dma_semaphore, #tpu.memory_space<semaphore_mem>>) src(%dma_wait3A_96 : memref<64x512xf32, #tpu.memory_space<hbm>>) dst(%dma_wait3A_93 : memref<64x512xf32, #tpu.memory_space<vmem>>)
      %mul3A_97 = arith.constant 32 : i32
      %mul3A_98 = arith.muli %while3A_71, %mul3A_97 : i32
      %add3A_99 = arith.addi %mul3A_98, %add3A : i32
      %mul3A_100 = arith.constant 512 : i32
      %mul3A_101 = arith.muli %add3A_99, %mul3A_100 : i32
      %and3A_102 = arith.constant 1 : i32
      %and3A_103 = arith.andi %while3A_71, %and3A_102 : i32
      %while3A_104 = arith.constant 0 : i32
      %while3A_105 = arith.subi %select_n3A, %while3A_104 : i32
      %while3A_106 = arith.addi %while3A_104, %while3A_105 : i32
      %while3A_107 = arith.constant 1 : i32
      %while3A_108 = arith.divsi %while3A_105, %while3A_107 : i32
      %while3A_109 = arith.muli %while3A_108, %while3A_107 : i32
      %while3A_110 = arith.addi %while3A_104, %while3A_109 : i32
      %while3A_111 = arith.constant 1 : i32
      %while3A_112 = scf.for %while3A_115 = %while3A_104 to %while3A_110 step %while3A_111 iter_args(%while3A_116 = %while3A_72) -> (i32)  : i32 {
        %mul3A_117 = arith.constant 16 : i32
        %mul3A_118 = arith.muli %while3A_115, %mul3A_117 : i32
        %get3A = arith.index_cast %mul3A_118 : i32 to index
        %get3A_119 = tpu.vector_load %arg6[%get3A] {strides = array<i32>} : memref<16416xi32, #tpu.memory_space<vmem>>, vector<16xi32>,
        %mul3A_120 = arith.constant 16 : i32
        %mul3A_121 = arith.muli %while3A_115, %mul3A_120 : i32
        %get3A_122 = arith.index_cast %mul3A_121 : i32 to index
        %get3A_123 = tpu.vector_load %arg7[%get3A_122] {strides = array<i32>} : memref<16416xi32, #tpu.memory_space<vmem>>, vector<16xi32>,
        %shift_right_arithmetic3A = arith.constant 9 : i32
        %shift_right_arithmetic3A_124 = vector.broadcast %shift_right_arithmetic3A : i32 to vector<16xi32>
        %shift_right_arithmetic3A_125 = arith.shrsi %get3A_119, %shift_right_arithmetic3A_124 : vector<16xi32>
        %eq3A_126 = vector.broadcast %add3A_99 : i32 to vector<16xi32>
        %eq3A_127 = arith.cmpi eq, %shift_right_arithmetic3A_125, %eq3A_126 : vector<16xi32>
        %all_reduce_population_count3A = tpu.all_reduce %eq3A_127 {dim = 0 : i64, kind = #tpu.reduction_kind<sum>} : vector<16xi1> -> vector<16xi32>
        %slice3A = vector.extract_strided_slice %all_reduce_population_count3A {offsets = [0], sizes = [1], strides = [1]} : vector<16xi32> to vector<1xi32>
        %squeeze3A = vector.extract %slice3A[0] : i32 from vector<1xi32>
        %swap3A_128 = arith.constant 0 : index
        %swap3A_129 = tpu.vector_load %arg11[%swap3A_128] masked %eq3A_127 {strides = array<i32>} : memref<16xi32, #tpu.memory_space<vmem>>, vector<16xi32>, vector<16xi1>
        tpu.vector_store %arg11[%swap3A_128], %get3A_119 masked %eq3A_127 {strides = array<i32>} : memref<16xi32, #tpu.memory_space<vmem>>, vector<16xi32>, vector<16xi1>
        %swap3A_130 = arith.constant 0 : index
        %swap3A_131 = tpu.vector_load %arg12[%swap3A_130] masked %eq3A_127 {strides = array<i32>} : memref<16xi32, #tpu.memory_space<vmem>>, vector<16xi32>, vector<16xi1>
        tpu.vector_store %arg12[%swap3A_130], %get3A_123 masked %eq3A_127 {strides = array<i32>} : memref<16xi32, #tpu.memory_space<vmem>>, vector<16xi32>, vector<16xi1>
        %while3A_132 = arith.constant 0 : i32
        %while3A_133 = arith.subi %squeeze3A, %while3A_132 : i32
        %while3A_134 = arith.addi %while3A_132, %while3A_133 : i32
        %while3A_135 = arith.constant 1 : i32
        %while3A_136 = arith.divsi %while3A_133, %while3A_135 : i32
        %while3A_137 = arith.muli %while3A_136, %while3A_135 : i32
        %while3A_138 = arith.addi %while3A_132, %while3A_137 : i32
        %while3A_139 = arith.constant 1 : i32
        %while3A_140 = scf.for %while3A_143 = %while3A_132 to %while3A_138 step %while3A_139 iter_args(%while3A_144 = %while3A_116) -> (i32)  : i32 {
          %broadcast_in_dim3A_145 = vector.broadcast %while3A_143 : i32 to vector<16xi32>
          %gather3A = arith.constant 0 : i32
          %gather3A_146 = tpu.memref_slice %arg11[%gather3A] : memref<16xi32, #tpu.memory_space<vmem>> -> memref<16xi32, #tpu.memory_space<vmem>>
          %gather3A_147 = tpu.vector_load_idx %gather3A_146[%broadcast_in_dim3A_145] : memref<16xi32, #tpu.memory_space<vmem>>[vector<16xi32>], vector<16xi32>,
          %sub3A_148 = vector.broadcast %mul3A_101 : i32 to vector<16xi32>
          %sub3A_149 = arith.subi %gather3A_147, %sub3A_148 : vector<16xi32>
          %gather3A_150 = arith.constant 0 : i32
          %gather3A_151 = tpu.memref_slice %arg12[%gather3A_150] : memref<16xi32, #tpu.memory_space<vmem>> -> memref<16xi32, #tpu.memory_space<vmem>>
          %gather3A_152 = tpu.vector_load_idx %gather3A_151[%broadcast_in_dim3A_145] : memref<16xi32, #tpu.memory_space<vmem>>[vector<16xi32>], vector<16xi32>,
          %slice3A_153 = vector.extract_strided_slice %gather3A_152 {offsets = [0], sizes = [1], strides = [1]} : vector<16xi32> to vector<1xi32>
          %squeeze3A_154 = vector.extract %slice3A_153[0] : i32 from vector<1xi32>
          %and3A_155 = arith.constant 15 : i32
          %and3A_156 = arith.andi %while3A_144, %and3A_155 : i32
          %ge3A = arith.constant 16 : i32
          %ge3A_157 = arith.cmpi sge, %while3A_144, %ge3A : i32
          %convert_element_type3A_158 = arith.extui %ge3A_157 : i1 to i32
          %cond3A_159 = arith.constant 0 : i32
          %cond3A_160 = arith.cmpi ne, %convert_element_type3A_158, %cond3A_159 : i32
          scf.if %cond3A_160 {
            %dma_wait3A_236 = arith.constant 0 : i32
            %dma_wait3A_237 = arith.constant 0 : i32
            %dma_wait3A_238 = arith.constant 0 : i32
            %dma_wait3A_239 = tpu.memref_slice %arg13[%dma_wait3A_237, %dma_wait3A_238] : memref<16x128xf32, #tpu.memory_space<vmem>> -> memref<1x128xf32, #tpu.memory_space<vmem>>
            %dma_wait3A_240 = tpu.memref_squeeze %dma_wait3A_239 : memref<1x128xf32, #tpu.memory_space<vmem>> -> memref<128xf32, #tpu.memory_space<vmem>>
            %dma_wait3A_241 = arith.constant 0 : i32
            %dma_wait3A_242 = tpu.memref_slice %arg5[%dma_wait3A_236, %dma_wait3A_241] : memref<16384x128xf32, #tpu.memory_space<hbm>> -> memref<1x128xf32, #tpu.memory_space<hbm>>
            %dma_wait3A_243 = tpu.memref_squeeze %dma_wait3A_242 : memref<1x128xf32, #tpu.memory_space<hbm>> -> memref<128xf32, #tpu.memory_space<hbm>>
            %dma_wait3A_244 = tpu.memref_slice %arg14[%and3A_156] : memref<16x!tpu.dma_semaphore, #tpu.memory_space<semaphore_mem>> -> memref<1x!tpu.dma_semaphore, #tpu.memory_space<semaphore_mem>>
            %dma_wait3A_245 = tpu.memref_squeeze %dma_wait3A_244 : memref<1x!tpu.dma_semaphore, #tpu.memory_space<semaphore_mem>> -> memref<!tpu.dma_semaphore, #tpu.memory_space<semaphore_mem>>
            %dma_wait3A_246 = arith.constant 0 : i32
            %dma_wait3A_247 = tpu.memref_slice %arg13[%dma_wait3A_237, %dma_wait3A_246] : memref<16x128xf32, #tpu.memory_space<vmem>> -> memref<1x128xf32, #tpu.memory_space<vmem>>
            %dma_wait3A_248 = tpu.memref_squeeze %dma_wait3A_247 : memref<1x128xf32, #tpu.memory_space<vmem>> -> memref<128xf32, #tpu.memory_space<vmem>>
            %dma_wait3A_249 = arith.constant 0 : i32
            %dma_wait3A_250 = tpu.memref_slice %arg5[%dma_wait3A_236, %dma_wait3A_249] : memref<16384x128xf32, #tpu.memory_space<hbm>> -> memref<1x128xf32, #tpu.memory_space<hbm>>
            %dma_wait3A_251 = tpu.memref_squeeze %dma_wait3A_250 : memref<1x128xf32, #tpu.memory_space<hbm>> -> memref<128xf32, #tpu.memory_space<hbm>>
            tpu.wait_dma2 semaphore(%dma_wait3A_245 : memref<!tpu.dma_semaphore, #tpu.memory_space<semaphore_mem>>) src(%dma_wait3A_251 : memref<128xf32, #tpu.memory_space<hbm>>) dst(%dma_wait3A_248 : memref<128xf32, #tpu.memory_space<vmem>>)
          } else {
          }
          %iota3A = tpu.iota {dimensions = array<i32: 0>} : vector<16xi32>
          %add3A_161 = arith.constant 0 : i32
          %add3A_162 = vector.broadcast %add3A_161 : i32 to vector<16xi32>
          %add3A_163 = arith.addi %iota3A, %add3A_162 : vector<16xi32>
          %gather3A_164 = arith.constant 0 : i32
          %gather3A_165 = arith.constant 0 : i32
          %gather3A_166 = tpu.memref_slice %arg9[%and3A_103, %gather3A_164, %gather3A_165] : memref<2x64x512xf32, #tpu.memory_space<vmem>> -> memref<1x64x512xf32, #tpu.memory_space<vmem>>
          %gather3A_167 = tpu.memref_squeeze %gather3A_166 : memref<1x64x512xf32, #tpu.memory_space<vmem>> -> memref<64x512xf32, #tpu.memory_space<vmem>>
          %gather3A_168 = arith.constant 0 : i32
          %gather3A_169 = arith.constant 0 : i32
          %gather3A_170 = tpu.memref_slice %gather3A_167[%gather3A_168, %gather3A_169] : memref<64x512xf32, #tpu.memory_space<vmem>> -> memref<64x512xf32, #tpu.memory_space<vmem>>
          %gather3A_171 = tpu.vector_load_idx %gather3A_170[%add3A_163, %sub3A_149] : memref<64x512xf32, #tpu.memory_space<vmem>>[vector<16xi32>, vector<16xi32>], vector<16xf32>,
          %swap3A_172 = arith.index_cast %and3A_156 : i32 to index
          %swap3A_173 = arith.constant 0 : index
          %swap3A_174 = tpu.vector_load %arg13[%swap3A_172, %swap3A_173] {strides = array<i32>} : memref<16x128xf32, #tpu.memory_space<vmem>>, vector<16xf32>,
          tpu.vector_store %arg13[%swap3A_172, %swap3A_173], %gather3A_171 {strides = array<i32>} : memref<16x128xf32, #tpu.memory_space<vmem>>, vector<16xf32>,
          %iota3A_175 = tpu.iota {dimensions = array<i32: 0>} : vector<16xi32>
          %add3A_176 = arith.constant 16 : i32
          %add3A_177 = vector.broadcast %add3A_176 : i32 to vector<16xi32>
          %add3A_178 = arith.addi %iota3A_175, %add3A_177 : vector<16xi32>
          %gather3A_179 = arith.constant 0 : i32
          %gather3A_180 = arith.constant 0 : i32
          %gather3A_181 = tpu.memref_slice %arg9[%and3A_103, %gather3A_179, %gather3A_180] : memref<2x64x512xf32, #tpu.memory_space<vmem>> -> memref<1x64x512xf32, #tpu.memory_space<vmem>>
          %gather3A_182 = tpu.memref_squeeze %gather3A_181 : memref<1x64x512xf32, #tpu.memory_space<vmem>> -> memref<64x512xf32, #tpu.memory_space<vmem>>
          %gather3A_183 = arith.constant 0 : i32
          %gather3A_184 = arith.constant 0 : i32
          %gather3A_185 = tpu.memref_slice %gather3A_182[%gather3A_183, %gather3A_184] : memref<64x512xf32, #tpu.memory_space<vmem>> -> memref<64x512xf32, #tpu.memory_space<vmem>>
          %gather3A_186 = tpu.vector_load_idx %gather3A_185[%add3A_178, %sub3A_149] : memref<64x512xf32, #tpu.memory_space<vmem>>[vector<16xi32>, vector<16xi32>], vector<16xf32>,
          %swap3A_187 = arith.index_cast %and3A_156 : i32 to index
          %swap3A_188 = arith.constant 16 : index
          %swap3A_189 = tpu.vector_load %arg13[%swap3A_187, %swap3A_188] {strides = array<i32>} : memref<16x128xf32, #tpu.memory_space<vmem>>, vector<16xf32>,
          tpu.vector_store %arg13[%swap3A_187, %swap3A_188], %gather3A_186 {strides = array<i32>} : memref<16x128xf32, #tpu.memory_space<vmem>>, vector<16xf32>,
          %iota3A_190 = tpu.iota {dimensions = array<i32: 0>} : vector<16xi32>
          %add3A_191 = arith.constant 32 : i32
          %add3A_192 = vector.broadcast %add3A_191 : i32 to vector<16xi32>
          %add3A_193 = arith.addi %iota3A_190, %add3A_192 : vector<16xi32>
          %gather3A_194 = arith.constant 0 : i32
          %gather3A_195 = arith.constant 0 : i32
          %gather3A_196 = tpu.memref_slice %arg9[%and3A_103, %gather3A_194, %gather3A_195] : memref<2x64x512xf32, #tpu.memory_space<vmem>> -> memref<1x64x512xf32, #tpu.memory_space<vmem>>
          %gather3A_197 = tpu.memref_squeeze %gather3A_196 : memref<1x64x512xf32, #tpu.memory_space<vmem>> -> memref<64x512xf32, #tpu.memory_space<vmem>>
          %gather3A_198 = arith.constant 0 : i32
          %gather3A_199 = arith.constant 0 : i32
          %gather3A_200 = tpu.memref_slice %gather3A_197[%gather3A_198, %gather3A_199] : memref<64x512xf32, #tpu.memory_space<vmem>> -> memref<64x512xf32, #tpu.memory_space<vmem>>
          %gather3A_201 = tpu.vector_load_idx %gather3A_200[%add3A_193, %sub3A_149] : memref<64x512xf32, #tpu.memory_space<vmem>>[vector<16xi32>, vector<16xi32>], vector<16xf32>,
          %swap3A_202 = arith.index_cast %and3A_156 : i32 to index
          %swap3A_203 = arith.constant 32 : index
          %swap3A_204 = tpu.vector_load %arg13[%swap3A_202, %swap3A_203] {strides = array<i32>} : memref<16x128xf32, #tpu.memory_space<vmem>>, vector<16xf32>,
          tpu.vector_store %arg13[%swap3A_202, %swap3A_203], %gather3A_201 {strides = array<i32>} : memref<16x128xf32, #tpu.memory_space<vmem>>, vector<16xf32>,
          %iota3A_205 = tpu.iota {dimensions = array<i32: 0>} : vector<16xi32>
          %add3A_206 = arith.constant 48 : i32
          %add3A_207 = vector.broadcast %add3A_206 : i32 to vector<16xi32>
          %add3A_208 = arith.addi %iota3A_205, %add3A_207 : vector<16xi32>
          %gather3A_209 = arith.constant 0 : i32
          %gather3A_210 = arith.constant 0 : i32
          %gather3A_211 = tpu.memref_slice %arg9[%and3A_103, %gather3A_209, %gather3A_210] : memref<2x64x512xf32, #tpu.memory_space<vmem>> -> memref<1x64x512xf32, #tpu.memory_space<vmem>>
          %gather3A_212 = tpu.memref_squeeze %gather3A_211 : memref<1x64x512xf32, #tpu.memory_space<vmem>> -> memref<64x512xf32, #tpu.memory_space<vmem>>
          %gather3A_213 = arith.constant 0 : i32
          %gather3A_214 = arith.constant 0 : i32
          %gather3A_215 = tpu.memref_slice %gather3A_212[%gather3A_213, %gather3A_214] : memref<64x512xf32, #tpu.memory_space<vmem>> -> memref<64x512xf32, #tpu.memory_space<vmem>>
          %gather3A_216 = tpu.vector_load_idx %gather3A_215[%add3A_208, %sub3A_149] : memref<64x512xf32, #tpu.memory_space<vmem>>[vector<16xi32>, vector<16xi32>], vector<16xf32>,
          %swap3A_217 = arith.index_cast %and3A_156 : i32 to index
          %swap3A_218 = arith.constant 48 : index
          %swap3A_219 = tpu.vector_load %arg13[%swap3A_217, %swap3A_218] {strides = array<i32>} : memref<16x128xf32, #tpu.memory_space<vmem>>, vector<16xf32>,
          tpu.vector_store %arg13[%swap3A_217, %swap3A_218], %gather3A_216 {strides = array<i32>} : memref<16x128xf32, #tpu.memory_space<vmem>>, vector<16xf32>,
          %dma_start3A_220 = arith.constant 0 : i32
          %dma_start3A_221 = tpu.memref_slice %arg13[%and3A_156, %dma_start3A_220] : memref<16x128xf32, #tpu.memory_space<vmem>> -> memref<1x128xf32, #tpu.memory_space<vmem>>
          %dma_start3A_222 = tpu.memref_squeeze %dma_start3A_221 : memref<1x128xf32, #tpu.memory_space<vmem>> -> memref<128xf32, #tpu.memory_space<vmem>>
          %dma_start3A_223 = arith.constant 0 : i32
          %dma_start3A_224 = tpu.memref_slice %arg5[%squeeze3A_154, %dma_start3A_223] : memref<16384x128xf32, #tpu.memory_space<hbm>> -> memref<1x128xf32, #tpu.memory_space<hbm>>
          %dma_start3A_225 = tpu.memref_squeeze %dma_start3A_224 : memref<1x128xf32, #tpu.memory_space<hbm>> -> memref<128xf32, #tpu.memory_space<hbm>>
          %dma_start3A_226 = tpu.memref_slice %arg14[%and3A_156] : memref<16x!tpu.dma_semaphore, #tpu.memory_space<semaphore_mem>> -> memref<1x!tpu.dma_semaphore, #tpu.memory_space<semaphore_mem>>
          %dma_start3A_227 = tpu.memref_squeeze %dma_start3A_226 : memref<1x!tpu.dma_semaphore, #tpu.memory_space<semaphore_mem>> -> memref<!tpu.dma_semaphore, #tpu.memory_space<semaphore_mem>>
          %dma_start3A_228 = arith.constant 0 : i32
          %dma_start3A_229 = tpu.memref_slice %arg5[%squeeze3A_154, %dma_start3A_228] : memref<16384x128xf32, #tpu.memory_space<hbm>> -> memref<1x128xf32, #tpu.memory_space<hbm>>
          %dma_start3A_230 = tpu.memref_squeeze %dma_start3A_229 : memref<1x128xf32, #tpu.memory_space<hbm>> -> memref<128xf32, #tpu.memory_space<hbm>>
          %dma_start3A_231 = arith.constant 0 : i32
          %dma_start3A_232 = tpu.memref_slice %arg13[%and3A_156, %dma_start3A_231] : memref<16x128xf32, #tpu.memory_space<vmem>> -> memref<1x128xf32, #tpu.memory_space<vmem>>
          %dma_start3A_233 = tpu.memref_squeeze %dma_start3A_232 : memref<1x128xf32, #tpu.memory_space<vmem>> -> memref<128xf32, #tpu.memory_space<vmem>>
          tpu.enqueue_dma source(%dma_start3A_233 : memref<128xf32, #tpu.memory_space<vmem>>) target(%dma_start3A_230 : memref<128xf32, #tpu.memory_space<hbm>>) target_semaphore(%dma_start3A_227 : memref<!tpu.dma_semaphore, #tpu.memory_space<semaphore_mem>>)
          %add3A_234 = arith.constant 1 : i32
          %add3A_235 = arith.addi %while3A_144, %add3A_234 : i32
          scf.yield %add3A_235 : i32
        }
        %while3A_141 = arith.constant 1 : i32
        %while3A_142 = scf.for %while3A_143 = %while3A_138 to %while3A_134 step %while3A_141 iter_args(%while3A_144 = %while3A_140) -> (i32)  : i32 {
          %broadcast_in_dim3A_145 = vector.broadcast %while3A_143 : i32 to vector<16xi32>
          %gather3A = arith.constant 0 : i32
          %gather3A_146 = tpu.memref_slice %arg11[%gather3A] : memref<16xi32, #tpu.memory_space<vmem>> -> memref<16xi32, #tpu.memory_space<vmem>>
          %gather3A_147 = tpu.vector_load_idx %gather3A_146[%broadcast_in_dim3A_145] : memref<16xi32, #tpu.memory_space<vmem>>[vector<16xi32>], vector<16xi32>,
          %sub3A_148 = vector.broadcast %mul3A_101 : i32 to vector<16xi32>
          %sub3A_149 = arith.subi %gather3A_147, %sub3A_148 : vector<16xi32>
          %gather3A_150 = arith.constant 0 : i32
          %gather3A_151 = tpu.memref_slice %arg12[%gather3A_150] : memref<16xi32, #tpu.memory_space<vmem>> -> memref<16xi32, #tpu.memory_space<vmem>>
          %gather3A_152 = tpu.vector_load_idx %gather3A_151[%broadcast_in_dim3A_145] : memref<16xi32, #tpu.memory_space<vmem>>[vector<16xi32>], vector<16xi32>,
          %slice3A_153 = vector.extract_strided_slice %gather3A_152 {offsets = [0], sizes = [1], strides = [1]} : vector<16xi32> to vector<1xi32>
          %squeeze3A_154 = vector.extract %slice3A_153[0] : i32 from vector<1xi32>
          %and3A_155 = arith.constant 15 : i32
          %and3A_156 = arith.andi %while3A_144, %and3A_155 : i32
          %ge3A = arith.constant 16 : i32
          %ge3A_157 = arith.cmpi sge, %while3A_144, %ge3A : i32
          %convert_element_type3A_158 = arith.extui %ge3A_157 : i1 to i32
          %cond3A_159 = arith.constant 0 : i32
          %cond3A_160 = arith.cmpi ne, %convert_element_type3A_158, %cond3A_159 : i32
          scf.if %cond3A_160 {
            %dma_wait3A_236 = arith.constant 0 : i32
            %dma_wait3A_237 = arith.constant 0 : i32
            %dma_wait3A_238 = arith.constant 0 : i32
            %dma_wait3A_239 = tpu.memref_slice %arg13[%dma_wait3A_237, %dma_wait3A_238] : memref<16x128xf32, #tpu.memory_space<vmem>> -> memref<1x128xf32, #tpu.memory_space<vmem>>
            %dma_wait3A_240 = tpu.memref_squeeze %dma_wait3A_239 : memref<1x128xf32, #tpu.memory_space<vmem>> -> memref<128xf32, #tpu.memory_space<vmem>>
            %dma_wait3A_241 = arith.constant 0 : i32
            %dma_wait3A_242 = tpu.memref_slice %arg5[%dma_wait3A_236, %dma_wait3A_241] : memref<16384x128xf32, #tpu.memory_space<hbm>> -> memref<1x128xf32, #tpu.memory_space<hbm>>
            %dma_wait3A_243 = tpu.memref_squeeze %dma_wait3A_242 : memref<1x128xf32, #tpu.memory_space<hbm>> -> memref<128xf32, #tpu.memory_space<hbm>>
            %dma_wait3A_244 = tpu.memref_slice %arg14[%and3A_156] : memref<16x!tpu.dma_semaphore, #tpu.memory_space<semaphore_mem>> -> memref<1x!tpu.dma_semaphore, #tpu.memory_space<semaphore_mem>>
            %dma_wait3A_245 = tpu.memref_squeeze %dma_wait3A_244 : memref<1x!tpu.dma_semaphore, #tpu.memory_space<semaphore_mem>> -> memref<!tpu.dma_semaphore, #tpu.memory_space<semaphore_mem>>
            %dma_wait3A_246 = arith.constant 0 : i32
            %dma_wait3A_247 = tpu.memref_slice %arg13[%dma_wait3A_237, %dma_wait3A_246] : memref<16x128xf32, #tpu.memory_space<vmem>> -> memref<1x128xf32, #tpu.memory_space<vmem>>
            %dma_wait3A_248 = tpu.memref_squeeze %dma_wait3A_247 : memref<1x128xf32, #tpu.memory_space<vmem>> -> memref<128xf32, #tpu.memory_space<vmem>>
            %dma_wait3A_249 = arith.constant 0 : i32
            %dma_wait3A_250 = tpu.memref_slice %arg5[%dma_wait3A_236, %dma_wait3A_249] : memref<16384x128xf32, #tpu.memory_space<hbm>> -> memref<1x128xf32, #tpu.memory_space<hbm>>
            %dma_wait3A_251 = tpu.memref_squeeze %dma_wait3A_250 : memref<1x128xf32, #tpu.memory_space<hbm>> -> memref<128xf32, #tpu.memory_space<hbm>>
            tpu.wait_dma2 semaphore(%dma_wait3A_245 : memref<!tpu.dma_semaphore, #tpu.memory_space<semaphore_mem>>) src(%dma_wait3A_251 : memref<128xf32, #tpu.memory_space<hbm>>) dst(%dma_wait3A_248 : memref<128xf32, #tpu.memory_space<vmem>>)
          } else {
          }
          %iota3A = tpu.iota {dimensions = array<i32: 0>} : vector<16xi32>
          %add3A_161 = arith.constant 0 : i32
          %add3A_162 = vector.broadcast %add3A_161 : i32 to vector<16xi32>
          %add3A_163 = arith.addi %iota3A, %add3A_162 : vector<16xi32>
          %gather3A_164 = arith.constant 0 : i32
          %gather3A_165 = arith.constant 0 : i32
          %gather3A_166 = tpu.memref_slice %arg9[%and3A_103, %gather3A_164, %gather3A_165] : memref<2x64x512xf32, #tpu.memory_space<vmem>> -> memref<1x64x512xf32, #tpu.memory_space<vmem>>
          %gather3A_167 = tpu.memref_squeeze %gather3A_166 : memref<1x64x512xf32, #tpu.memory_space<vmem>> -> memref<64x512xf32, #tpu.memory_space<vmem>>
          %gather3A_168 = arith.constant 0 : i32
          %gather3A_169 = arith.constant 0 : i32
          %gather3A_170 = tpu.memref_slice %gather3A_167[%gather3A_168, %gather3A_169] : memref<64x512xf32, #tpu.memory_space<vmem>> -> memref<64x512xf32, #tpu.memory_space<vmem>>
          %gather3A_171 = tpu.vector_load_idx %gather3A_170[%add3A_163, %sub3A_149] : memref<64x512xf32, #tpu.memory_space<vmem>>[vector<16xi32>, vector<16xi32>], vector<16xf32>,
          %swap3A_172 = arith.index_cast %and3A_156 : i32 to index
          %swap3A_173 = arith.constant 0 : index
          %swap3A_174 = tpu.vector_load %arg13[%swap3A_172, %swap3A_173] {strides = array<i32>} : memref<16x128xf32, #tpu.memory_space<vmem>>, vector<16xf32>,
          tpu.vector_store %arg13[%swap3A_172, %swap3A_173], %gather3A_171 {strides = array<i32>} : memref<16x128xf32, #tpu.memory_space<vmem>>, vector<16xf32>,
          %iota3A_175 = tpu.iota {dimensions = array<i32: 0>} : vector<16xi32>
          %add3A_176 = arith.constant 16 : i32
          %add3A_177 = vector.broadcast %add3A_176 : i32 to vector<16xi32>
          %add3A_178 = arith.addi %iota3A_175, %add3A_177 : vector<16xi32>
          %gather3A_179 = arith.constant 0 : i32
          %gather3A_180 = arith.constant 0 : i32
          %gather3A_181 = tpu.memref_slice %arg9[%and3A_103, %gather3A_179, %gather3A_180] : memref<2x64x512xf32, #tpu.memory_space<vmem>> -> memref<1x64x512xf32, #tpu.memory_space<vmem>>
          %gather3A_182 = tpu.memref_squeeze %gather3A_181 : memref<1x64x512xf32, #tpu.memory_space<vmem>> -> memref<64x512xf32, #tpu.memory_space<vmem>>
          %gather3A_183 = arith.constant 0 : i32
          %gather3A_184 = arith.constant 0 : i32
          %gather3A_185 = tpu.memref_slice %gather3A_182[%gather3A_183, %gather3A_184] : memref<64x512xf32, #tpu.memory_space<vmem>> -> memref<64x512xf32, #tpu.memory_space<vmem>>
          %gather3A_186 = tpu.vector_load_idx %gather3A_185[%add3A_178, %sub3A_149] : memref<64x512xf32, #tpu.memory_space<vmem>>[vector<16xi32>, vector<16xi32>], vector<16xf32>,
          %swap3A_187 = arith.index_cast %and3A_156 : i32 to index
          %swap3A_188 = arith.constant 16 : index
          %swap3A_189 = tpu.vector_load %arg13[%swap3A_187, %swap3A_188] {strides = array<i32>} : memref<16x128xf32, #tpu.memory_space<vmem>>, vector<16xf32>,
          tpu.vector_store %arg13[%swap3A_187, %swap3A_188], %gather3A_186 {strides = array<i32>} : memref<16x128xf32, #tpu.memory_space<vmem>>, vector<16xf32>,
          %iota3A_190 = tpu.iota {dimensions = array<i32: 0>} : vector<16xi32>
          %add3A_191 = arith.constant 32 : i32
          %add3A_192 = vector.broadcast %add3A_191 : i32 to vector<16xi32>
          %add3A_193 = arith.addi %iota3A_190, %add3A_192 : vector<16xi32>
          %gather3A_194 = arith.constant 0 : i32
          %gather3A_195 = arith.constant 0 : i32
          %gather3A_196 = tpu.memref_slice %arg9[%and3A_103, %gather3A_194, %gather3A_195] : memref<2x64x512xf32, #tpu.memory_space<vmem>> -> memref<1x64x512xf32, #tpu.memory_space<vmem>>
          %gather3A_197 = tpu.memref_squeeze %gather3A_196 : memref<1x64x512xf32, #tpu.memory_space<vmem>> -> memref<64x512xf32, #tpu.memory_space<vmem>>
          %gather3A_198 = arith.constant 0 : i32
          %gather3A_199 = arith.constant 0 : i32
          %gather3A_200 = tpu.memref_slice %gather3A_197[%gather3A_198, %gather3A_199] : memref<64x512xf32, #tpu.memory_space<vmem>> -> memref<64x512xf32, #tpu.memory_space<vmem>>
          %gather3A_201 = tpu.vector_load_idx %gather3A_200[%add3A_193, %sub3A_149] : memref<64x512xf32, #tpu.memory_space<vmem>>[vector<16xi32>, vector<16xi32>], vector<16xf32>,
          %swap3A_202 = arith.index_cast %and3A_156 : i32 to index
          %swap3A_203 = arith.constant 32 : index
          %swap3A_204 = tpu.vector_load %arg13[%swap3A_202, %swap3A_203] {strides = array<i32>} : memref<16x128xf32, #tpu.memory_space<vmem>>, vector<16xf32>,
          tpu.vector_store %arg13[%swap3A_202, %swap3A_203], %gather3A_201 {strides = array<i32>} : memref<16x128xf32, #tpu.memory_space<vmem>>, vector<16xf32>,
          %iota3A_205 = tpu.iota {dimensions = array<i32: 0>} : vector<16xi32>
          %add3A_206 = arith.constant 48 : i32
          %add3A_207 = vector.broadcast %add3A_206 : i32 to vector<16xi32>
          %add3A_208 = arith.addi %iota3A_205, %add3A_207 : vector<16xi32>
          %gather3A_209 = arith.constant 0 : i32
          %gather3A_210 = arith.constant 0 : i32
          %gather3A_211 = tpu.memref_slice %arg9[%and3A_103, %gather3A_209, %gather3A_210] : memref<2x64x512xf32, #tpu.memory_space<vmem>> -> memref<1x64x512xf32, #tpu.memory_space<vmem>>
          %gather3A_212 = tpu.memref_squeeze %gather3A_211 : memref<1x64x512xf32, #tpu.memory_space<vmem>> -> memref<64x512xf32, #tpu.memory_space<vmem>>
          %gather3A_213 = arith.constant 0 : i32
          %gather3A_214 = arith.constant 0 : i32
          %gather3A_215 = tpu.memref_slice %gather3A_212[%gather3A_213, %gather3A_214] : memref<64x512xf32, #tpu.memory_space<vmem>> -> memref<64x512xf32, #tpu.memory_space<vmem>>
          %gather3A_216 = tpu.vector_load_idx %gather3A_215[%add3A_208, %sub3A_149] : memref<64x512xf32, #tpu.memory_space<vmem>>[vector<16xi32>, vector<16xi32>], vector<16xf32>,
          %swap3A_217 = arith.index_cast %and3A_156 : i32 to index
          %swap3A_218 = arith.constant 48 : index
          %swap3A_219 = tpu.vector_load %arg13[%swap3A_217, %swap3A_218] {strides = array<i32>} : memref<16x128xf32, #tpu.memory_space<vmem>>, vector<16xf32>,
          tpu.vector_store %arg13[%swap3A_217, %swap3A_218], %gather3A_216 {strides = array<i32>} : memref<16x128xf32, #tpu.memory_space<vmem>>, vector<16xf32>,
          %dma_start3A_220 = arith.constant 0 : i32
          %dma_start3A_221 = tpu.memref_slice %arg13[%and3A_156, %dma_start3A_220] : memref<16x128xf32, #tpu.memory_space<vmem>> -> memref<1x128xf32, #tpu.memory_space<vmem>>
          %dma_start3A_222 = tpu.memref_squeeze %dma_start3A_221 : memref<1x128xf32, #tpu.memory_space<vmem>> -> memref<128xf32, #tpu.memory_space<vmem>>
          %dma_start3A_223 = arith.constant 0 : i32
          %dma_start3A_224 = tpu.memref_slice %arg5[%squeeze3A_154, %dma_start3A_223] : memref<16384x128xf32, #tpu.memory_space<hbm>> -> memref<1x128xf32, #tpu.memory_space<hbm>>
          %dma_start3A_225 = tpu.memref_squeeze %dma_start3A_224 : memref<1x128xf32, #tpu.memory_space<hbm>> -> memref<128xf32, #tpu.memory_space<hbm>>
          %dma_start3A_226 = tpu.memref_slice %arg14[%and3A_156] : memref<16x!tpu.dma_semaphore, #tpu.memory_space<semaphore_mem>> -> memref<1x!tpu.dma_semaphore, #tpu.memory_space<semaphore_mem>>
          %dma_start3A_227 = tpu.memref_squeeze %dma_start3A_226 : memref<1x!tpu.dma_semaphore, #tpu.memory_space<semaphore_mem>> -> memref<!tpu.dma_semaphore, #tpu.memory_space<semaphore_mem>>
          %dma_start3A_228 = arith.constant 0 : i32
          %dma_start3A_229 = tpu.memref_slice %arg5[%squeeze3A_154, %dma_start3A_228] : memref<16384x128xf32, #tpu.memory_space<hbm>> -> memref<1x128xf32, #tpu.memory_space<hbm>>
          %dma_start3A_230 = tpu.memref_squeeze %dma_start3A_229 : memref<1x128xf32, #tpu.memory_space<hbm>> -> memref<128xf32, #tpu.memory_space<hbm>>
          %dma_start3A_231 = arith.constant 0 : i32
          %dma_start3A_232 = tpu.memref_slice %arg13[%and3A_156, %dma_start3A_231] : memref<16x128xf32, #tpu.memory_space<vmem>> -> memref<1x128xf32, #tpu.memory_space<vmem>>
          %dma_start3A_233 = tpu.memref_squeeze %dma_start3A_232 : memref<1x128xf32, #tpu.memory_space<vmem>> -> memref<128xf32, #tpu.memory_space<vmem>>
          tpu.enqueue_dma source(%dma_start3A_233 : memref<128xf32, #tpu.memory_space<vmem>>) target(%dma_start3A_230 : memref<128xf32, #tpu.memory_space<hbm>>) target_semaphore(%dma_start3A_227 : memref<!tpu.dma_semaphore, #tpu.memory_space<semaphore_mem>>)
          %add3A_234 = arith.constant 1 : i32
          %add3A_235 = arith.addi %while3A_144, %add3A_234 : i32
          scf.yield %add3A_235 : i32
        }
        scf.yield %while3A_142 : i32
      }
      %while3A_113 = arith.constant 1 : i32
      %while3A_114 = scf.for %while3A_115 = %while3A_110 to %while3A_106 step %while3A_113 iter_args(%while3A_116 = %while3A_112) -> (i32)  : i32 {
        %mul3A_117 = arith.constant 16 : i32
        %mul3A_118 = arith.muli %while3A_115, %mul3A_117 : i32
        %get3A = arith.index_cast %mul3A_118 : i32 to index
        %get3A_119 = tpu.vector_load %arg6[%get3A] {strides = array<i32>} : memref<16416xi32, #tpu.memory_space<vmem>>, vector<16xi32>,
        %mul3A_120 = arith.constant 16 : i32
        %mul3A_121 = arith.muli %while3A_115, %mul3A_120 : i32
        %get3A_122 = arith.index_cast %mul3A_121 : i32 to index
        %get3A_123 = tpu.vector_load %arg7[%get3A_122] {strides = array<i32>} : memref<16416xi32, #tpu.memory_space<vmem>>, vector<16xi32>,
        %shift_right_arithmetic3A = arith.constant 9 : i32
        %shift_right_arithmetic3A_124 = vector.broadcast %shift_right_arithmetic3A : i32 to vector<16xi32>
        %shift_right_arithmetic3A_125 = arith.shrsi %get3A_119, %shift_right_arithmetic3A_124 : vector<16xi32>
        %eq3A_126 = vector.broadcast %add3A_99 : i32 to vector<16xi32>
        %eq3A_127 = arith.cmpi eq, %shift_right_arithmetic3A_125, %eq3A_126 : vector<16xi32>
        %all_reduce_population_count3A = tpu.all_reduce %eq3A_127 {dim = 0 : i64, kind = #tpu.reduction_kind<sum>} : vector<16xi1> -> vector<16xi32>
        %slice3A = vector.extract_strided_slice %all_reduce_population_count3A {offsets = [0], sizes = [1], strides = [1]} : vector<16xi32> to vector<1xi32>
        %squeeze3A = vector.extract %slice3A[0] : i32 from vector<1xi32>
        %swap3A_128 = arith.constant 0 : index
        %swap3A_129 = tpu.vector_load %arg11[%swap3A_128] masked %eq3A_127 {strides = array<i32>} : memref<16xi32, #tpu.memory_space<vmem>>, vector<16xi32>, vector<16xi1>
        tpu.vector_store %arg11[%swap3A_128], %get3A_119 masked %eq3A_127 {strides = array<i32>} : memref<16xi32, #tpu.memory_space<vmem>>, vector<16xi32>, vector<16xi1>
        %swap3A_130 = arith.constant 0 : index
        %swap3A_131 = tpu.vector_load %arg12[%swap3A_130] masked %eq3A_127 {strides = array<i32>} : memref<16xi32, #tpu.memory_space<vmem>>, vector<16xi32>, vector<16xi1>
        tpu.vector_store %arg12[%swap3A_130], %get3A_123 masked %eq3A_127 {strides = array<i32>} : memref<16xi32, #tpu.memory_space<vmem>>, vector<16xi32>, vector<16xi1>
        %while3A_132 = arith.constant 0 : i32
        %while3A_133 = arith.subi %squeeze3A, %while3A_132 : i32
        %while3A_134 = arith.addi %while3A_132, %while3A_133 : i32
        %while3A_135 = arith.constant 1 : i32
        %while3A_136 = arith.divsi %while3A_133, %while3A_135 : i32
        %while3A_137 = arith.muli %while3A_136, %while3A_135 : i32
        %while3A_138 = arith.addi %while3A_132, %while3A_137 : i32
        %while3A_139 = arith.constant 1 : i32
        %while3A_140 = scf.for %while3A_143 = %while3A_132 to %while3A_138 step %while3A_139 iter_args(%while3A_144 = %while3A_116) -> (i32)  : i32 {
          %broadcast_in_dim3A_145 = vector.broadcast %while3A_143 : i32 to vector<16xi32>
          %gather3A = arith.constant 0 : i32
          %gather3A_146 = tpu.memref_slice %arg11[%gather3A] : memref<16xi32, #tpu.memory_space<vmem>> -> memref<16xi32, #tpu.memory_space<vmem>>
          %gather3A_147 = tpu.vector_load_idx %gather3A_146[%broadcast_in_dim3A_145] : memref<16xi32, #tpu.memory_space<vmem>>[vector<16xi32>], vector<16xi32>,
          %sub3A_148 = vector.broadcast %mul3A_101 : i32 to vector<16xi32>
          %sub3A_149 = arith.subi %gather3A_147, %sub3A_148 : vector<16xi32>
          %gather3A_150 = arith.constant 0 : i32
          %gather3A_151 = tpu.memref_slice %arg12[%gather3A_150] : memref<16xi32, #tpu.memory_space<vmem>> -> memref<16xi32, #tpu.memory_space<vmem>>
          %gather3A_152 = tpu.vector_load_idx %gather3A_151[%broadcast_in_dim3A_145] : memref<16xi32, #tpu.memory_space<vmem>>[vector<16xi32>], vector<16xi32>,
          %slice3A_153 = vector.extract_strided_slice %gather3A_152 {offsets = [0], sizes = [1], strides = [1]} : vector<16xi32> to vector<1xi32>
          %squeeze3A_154 = vector.extract %slice3A_153[0] : i32 from vector<1xi32>
          %and3A_155 = arith.constant 15 : i32
          %and3A_156 = arith.andi %while3A_144, %and3A_155 : i32
          %ge3A = arith.constant 16 : i32
          %ge3A_157 = arith.cmpi sge, %while3A_144, %ge3A : i32
          %convert_element_type3A_158 = arith.extui %ge3A_157 : i1 to i32
          %cond3A_159 = arith.constant 0 : i32
          %cond3A_160 = arith.cmpi ne, %convert_element_type3A_158, %cond3A_159 : i32
          scf.if %cond3A_160 {
            %dma_wait3A_236 = arith.constant 0 : i32
            %dma_wait3A_237 = arith.constant 0 : i32
            %dma_wait3A_238 = arith.constant 0 : i32
            %dma_wait3A_239 = tpu.memref_slice %arg13[%dma_wait3A_237, %dma_wait3A_238] : memref<16x128xf32, #tpu.memory_space<vmem>> -> memref<1x128xf32, #tpu.memory_space<vmem>>
            %dma_wait3A_240 = tpu.memref_squeeze %dma_wait3A_239 : memref<1x128xf32, #tpu.memory_space<vmem>> -> memref<128xf32, #tpu.memory_space<vmem>>
            %dma_wait3A_241 = arith.constant 0 : i32
            %dma_wait3A_242 = tpu.memref_slice %arg5[%dma_wait3A_236, %dma_wait3A_241] : memref<16384x128xf32, #tpu.memory_space<hbm>> -> memref<1x128xf32, #tpu.memory_space<hbm>>
            %dma_wait3A_243 = tpu.memref_squeeze %dma_wait3A_242 : memref<1x128xf32, #tpu.memory_space<hbm>> -> memref<128xf32, #tpu.memory_space<hbm>>
            %dma_wait3A_244 = tpu.memref_slice %arg14[%and3A_156] : memref<16x!tpu.dma_semaphore, #tpu.memory_space<semaphore_mem>> -> memref<1x!tpu.dma_semaphore, #tpu.memory_space<semaphore_mem>>
            %dma_wait3A_245 = tpu.memref_squeeze %dma_wait3A_244 : memref<1x!tpu.dma_semaphore, #tpu.memory_space<semaphore_mem>> -> memref<!tpu.dma_semaphore, #tpu.memory_space<semaphore_mem>>
            %dma_wait3A_246 = arith.constant 0 : i32
            %dma_wait3A_247 = tpu.memref_slice %arg13[%dma_wait3A_237, %dma_wait3A_246] : memref<16x128xf32, #tpu.memory_space<vmem>> -> memref<1x128xf32, #tpu.memory_space<vmem>>
            %dma_wait3A_248 = tpu.memref_squeeze %dma_wait3A_247 : memref<1x128xf32, #tpu.memory_space<vmem>> -> memref<128xf32, #tpu.memory_space<vmem>>
            %dma_wait3A_249 = arith.constant 0 : i32
            %dma_wait3A_250 = tpu.memref_slice %arg5[%dma_wait3A_236, %dma_wait3A_249] : memref<16384x128xf32, #tpu.memory_space<hbm>> -> memref<1x128xf32, #tpu.memory_space<hbm>>
            %dma_wait3A_251 = tpu.memref_squeeze %dma_wait3A_250 : memref<1x128xf32, #tpu.memory_space<hbm>> -> memref<128xf32, #tpu.memory_space<hbm>>
            tpu.wait_dma2 semaphore(%dma_wait3A_245 : memref<!tpu.dma_semaphore, #tpu.memory_space<semaphore_mem>>) src(%dma_wait3A_251 : memref<128xf32, #tpu.memory_space<hbm>>) dst(%dma_wait3A_248 : memref<128xf32, #tpu.memory_space<vmem>>)
          } else {
          }
          %iota3A = tpu.iota {dimensions = array<i32: 0>} : vector<16xi32>
          %add3A_161 = arith.constant 0 : i32
          %add3A_162 = vector.broadcast %add3A_161 : i32 to vector<16xi32>
          %add3A_163 = arith.addi %iota3A, %add3A_162 : vector<16xi32>
          %gather3A_164 = arith.constant 0 : i32
          %gather3A_165 = arith.constant 0 : i32
          %gather3A_166 = tpu.memref_slice %arg9[%and3A_103, %gather3A_164, %gather3A_165] : memref<2x64x512xf32, #tpu.memory_space<vmem>> -> memref<1x64x512xf32, #tpu.memory_space<vmem>>
          %gather3A_167 = tpu.memref_squeeze %gather3A_166 : memref<1x64x512xf32, #tpu.memory_space<vmem>> -> memref<64x512xf32, #tpu.memory_space<vmem>>
          %gather3A_168 = arith.constant 0 : i32
          %gather3A_169 = arith.constant 0 : i32
          %gather3A_170 = tpu.memref_slice %gather3A_167[%gather3A_168, %gather3A_169] : memref<64x512xf32, #tpu.memory_space<vmem>> -> memref<64x512xf32, #tpu.memory_space<vmem>>
          %gather3A_171 = tpu.vector_load_idx %gather3A_170[%add3A_163, %sub3A_149] : memref<64x512xf32, #tpu.memory_space<vmem>>[vector<16xi32>, vector<16xi32>], vector<16xf32>,
          %swap3A_172 = arith.index_cast %and3A_156 : i32 to index
          %swap3A_173 = arith.constant 0 : index
          %swap3A_174 = tpu.vector_load %arg13[%swap3A_172, %swap3A_173] {strides = array<i32>} : memref<16x128xf32, #tpu.memory_space<vmem>>, vector<16xf32>,
          tpu.vector_store %arg13[%swap3A_172, %swap3A_173], %gather3A_171 {strides = array<i32>} : memref<16x128xf32, #tpu.memory_space<vmem>>, vector<16xf32>,
          %iota3A_175 = tpu.iota {dimensions = array<i32: 0>} : vector<16xi32>
          %add3A_176 = arith.constant 16 : i32
          %add3A_177 = vector.broadcast %add3A_176 : i32 to vector<16xi32>
          %add3A_178 = arith.addi %iota3A_175, %add3A_177 : vector<16xi32>
          %gather3A_179 = arith.constant 0 : i32
          %gather3A_180 = arith.constant 0 : i32
          %gather3A_181 = tpu.memref_slice %arg9[%and3A_103, %gather3A_179, %gather3A_180] : memref<2x64x512xf32, #tpu.memory_space<vmem>> -> memref<1x64x512xf32, #tpu.memory_space<vmem>>
          %gather3A_182 = tpu.memref_squeeze %gather3A_181 : memref<1x64x512xf32, #tpu.memory_space<vmem>> -> memref<64x512xf32, #tpu.memory_space<vmem>>
          %gather3A_183 = arith.constant 0 : i32
          %gather3A_184 = arith.constant 0 : i32
          %gather3A_185 = tpu.memref_slice %gather3A_182[%gather3A_183, %gather3A_184] : memref<64x512xf32, #tpu.memory_space<vmem>> -> memref<64x512xf32, #tpu.memory_space<vmem>>
          %gather3A_186 = tpu.vector_load_idx %gather3A_185[%add3A_178, %sub3A_149] : memref<64x512xf32, #tpu.memory_space<vmem>>[vector<16xi32>, vector<16xi32>], vector<16xf32>,
          %swap3A_187 = arith.index_cast %and3A_156 : i32 to index
          %swap3A_188 = arith.constant 16 : index
          %swap3A_189 = tpu.vector_load %arg13[%swap3A_187, %swap3A_188] {strides = array<i32>} : memref<16x128xf32, #tpu.memory_space<vmem>>, vector<16xf32>,
          tpu.vector_store %arg13[%swap3A_187, %swap3A_188], %gather3A_186 {strides = array<i32>} : memref<16x128xf32, #tpu.memory_space<vmem>>, vector<16xf32>,
          %iota3A_190 = tpu.iota {dimensions = array<i32: 0>} : vector<16xi32>
          %add3A_191 = arith.constant 32 : i32
          %add3A_192 = vector.broadcast %add3A_191 : i32 to vector<16xi32>
          %add3A_193 = arith.addi %iota3A_190, %add3A_192 : vector<16xi32>
          %gather3A_194 = arith.constant 0 : i32
          %gather3A_195 = arith.constant 0 : i32
          %gather3A_196 = tpu.memref_slice %arg9[%and3A_103, %gather3A_194, %gather3A_195] : memref<2x64x512xf32, #tpu.memory_space<vmem>> -> memref<1x64x512xf32, #tpu.memory_space<vmem>>
          %gather3A_197 = tpu.memref_squeeze %gather3A_196 : memref<1x64x512xf32, #tpu.memory_space<vmem>> -> memref<64x512xf32, #tpu.memory_space<vmem>>
          %gather3A_198 = arith.constant 0 : i32
          %gather3A_199 = arith.constant 0 : i32
          %gather3A_200 = tpu.memref_slice %gather3A_197[%gather3A_198, %gather3A_199] : memref<64x512xf32, #tpu.memory_space<vmem>> -> memref<64x512xf32, #tpu.memory_space<vmem>>
          %gather3A_201 = tpu.vector_load_idx %gather3A_200[%add3A_193, %sub3A_149] : memref<64x512xf32, #tpu.memory_space<vmem>>[vector<16xi32>, vector<16xi32>], vector<16xf32>,
          %swap3A_202 = arith.index_cast %and3A_156 : i32 to index
          %swap3A_203 = arith.constant 32 : index
          %swap3A_204 = tpu.vector_load %arg13[%swap3A_202, %swap3A_203] {strides = array<i32>} : memref<16x128xf32, #tpu.memory_space<vmem>>, vector<16xf32>,
          tpu.vector_store %arg13[%swap3A_202, %swap3A_203], %gather3A_201 {strides = array<i32>} : memref<16x128xf32, #tpu.memory_space<vmem>>, vector<16xf32>,
          %iota3A_205 = tpu.iota {dimensions = array<i32: 0>} : vector<16xi32>
          %add3A_206 = arith.constant 48 : i32
          %add3A_207 = vector.broadcast %add3A_206 : i32 to vector<16xi32>
          %add3A_208 = arith.addi %iota3A_205, %add3A_207 : vector<16xi32>
          %gather3A_209 = arith.constant 0 : i32
          %gather3A_210 = arith.constant 0 : i32
          %gather3A_211 = tpu.memref_slice %arg9[%and3A_103, %gather3A_209, %gather3A_210] : memref<2x64x512xf32, #tpu.memory_space<vmem>> -> memref<1x64x512xf32, #tpu.memory_space<vmem>>
          %gather3A_212 = tpu.memref_squeeze %gather3A_211 : memref<1x64x512xf32, #tpu.memory_space<vmem>> -> memref<64x512xf32, #tpu.memory_space<vmem>>
          %gather3A_213 = arith.constant 0 : i32
          %gather3A_214 = arith.constant 0 : i32
          %gather3A_215 = tpu.memref_slice %gather3A_212[%gather3A_213, %gather3A_214] : memref<64x512xf32, #tpu.memory_space<vmem>> -> memref<64x512xf32, #tpu.memory_space<vmem>>
          %gather3A_216 = tpu.vector_load_idx %gather3A_215[%add3A_208, %sub3A_149] : memref<64x512xf32, #tpu.memory_space<vmem>>[vector<16xi32>, vector<16xi32>], vector<16xf32>,
          %swap3A_217 = arith.index_cast %and3A_156 : i32 to index
          %swap3A_218 = arith.constant 48 : index
          %swap3A_219 = tpu.vector_load %arg13[%swap3A_217, %swap3A_218] {strides = array<i32>} : memref<16x128xf32, #tpu.memory_space<vmem>>, vector<16xf32>,
          tpu.vector_store %arg13[%swap3A_217, %swap3A_218], %gather3A_216 {strides = array<i32>} : memref<16x128xf32, #tpu.memory_space<vmem>>, vector<16xf32>,
          %dma_start3A_220 = arith.constant 0 : i32
          %dma_start3A_221 = tpu.memref_slice %arg13[%and3A_156, %dma_start3A_220] : memref<16x128xf32, #tpu.memory_space<vmem>> -> memref<1x128xf32, #tpu.memory_space<vmem>>
          %dma_start3A_222 = tpu.memref_squeeze %dma_start3A_221 : memref<1x128xf32, #tpu.memory_space<vmem>> -> memref<128xf32, #tpu.memory_space<vmem>>
          %dma_start3A_223 = arith.constant 0 : i32
          %dma_start3A_224 = tpu.memref_slice %arg5[%squeeze3A_154, %dma_start3A_223] : memref<16384x128xf32, #tpu.memory_space<hbm>> -> memref<1x128xf32, #tpu.memory_space<hbm>>
          %dma_start3A_225 = tpu.memref_squeeze %dma_start3A_224 : memref<1x128xf32, #tpu.memory_space<hbm>> -> memref<128xf32, #tpu.memory_space<hbm>>
          %dma_start3A_226 = tpu.memref_slice %arg14[%and3A_156] : memref<16x!tpu.dma_semaphore, #tpu.memory_space<semaphore_mem>> -> memref<1x!tpu.dma_semaphore, #tpu.memory_space<semaphore_mem>>
          %dma_start3A_227 = tpu.memref_squeeze %dma_start3A_226 : memref<1x!tpu.dma_semaphore, #tpu.memory_space<semaphore_mem>> -> memref<!tpu.dma_semaphore, #tpu.memory_space<semaphore_mem>>
          %dma_start3A_228 = arith.constant 0 : i32
          %dma_start3A_229 = tpu.memref_slice %arg5[%squeeze3A_154, %dma_start3A_228] : memref<16384x128xf32, #tpu.memory_space<hbm>> -> memref<1x128xf32, #tpu.memory_space<hbm>>
          %dma_start3A_230 = tpu.memref_squeeze %dma_start3A_229 : memref<1x128xf32, #tpu.memory_space<hbm>> -> memref<128xf32, #tpu.memory_space<hbm>>
          %dma_start3A_231 = arith.constant 0 : i32
          %dma_start3A_232 = tpu.memref_slice %arg13[%and3A_156, %dma_start3A_231] : memref<16x128xf32, #tpu.memory_space<vmem>> -> memref<1x128xf32, #tpu.memory_space<vmem>>
          %dma_start3A_233 = tpu.memref_squeeze %dma_start3A_232 : memref<1x128xf32, #tpu.memory_space<vmem>> -> memref<128xf32, #tpu.memory_space<vmem>>
          tpu.enqueue_dma source(%dma_start3A_233 : memref<128xf32, #tpu.memory_space<vmem>>) target(%dma_start3A_230 : memref<128xf32, #tpu.memory_space<hbm>>) target_semaphore(%dma_start3A_227 : memref<!tpu.dma_semaphore, #tpu.memory_space<semaphore_mem>>)
          %add3A_234 = arith.constant 1 : i32
          %add3A_235 = arith.addi %while3A_144, %add3A_234 : i32
          scf.yield %add3A_235 : i32
        }
        %while3A_141 = arith.constant 1 : i32
        %while3A_142 = scf.for %while3A_143 = %while3A_138 to %while3A_134 step %while3A_141 iter_args(%while3A_144 = %while3A_140) -> (i32)  : i32 {
          %broadcast_in_dim3A_145 = vector.broadcast %while3A_143 : i32 to vector<16xi32>
          %gather3A = arith.constant 0 : i32
          %gather3A_146 = tpu.memref_slice %arg11[%gather3A] : memref<16xi32, #tpu.memory_space<vmem>> -> memref<16xi32, #tpu.memory_space<vmem>>
          %gather3A_147 = tpu.vector_load_idx %gather3A_146[%broadcast_in_dim3A_145] : memref<16xi32, #tpu.memory_space<vmem>>[vector<16xi32>], vector<16xi32>,
          %sub3A_148 = vector.broadcast %mul3A_101 : i32 to vector<16xi32>
          %sub3A_149 = arith.subi %gather3A_147, %sub3A_148 : vector<16xi32>
          %gather3A_150 = arith.constant 0 : i32
          %gather3A_151 = tpu.memref_slice %arg12[%gather3A_150] : memref<16xi32, #tpu.memory_space<vmem>> -> memref<16xi32, #tpu.memory_space<vmem>>
          %gather3A_152 = tpu.vector_load_idx %gather3A_151[%broadcast_in_dim3A_145] : memref<16xi32, #tpu.memory_space<vmem>>[vector<16xi32>], vector<16xi32>,
          %slice3A_153 = vector.extract_strided_slice %gather3A_152 {offsets = [0], sizes = [1], strides = [1]} : vector<16xi32> to vector<1xi32>
          %squeeze3A_154 = vector.extract %slice3A_153[0] : i32 from vector<1xi32>
          %and3A_155 = arith.constant 15 : i32
          %and3A_156 = arith.andi %while3A_144, %and3A_155 : i32
          %ge3A = arith.constant 16 : i32
          %ge3A_157 = arith.cmpi sge, %while3A_144, %ge3A : i32
          %convert_element_type3A_158 = arith.extui %ge3A_157 : i1 to i32
          %cond3A_159 = arith.constant 0 : i32
          %cond3A_160 = arith.cmpi ne, %convert_element_type3A_158, %cond3A_159 : i32
          scf.if %cond3A_160 {
            %dma_wait3A_236 = arith.constant 0 : i32
            %dma_wait3A_237 = arith.constant 0 : i32
            %dma_wait3A_238 = arith.constant 0 : i32
            %dma_wait3A_239 = tpu.memref_slice %arg13[%dma_wait3A_237, %dma_wait3A_238] : memref<16x128xf32, #tpu.memory_space<vmem>> -> memref<1x128xf32, #tpu.memory_space<vmem>>
            %dma_wait3A_240 = tpu.memref_squeeze %dma_wait3A_239 : memref<1x128xf32, #tpu.memory_space<vmem>> -> memref<128xf32, #tpu.memory_space<vmem>>
            %dma_wait3A_241 = arith.constant 0 : i32
            %dma_wait3A_242 = tpu.memref_slice %arg5[%dma_wait3A_236, %dma_wait3A_241] : memref<16384x128xf32, #tpu.memory_space<hbm>> -> memref<1x128xf32, #tpu.memory_space<hbm>>
            %dma_wait3A_243 = tpu.memref_squeeze %dma_wait3A_242 : memref<1x128xf32, #tpu.memory_space<hbm>> -> memref<128xf32, #tpu.memory_space<hbm>>
            %dma_wait3A_244 = tpu.memref_slice %arg14[%and3A_156] : memref<16x!tpu.dma_semaphore, #tpu.memory_space<semaphore_mem>> -> memref<1x!tpu.dma_semaphore, #tpu.memory_space<semaphore_mem>>
            %dma_wait3A_245 = tpu.memref_squeeze %dma_wait3A_244 : memref<1x!tpu.dma_semaphore, #tpu.memory_space<semaphore_mem>> -> memref<!tpu.dma_semaphore, #tpu.memory_space<semaphore_mem>>
            %dma_wait3A_246 = arith.constant 0 : i32
            %dma_wait3A_247 = tpu.memref_slice %arg13[%dma_wait3A_237, %dma_wait3A_246] : memref<16x128xf32, #tpu.memory_space<vmem>> -> memref<1x128xf32, #tpu.memory_space<vmem>>
            %dma_wait3A_248 = tpu.memref_squeeze %dma_wait3A_247 : memref<1x128xf32, #tpu.memory_space<vmem>> -> memref<128xf32, #tpu.memory_space<vmem>>
            %dma_wait3A_249 = arith.constant 0 : i32
            %dma_wait3A_250 = tpu.memref_slice %arg5[%dma_wait3A_236, %dma_wait3A_249] : memref<16384x128xf32, #tpu.memory_space<hbm>> -> memref<1x128xf32, #tpu.memory_space<hbm>>
            %dma_wait3A_251 = tpu.memref_squeeze %dma_wait3A_250 : memref<1x128xf32, #tpu.memory_space<hbm>> -> memref<128xf32, #tpu.memory_space<hbm>>
            tpu.wait_dma2 semaphore(%dma_wait3A_245 : memref<!tpu.dma_semaphore, #tpu.memory_space<semaphore_mem>>) src(%dma_wait3A_251 : memref<128xf32, #tpu.memory_space<hbm>>) dst(%dma_wait3A_248 : memref<128xf32, #tpu.memory_space<vmem>>)
          } else {
          }
          %iota3A = tpu.iota {dimensions = array<i32: 0>} : vector<16xi32>
          %add3A_161 = arith.constant 0 : i32
          %add3A_162 = vector.broadcast %add3A_161 : i32 to vector<16xi32>
          %add3A_163 = arith.addi %iota3A, %add3A_162 : vector<16xi32>
          %gather3A_164 = arith.constant 0 : i32
          %gather3A_165 = arith.constant 0 : i32
          %gather3A_166 = tpu.memref_slice %arg9[%and3A_103, %gather3A_164, %gather3A_165] : memref<2x64x512xf32, #tpu.memory_space<vmem>> -> memref<1x64x512xf32, #tpu.memory_space<vmem>>
          %gather3A_167 = tpu.memref_squeeze %gather3A_166 : memref<1x64x512xf32, #tpu.memory_space<vmem>> -> memref<64x512xf32, #tpu.memory_space<vmem>>
          %gather3A_168 = arith.constant 0 : i32
          %gather3A_169 = arith.constant 0 : i32
          %gather3A_170 = tpu.memref_slice %gather3A_167[%gather3A_168, %gather3A_169] : memref<64x512xf32, #tpu.memory_space<vmem>> -> memref<64x512xf32, #tpu.memory_space<vmem>>
          %gather3A_171 = tpu.vector_load_idx %gather3A_170[%add3A_163, %sub3A_149] : memref<64x512xf32, #tpu.memory_space<vmem>>[vector<16xi32>, vector<16xi32>], vector<16xf32>,
          %swap3A_172 = arith.index_cast %and3A_156 : i32 to index
          %swap3A_173 = arith.constant 0 : index
          %swap3A_174 = tpu.vector_load %arg13[%swap3A_172, %swap3A_173] {strides = array<i32>} : memref<16x128xf32, #tpu.memory_space<vmem>>, vector<16xf32>,
          tpu.vector_store %arg13[%swap3A_172, %swap3A_173], %gather3A_171 {strides = array<i32>} : memref<16x128xf32, #tpu.memory_space<vmem>>, vector<16xf32>,
          %iota3A_175 = tpu.iota {dimensions = array<i32: 0>} : vector<16xi32>
          %add3A_176 = arith.constant 16 : i32
          %add3A_177 = vector.broadcast %add3A_176 : i32 to vector<16xi32>
          %add3A_178 = arith.addi %iota3A_175, %add3A_177 : vector<16xi32>
          %gather3A_179 = arith.constant 0 : i32
          %gather3A_180 = arith.constant 0 : i32
          %gather3A_181 = tpu.memref_slice %arg9[%and3A_103, %gather3A_179, %gather3A_180] : memref<2x64x512xf32, #tpu.memory_space<vmem>> -> memref<1x64x512xf32, #tpu.memory_space<vmem>>
          %gather3A_182 = tpu.memref_squeeze %gather3A_181 : memref<1x64x512xf32, #tpu.memory_space<vmem>> -> memref<64x512xf32, #tpu.memory_space<vmem>>
          %gather3A_183 = arith.constant 0 : i32
          %gather3A_184 = arith.constant 0 : i32
          %gather3A_185 = tpu.memref_slice %gather3A_182[%gather3A_183, %gather3A_184] : memref<64x512xf32, #tpu.memory_space<vmem>> -> memref<64x512xf32, #tpu.memory_space<vmem>>
          %gather3A_186 = tpu.vector_load_idx %gather3A_185[%add3A_178, %sub3A_149] : memref<64x512xf32, #tpu.memory_space<vmem>>[vector<16xi32>, vector<16xi32>], vector<16xf32>,
          %swap3A_187 = arith.index_cast %and3A_156 : i32 to index
          %swap3A_188 = arith.constant 16 : index
          %swap3A_189 = tpu.vector_load %arg13[%swap3A_187, %swap3A_188] {strides = array<i32>} : memref<16x128xf32, #tpu.memory_space<vmem>>, vector<16xf32>,
          tpu.vector_store %arg13[%swap3A_187, %swap3A_188], %gather3A_186 {strides = array<i32>} : memref<16x128xf32, #tpu.memory_space<vmem>>, vector<16xf32>,
          %iota3A_190 = tpu.iota {dimensions = array<i32: 0>} : vector<16xi32>
          %add3A_191 = arith.constant 32 : i32
          %add3A_192 = vector.broadcast %add3A_191 : i32 to vector<16xi32>
          %add3A_193 = arith.addi %iota3A_190, %add3A_192 : vector<16xi32>
          %gather3A_194 = arith.constant 0 : i32
          %gather3A_195 = arith.constant 0 : i32
          %gather3A_196 = tpu.memref_slice %arg9[%and3A_103, %gather3A_194, %gather3A_195] : memref<2x64x512xf32, #tpu.memory_space<vmem>> -> memref<1x64x512xf32, #tpu.memory_space<vmem>>
          %gather3A_197 = tpu.memref_squeeze %gather3A_196 : memref<1x64x512xf32, #tpu.memory_space<vmem>> -> memref<64x512xf32, #tpu.memory_space<vmem>>
          %gather3A_198 = arith.constant 0 : i32
          %gather3A_199 = arith.constant 0 : i32
          %gather3A_200 = tpu.memref_slice %gather3A_197[%gather3A_198, %gather3A_199] : memref<64x512xf32, #tpu.memory_space<vmem>> -> memref<64x512xf32, #tpu.memory_space<vmem>>
          %gather3A_201 = tpu.vector_load_idx %gather3A_200[%add3A_193, %sub3A_149] : memref<64x512xf32, #tpu.memory_space<vmem>>[vector<16xi32>, vector<16xi32>], vector<16xf32>,
          %swap3A_202 = arith.index_cast %and3A_156 : i32 to index
          %swap3A_203 = arith.constant 32 : index
          %swap3A_204 = tpu.vector_load %arg13[%swap3A_202, %swap3A_203] {strides = array<i32>} : memref<16x128xf32, #tpu.memory_space<vmem>>, vector<16xf32>,
          tpu.vector_store %arg13[%swap3A_202, %swap3A_203], %gather3A_201 {strides = array<i32>} : memref<16x128xf32, #tpu.memory_space<vmem>>, vector<16xf32>,
          %iota3A_205 = tpu.iota {dimensions = array<i32: 0>} : vector<16xi32>
          %add3A_206 = arith.constant 48 : i32
          %add3A_207 = vector.broadcast %add3A_206 : i32 to vector<16xi32>
          %add3A_208 = arith.addi %iota3A_205, %add3A_207 : vector<16xi32>
          %gather3A_209 = arith.constant 0 : i32
          %gather3A_210 = arith.constant 0 : i32
          %gather3A_211 = tpu.memref_slice %arg9[%and3A_103, %gather3A_209, %gather3A_210] : memref<2x64x512xf32, #tpu.memory_space<vmem>> -> memref<1x64x512xf32, #tpu.memory_space<vmem>>
          %gather3A_212 = tpu.memref_squeeze %gather3A_211 : memref<1x64x512xf32, #tpu.memory_space<vmem>> -> memref<64x512xf32, #tpu.memory_space<vmem>>
          %gather3A_213 = arith.constant 0 : i32
          %gather3A_214 = arith.constant 0 : i32
          %gather3A_215 = tpu.memref_slice %gather3A_212[%gather3A_213, %gather3A_214] : memref<64x512xf32, #tpu.memory_space<vmem>> -> memref<64x512xf32, #tpu.memory_space<vmem>>
          %gather3A_216 = tpu.vector_load_idx %gather3A_215[%add3A_208, %sub3A_149] : memref<64x512xf32, #tpu.memory_space<vmem>>[vector<16xi32>, vector<16xi32>], vector<16xf32>,
          %swap3A_217 = arith.index_cast %and3A_156 : i32 to index
          %swap3A_218 = arith.constant 48 : index
          %swap3A_219 = tpu.vector_load %arg13[%swap3A_217, %swap3A_218] {strides = array<i32>} : memref<16x128xf32, #tpu.memory_space<vmem>>, vector<16xf32>,
          tpu.vector_store %arg13[%swap3A_217, %swap3A_218], %gather3A_216 {strides = array<i32>} : memref<16x128xf32, #tpu.memory_space<vmem>>, vector<16xf32>,
          %dma_start3A_220 = arith.constant 0 : i32
          %dma_start3A_221 = tpu.memref_slice %arg13[%and3A_156, %dma_start3A_220] : memref<16x128xf32, #tpu.memory_space<vmem>> -> memref<1x128xf32, #tpu.memory_space<vmem>>
          %dma_start3A_222 = tpu.memref_squeeze %dma_start3A_221 : memref<1x128xf32, #tpu.memory_space<vmem>> -> memref<128xf32, #tpu.memory_space<vmem>>
          %dma_start3A_223 = arith.constant 0 : i32
          %dma_start3A_224 = tpu.memref_slice %arg5[%squeeze3A_154, %dma_start3A_223] : memref<16384x128xf32, #tpu.memory_space<hbm>> -> memref<1x128xf32, #tpu.memory_space<hbm>>
          %dma_start3A_225 = tpu.memref_squeeze %dma_start3A_224 : memref<1x128xf32, #tpu.memory_space<hbm>> -> memref<128xf32, #tpu.memory_space<hbm>>
          %dma_start3A_226 = tpu.memref_slice %arg14[%and3A_156] : memref<16x!tpu.dma_semaphore, #tpu.memory_space<semaphore_mem>> -> memref<1x!tpu.dma_semaphore, #tpu.memory_space<semaphore_mem>>
          %dma_start3A_227 = tpu.memref_squeeze %dma_start3A_226 : memref<1x!tpu.dma_semaphore, #tpu.memory_space<semaphore_mem>> -> memref<!tpu.dma_semaphore, #tpu.memory_space<semaphore_mem>>
          %dma_start3A_228 = arith.constant 0 : i32
          %dma_start3A_229 = tpu.memref_slice %arg5[%squeeze3A_154, %dma_start3A_228] : memref<16384x128xf32, #tpu.memory_space<hbm>> -> memref<1x128xf32, #tpu.memory_space<hbm>>
          %dma_start3A_230 = tpu.memref_squeeze %dma_start3A_229 : memref<1x128xf32, #tpu.memory_space<hbm>> -> memref<128xf32, #tpu.memory_space<hbm>>
          %dma_start3A_231 = arith.constant 0 : i32
          %dma_start3A_232 = tpu.memref_slice %arg13[%and3A_156, %dma_start3A_231] : memref<16x128xf32, #tpu.memory_space<vmem>> -> memref<1x128xf32, #tpu.memory_space<vmem>>
          %dma_start3A_233 = tpu.memref_squeeze %dma_start3A_232 : memref<1x128xf32, #tpu.memory_space<vmem>> -> memref<128xf32, #tpu.memory_space<vmem>>
          tpu.enqueue_dma source(%dma_start3A_233 : memref<128xf32, #tpu.memory_space<vmem>>) target(%dma_start3A_230 : memref<128xf32, #tpu.memory_space<hbm>>) target_semaphore(%dma_start3A_227 : memref<!tpu.dma_semaphore, #tpu.memory_space<semaphore_mem>>)
          %add3A_234 = arith.constant 1 : i32
          %add3A_235 = arith.addi %while3A_144, %add3A_234 : i32
          scf.yield %add3A_235 : i32
        }
        scf.yield %while3A_142 : i32
      }
      scf.yield %while3A_114 : i32
    }
    %while3A_61 = arith.constant 1 : i32
    %while3A_62 = scf.for %while3A_71 = %while3A_58 to %while3A_54 step %while3A_61 iter_args(%while3A_72 = %while3A_60) -> (i32)  : i32 {
      %add3A_73 = arith.constant 1 : i32
      %add3A_74 = arith.addi %while3A_71, %add3A_73 : i32
      %lt3A = arith.cmpi slt, %add3A_74, %select_n3A_32 : i32
      %convert_element_type3A_75 = arith.extui %lt3A : i1 to i32
      %cond3A_76 = arith.constant 0 : i32
      %cond3A_77 = arith.cmpi ne, %convert_element_type3A_75, %cond3A_76 : i32
      scf.if %cond3A_77 {
        %add3A_115 = arith.constant 1 : i32
        %add3A_116 = arith.addi %while3A_71, %add3A_115 : i32
        %mul3A_117 = arith.constant 32 : i32
        %mul3A_118 = arith.muli %add3A_116, %mul3A_117 : i32
        %add3A_119 = arith.addi %mul3A_118, %add3A : i32
        %mul3A_120 = arith.constant 512 : i32
        %mul3A_121 = arith.muli %add3A_119, %mul3A_120 : i32
        %multiple_of3A_122 = tpu.assume_multiple %mul3A_121, 512 : i32
        %and3A_123 = arith.constant 1 : i32
        %and3A_124 = arith.andi %add3A_116, %and3A_123 : i32
        %and3A_125 = arith.constant 1 : i32
        %and3A_126 = arith.andi %add3A_116, %and3A_125 : i32
        %dma_start3A_127 = arith.constant 0 : i32
        %dma_start3A_128 = arith.constant 0 : i32
        %dma_start3A_129 = tpu.memref_slice %arg9[%and3A_124, %dma_start3A_127, %dma_start3A_128] : memref<2x64x512xf32, #tpu.memory_space<vmem>> -> memref<1x64x512xf32, #tpu.memory_space<vmem>>
        %dma_start3A_130 = tpu.memref_squeeze %dma_start3A_129 : memref<1x64x512xf32, #tpu.memory_space<vmem>> -> memref<64x512xf32, #tpu.memory_space<vmem>>
        %dma_start3A_131 = arith.constant 0 : i32
        %dma_start3A_132 = tpu.memref_slice %arg3[%dma_start3A_131, %multiple_of3A_122] : memref<64x1000001xf32, #tpu.memory_space<hbm>> -> memref<64x512xf32, #tpu.memory_space<hbm>>
        %dma_start3A_133 = tpu.memref_slice %arg15[%and3A_126] : memref<2x!tpu.dma_semaphore, #tpu.memory_space<semaphore_mem>> -> memref<1x!tpu.dma_semaphore, #tpu.memory_space<semaphore_mem>>
        %dma_start3A_134 = tpu.memref_squeeze %dma_start3A_133 : memref<1x!tpu.dma_semaphore, #tpu.memory_space<semaphore_mem>> -> memref<!tpu.dma_semaphore, #tpu.memory_space<semaphore_mem>>
        %dma_start3A_135 = arith.constant 0 : i32
        %dma_start3A_136 = arith.constant 0 : i32
        %dma_start3A_137 = tpu.memref_slice %arg9[%and3A_124, %dma_start3A_135, %dma_start3A_136] : memref<2x64x512xf32, #tpu.memory_space<vmem>> -> memref<1x64x512xf32, #tpu.memory_space<vmem>>
        %dma_start3A_138 = tpu.memref_squeeze %dma_start3A_137 : memref<1x64x512xf32, #tpu.memory_space<vmem>> -> memref<64x512xf32, #tpu.memory_space<vmem>>
        %dma_start3A_139 = arith.constant 0 : i32
        %dma_start3A_140 = tpu.memref_slice %arg3[%dma_start3A_139, %multiple_of3A_122] : memref<64x1000001xf32, #tpu.memory_space<hbm>> -> memref<64x512xf32, #tpu.memory_space<hbm>>
        tpu.enqueue_dma source(%dma_start3A_140 : memref<64x512xf32, #tpu.memory_space<hbm>>) target(%dma_start3A_138 : memref<64x512xf32, #tpu.memory_space<vmem>>) target_semaphore(%dma_start3A_134 : memref<!tpu.dma_semaphore, #tpu.memory_space<semaphore_mem>>)
      } else {
      }
      %and3A_78 = arith.constant 1 : i32
      %and3A_79 = arith.andi %while3A_71, %and3A_78 : i32
      %and3A_80 = arith.constant 1 : i32
      %and3A_81 = arith.andi %while3A_71, %and3A_80 : i32
      %dma_wait3A = arith.constant 0 : i32
      %dma_wait3A_82 = arith.constant 0 : i32
      %dma_wait3A_83 = tpu.memref_slice %arg9[%and3A_79, %dma_wait3A, %dma_wait3A_82] : memref<2x64x512xf32, #tpu.memory_space<vmem>> -> memref<1x64x512xf32, #tpu.memory_space<vmem>>
      %dma_wait3A_84 = tpu.memref_squeeze %dma_wait3A_83 : memref<1x64x512xf32, #tpu.memory_space<vmem>> -> memref<64x512xf32, #tpu.memory_space<vmem>>
      %dma_wait3A_85 = arith.constant 0 : i32
      %dma_wait3A_86 = arith.constant 0 : i32
      %dma_wait3A_87 = tpu.memref_slice %arg3[%dma_wait3A_85, %dma_wait3A_86] : memref<64x1000001xf32, #tpu.memory_space<hbm>> -> memref<64x512xf32, #tpu.memory_space<hbm>>
      %dma_wait3A_88 = tpu.memref_slice %arg15[%and3A_81] : memref<2x!tpu.dma_semaphore, #tpu.memory_space<semaphore_mem>> -> memref<1x!tpu.dma_semaphore, #tpu.memory_space<semaphore_mem>>
      %dma_wait3A_89 = tpu.memref_squeeze %dma_wait3A_88 : memref<1x!tpu.dma_semaphore, #tpu.memory_space<semaphore_mem>> -> memref<!tpu.dma_semaphore, #tpu.memory_space<semaphore_mem>>
      %dma_wait3A_90 = arith.constant 0 : i32
      %dma_wait3A_91 = arith.constant 0 : i32
      %dma_wait3A_92 = tpu.memref_slice %arg9[%and3A_79, %dma_wait3A_90, %dma_wait3A_91] : memref<2x64x512xf32, #tpu.memory_space<vmem>> -> memref<1x64x512xf32, #tpu.memory_space<vmem>>
      %dma_wait3A_93 = tpu.memref_squeeze %dma_wait3A_92 : memref<1x64x512xf32, #tpu.memory_space<vmem>> -> memref<64x512xf32, #tpu.memory_space<vmem>>
      %dma_wait3A_94 = arith.constant 0 : i32
      %dma_wait3A_95 = arith.constant 0 : i32
      %dma_wait3A_96 = tpu.memref_slice %arg3[%dma_wait3A_94, %dma_wait3A_95] : memref<64x1000001xf32, #tpu.memory_space<hbm>> -> memref<64x512xf32, #tpu.memory_space<hbm>>
      tpu.wait_dma2 semaphore(%dma_wait3A_89 : memref<!tpu.dma_semaphore, #tpu.memory_space<semaphore_mem>>) src(%dma_wait3A_96 : memref<64x512xf32, #tpu.memory_space<hbm>>) dst(%dma_wait3A_93 : memref<64x512xf32, #tpu.memory_space<vmem>>)
      %mul3A_97 = arith.constant 32 : i32
      %mul3A_98 = arith.muli %while3A_71, %mul3A_97 : i32
      %add3A_99 = arith.addi %mul3A_98, %add3A : i32
      %mul3A_100 = arith.constant 512 : i32
      %mul3A_101 = arith.muli %add3A_99, %mul3A_100 : i32
      %and3A_102 = arith.constant 1 : i32
      %and3A_103 = arith.andi %while3A_71, %and3A_102 : i32
      %while3A_104 = arith.constant 0 : i32
      %while3A_105 = arith.subi %select_n3A, %while3A_104 : i32
      %while3A_106 = arith.addi %while3A_104, %while3A_105 : i32
      %while3A_107 = arith.constant 1 : i32
      %while3A_108 = arith.divsi %while3A_105, %while3A_107 : i32
      %while3A_109 = arith.muli %while3A_108, %while3A_107 : i32
      %while3A_110 = arith.addi %while3A_104, %while3A_109 : i32
      %while3A_111 = arith.constant 1 : i32
      %while3A_112 = scf.for %while3A_115 = %while3A_104 to %while3A_110 step %while3A_111 iter_args(%while3A_116 = %while3A_72) -> (i32)  : i32 {
        %mul3A_117 = arith.constant 16 : i32
        %mul3A_118 = arith.muli %while3A_115, %mul3A_117 : i32
        %get3A = arith.index_cast %mul3A_118 : i32 to index
        %get3A_119 = tpu.vector_load %arg6[%get3A] {strides = array<i32>} : memref<16416xi32, #tpu.memory_space<vmem>>, vector<16xi32>,
        %mul3A_120 = arith.constant 16 : i32
        %mul3A_121 = arith.muli %while3A_115, %mul3A_120 : i32
        %get3A_122 = arith.index_cast %mul3A_121 : i32 to index
        %get3A_123 = tpu.vector_load %arg7[%get3A_122] {strides = array<i32>} : memref<16416xi32, #tpu.memory_space<vmem>>, vector<16xi32>,
        %shift_right_arithmetic3A = arith.constant 9 : i32
        %shift_right_arithmetic3A_124 = vector.broadcast %shift_right_arithmetic3A : i32 to vector<16xi32>
        %shift_right_arithmetic3A_125 = arith.shrsi %get3A_119, %shift_right_arithmetic3A_124 : vector<16xi32>
        %eq3A_126 = vector.broadcast %add3A_99 : i32 to vector<16xi32>
        %eq3A_127 = arith.cmpi eq, %shift_right_arithmetic3A_125, %eq3A_126 : vector<16xi32>
        %all_reduce_population_count3A = tpu.all_reduce %eq3A_127 {dim = 0 : i64, kind = #tpu.reduction_kind<sum>} : vector<16xi1> -> vector<16xi32>
        %slice3A = vector.extract_strided_slice %all_reduce_population_count3A {offsets = [0], sizes = [1], strides = [1]} : vector<16xi32> to vector<1xi32>
        %squeeze3A = vector.extract %slice3A[0] : i32 from vector<1xi32>
        %swap3A_128 = arith.constant 0 : index
        %swap3A_129 = tpu.vector_load %arg11[%swap3A_128] masked %eq3A_127 {strides = array<i32>} : memref<16xi32, #tpu.memory_space<vmem>>, vector<16xi32>, vector<16xi1>
        tpu.vector_store %arg11[%swap3A_128], %get3A_119 masked %eq3A_127 {strides = array<i32>} : memref<16xi32, #tpu.memory_space<vmem>>, vector<16xi32>, vector<16xi1>
        %swap3A_130 = arith.constant 0 : index
        %swap3A_131 = tpu.vector_load %arg12[%swap3A_130] masked %eq3A_127 {strides = array<i32>} : memref<16xi32, #tpu.memory_space<vmem>>, vector<16xi32>, vector<16xi1>
        tpu.vector_store %arg12[%swap3A_130], %get3A_123 masked %eq3A_127 {strides = array<i32>} : memref<16xi32, #tpu.memory_space<vmem>>, vector<16xi32>, vector<16xi1>
        %while3A_132 = arith.constant 0 : i32
        %while3A_133 = arith.subi %squeeze3A, %while3A_132 : i32
        %while3A_134 = arith.addi %while3A_132, %while3A_133 : i32
        %while3A_135 = arith.constant 1 : i32
        %while3A_136 = arith.divsi %while3A_133, %while3A_135 : i32
        %while3A_137 = arith.muli %while3A_136, %while3A_135 : i32
        %while3A_138 = arith.addi %while3A_132, %while3A_137 : i32
        %while3A_139 = arith.constant 1 : i32
        %while3A_140 = scf.for %while3A_143 = %while3A_132 to %while3A_138 step %while3A_139 iter_args(%while3A_144 = %while3A_116) -> (i32)  : i32 {
          %broadcast_in_dim3A_145 = vector.broadcast %while3A_143 : i32 to vector<16xi32>
          %gather3A = arith.constant 0 : i32
          %gather3A_146 = tpu.memref_slice %arg11[%gather3A] : memref<16xi32, #tpu.memory_space<vmem>> -> memref<16xi32, #tpu.memory_space<vmem>>
          %gather3A_147 = tpu.vector_load_idx %gather3A_146[%broadcast_in_dim3A_145] : memref<16xi32, #tpu.memory_space<vmem>>[vector<16xi32>], vector<16xi32>,
          %sub3A_148 = vector.broadcast %mul3A_101 : i32 to vector<16xi32>
          %sub3A_149 = arith.subi %gather3A_147, %sub3A_148 : vector<16xi32>
          %gather3A_150 = arith.constant 0 : i32
          %gather3A_151 = tpu.memref_slice %arg12[%gather3A_150] : memref<16xi32, #tpu.memory_space<vmem>> -> memref<16xi32, #tpu.memory_space<vmem>>
          %gather3A_152 = tpu.vector_load_idx %gather3A_151[%broadcast_in_dim3A_145] : memref<16xi32, #tpu.memory_space<vmem>>[vector<16xi32>], vector<16xi32>,
          %slice3A_153 = vector.extract_strided_slice %gather3A_152 {offsets = [0], sizes = [1], strides = [1]} : vector<16xi32> to vector<1xi32>
          %squeeze3A_154 = vector.extract %slice3A_153[0] : i32 from vector<1xi32>
          %and3A_155 = arith.constant 15 : i32
          %and3A_156 = arith.andi %while3A_144, %and3A_155 : i32
          %ge3A = arith.constant 16 : i32
          %ge3A_157 = arith.cmpi sge, %while3A_144, %ge3A : i32
          %convert_element_type3A_158 = arith.extui %ge3A_157 : i1 to i32
          %cond3A_159 = arith.constant 0 : i32
          %cond3A_160 = arith.cmpi ne, %convert_element_type3A_158, %cond3A_159 : i32
          scf.if %cond3A_160 {
            %dma_wait3A_236 = arith.constant 0 : i32
            %dma_wait3A_237 = arith.constant 0 : i32
            %dma_wait3A_238 = arith.constant 0 : i32
            %dma_wait3A_239 = tpu.memref_slice %arg13[%dma_wait3A_237, %dma_wait3A_238] : memref<16x128xf32, #tpu.memory_space<vmem>> -> memref<1x128xf32, #tpu.memory_space<vmem>>
            %dma_wait3A_240 = tpu.memref_squeeze %dma_wait3A_239 : memref<1x128xf32, #tpu.memory_space<vmem>> -> memref<128xf32, #tpu.memory_space<vmem>>
            %dma_wait3A_241 = arith.constant 0 : i32
            %dma_wait3A_242 = tpu.memref_slice %arg5[%dma_wait3A_236, %dma_wait3A_241] : memref<16384x128xf32, #tpu.memory_space<hbm>> -> memref<1x128xf32, #tpu.memory_space<hbm>>
            %dma_wait3A_243 = tpu.memref_squeeze %dma_wait3A_242 : memref<1x128xf32, #tpu.memory_space<hbm>> -> memref<128xf32, #tpu.memory_space<hbm>>
            %dma_wait3A_244 = tpu.memref_slice %arg14[%and3A_156] : memref<16x!tpu.dma_semaphore, #tpu.memory_space<semaphore_mem>> -> memref<1x!tpu.dma_semaphore, #tpu.memory_space<semaphore_mem>>
            %dma_wait3A_245 = tpu.memref_squeeze %dma_wait3A_244 : memref<1x!tpu.dma_semaphore, #tpu.memory_space<semaphore_mem>> -> memref<!tpu.dma_semaphore, #tpu.memory_space<semaphore_mem>>
            %dma_wait3A_246 = arith.constant 0 : i32
            %dma_wait3A_247 = tpu.memref_slice %arg13[%dma_wait3A_237, %dma_wait3A_246] : memref<16x128xf32, #tpu.memory_space<vmem>> -> memref<1x128xf32, #tpu.memory_space<vmem>>
            %dma_wait3A_248 = tpu.memref_squeeze %dma_wait3A_247 : memref<1x128xf32, #tpu.memory_space<vmem>> -> memref<128xf32, #tpu.memory_space<vmem>>
            %dma_wait3A_249 = arith.constant 0 : i32
            %dma_wait3A_250 = tpu.memref_slice %arg5[%dma_wait3A_236, %dma_wait3A_249] : memref<16384x128xf32, #tpu.memory_space<hbm>> -> memref<1x128xf32, #tpu.memory_space<hbm>>
            %dma_wait3A_251 = tpu.memref_squeeze %dma_wait3A_250 : memref<1x128xf32, #tpu.memory_space<hbm>> -> memref<128xf32, #tpu.memory_space<hbm>>
            tpu.wait_dma2 semaphore(%dma_wait3A_245 : memref<!tpu.dma_semaphore, #tpu.memory_space<semaphore_mem>>) src(%dma_wait3A_251 : memref<128xf32, #tpu.memory_space<hbm>>) dst(%dma_wait3A_248 : memref<128xf32, #tpu.memory_space<vmem>>)
          } else {
          }
          %iota3A = tpu.iota {dimensions = array<i32: 0>} : vector<16xi32>
          %add3A_161 = arith.constant 0 : i32
          %add3A_162 = vector.broadcast %add3A_161 : i32 to vector<16xi32>
          %add3A_163 = arith.addi %iota3A, %add3A_162 : vector<16xi32>
          %gather3A_164 = arith.constant 0 : i32
          %gather3A_165 = arith.constant 0 : i32
          %gather3A_166 = tpu.memref_slice %arg9[%and3A_103, %gather3A_164, %gather3A_165] : memref<2x64x512xf32, #tpu.memory_space<vmem>> -> memref<1x64x512xf32, #tpu.memory_space<vmem>>
          %gather3A_167 = tpu.memref_squeeze %gather3A_166 : memref<1x64x512xf32, #tpu.memory_space<vmem>> -> memref<64x512xf32, #tpu.memory_space<vmem>>
          %gather3A_168 = arith.constant 0 : i32
          %gather3A_169 = arith.constant 0 : i32
          %gather3A_170 = tpu.memref_slice %gather3A_167[%gather3A_168, %gather3A_169] : memref<64x512xf32, #tpu.memory_space<vmem>> -> memref<64x512xf32, #tpu.memory_space<vmem>>
          %gather3A_171 = tpu.vector_load_idx %gather3A_170[%add3A_163, %sub3A_149] : memref<64x512xf32, #tpu.memory_space<vmem>>[vector<16xi32>, vector<16xi32>], vector<16xf32>,
          %swap3A_172 = arith.index_cast %and3A_156 : i32 to index
          %swap3A_173 = arith.constant 0 : index
          %swap3A_174 = tpu.vector_load %arg13[%swap3A_172, %swap3A_173] {strides = array<i32>} : memref<16x128xf32, #tpu.memory_space<vmem>>, vector<16xf32>,
          tpu.vector_store %arg13[%swap3A_172, %swap3A_173], %gather3A_171 {strides = array<i32>} : memref<16x128xf32, #tpu.memory_space<vmem>>, vector<16xf32>,
          %iota3A_175 = tpu.iota {dimensions = array<i32: 0>} : vector<16xi32>
          %add3A_176 = arith.constant 16 : i32
          %add3A_177 = vector.broadcast %add3A_176 : i32 to vector<16xi32>
          %add3A_178 = arith.addi %iota3A_175, %add3A_177 : vector<16xi32>
          %gather3A_179 = arith.constant 0 : i32
          %gather3A_180 = arith.constant 0 : i32
          %gather3A_181 = tpu.memref_slice %arg9[%and3A_103, %gather3A_179, %gather3A_180] : memref<2x64x512xf32, #tpu.memory_space<vmem>> -> memref<1x64x512xf32, #tpu.memory_space<vmem>>
          %gather3A_182 = tpu.memref_squeeze %gather3A_181 : memref<1x64x512xf32, #tpu.memory_space<vmem>> -> memref<64x512xf32, #tpu.memory_space<vmem>>
          %gather3A_183 = arith.constant 0 : i32
          %gather3A_184 = arith.constant 0 : i32
          %gather3A_185 = tpu.memref_slice %gather3A_182[%gather3A_183, %gather3A_184] : memref<64x512xf32, #tpu.memory_space<vmem>> -> memref<64x512xf32, #tpu.memory_space<vmem>>
          %gather3A_186 = tpu.vector_load_idx %gather3A_185[%add3A_178, %sub3A_149] : memref<64x512xf32, #tpu.memory_space<vmem>>[vector<16xi32>, vector<16xi32>], vector<16xf32>,
          %swap3A_187 = arith.index_cast %and3A_156 : i32 to index
          %swap3A_188 = arith.constant 16 : index
          %swap3A_189 = tpu.vector_load %arg13[%swap3A_187, %swap3A_188] {strides = array<i32>} : memref<16x128xf32, #tpu.memory_space<vmem>>, vector<16xf32>,
          tpu.vector_store %arg13[%swap3A_187, %swap3A_188], %gather3A_186 {strides = array<i32>} : memref<16x128xf32, #tpu.memory_space<vmem>>, vector<16xf32>,
          %iota3A_190 = tpu.iota {dimensions = array<i32: 0>} : vector<16xi32>
          %add3A_191 = arith.constant 32 : i32
          %add3A_192 = vector.broadcast %add3A_191 : i32 to vector<16xi32>
          %add3A_193 = arith.addi %iota3A_190, %add3A_192 : vector<16xi32>
          %gather3A_194 = arith.constant 0 : i32
          %gather3A_195 = arith.constant 0 : i32
          %gather3A_196 = tpu.memref_slice %arg9[%and3A_103, %gather3A_194, %gather3A_195] : memref<2x64x512xf32, #tpu.memory_space<vmem>> -> memref<1x64x512xf32, #tpu.memory_space<vmem>>
          %gather3A_197 = tpu.memref_squeeze %gather3A_196 : memref<1x64x512xf32, #tpu.memory_space<vmem>> -> memref<64x512xf32, #tpu.memory_space<vmem>>
          %gather3A_198 = arith.constant 0 : i32
          %gather3A_199 = arith.constant 0 : i32
          %gather3A_200 = tpu.memref_slice %gather3A_197[%gather3A_198, %gather3A_199] : memref<64x512xf32, #tpu.memory_space<vmem>> -> memref<64x512xf32, #tpu.memory_space<vmem>>
          %gather3A_201 = tpu.vector_load_idx %gather3A_200[%add3A_193, %sub3A_149] : memref<64x512xf32, #tpu.memory_space<vmem>>[vector<16xi32>, vector<16xi32>], vector<16xf32>,
          %swap3A_202 = arith.index_cast %and3A_156 : i32 to index
          %swap3A_203 = arith.constant 32 : index
          %swap3A_204 = tpu.vector_load %arg13[%swap3A_202, %swap3A_203] {strides = array<i32>} : memref<16x128xf32, #tpu.memory_space<vmem>>, vector<16xf32>,
          tpu.vector_store %arg13[%swap3A_202, %swap3A_203], %gather3A_201 {strides = array<i32>} : memref<16x128xf32, #tpu.memory_space<vmem>>, vector<16xf32>,
          %iota3A_205 = tpu.iota {dimensions = array<i32: 0>} : vector<16xi32>
          %add3A_206 = arith.constant 48 : i32
          %add3A_207 = vector.broadcast %add3A_206 : i32 to vector<16xi32>
          %add3A_208 = arith.addi %iota3A_205, %add3A_207 : vector<16xi32>
          %gather3A_209 = arith.constant 0 : i32
          %gather3A_210 = arith.constant 0 : i32
          %gather3A_211 = tpu.memref_slice %arg9[%and3A_103, %gather3A_209, %gather3A_210] : memref<2x64x512xf32, #tpu.memory_space<vmem>> -> memref<1x64x512xf32, #tpu.memory_space<vmem>>
          %gather3A_212 = tpu.memref_squeeze %gather3A_211 : memref<1x64x512xf32, #tpu.memory_space<vmem>> -> memref<64x512xf32, #tpu.memory_space<vmem>>
          %gather3A_213 = arith.constant 0 : i32
          %gather3A_214 = arith.constant 0 : i32
          %gather3A_215 = tpu.memref_slice %gather3A_212[%gather3A_213, %gather3A_214] : memref<64x512xf32, #tpu.memory_space<vmem>> -> memref<64x512xf32, #tpu.memory_space<vmem>>
          %gather3A_216 = tpu.vector_load_idx %gather3A_215[%add3A_208, %sub3A_149] : memref<64x512xf32, #tpu.memory_space<vmem>>[vector<16xi32>, vector<16xi32>], vector<16xf32>,
          %swap3A_217 = arith.index_cast %and3A_156 : i32 to index
          %swap3A_218 = arith.constant 48 : index
          %swap3A_219 = tpu.vector_load %arg13[%swap3A_217, %swap3A_218] {strides = array<i32>} : memref<16x128xf32, #tpu.memory_space<vmem>>, vector<16xf32>,
          tpu.vector_store %arg13[%swap3A_217, %swap3A_218], %gather3A_216 {strides = array<i32>} : memref<16x128xf32, #tpu.memory_space<vmem>>, vector<16xf32>,
          %dma_start3A_220 = arith.constant 0 : i32
          %dma_start3A_221 = tpu.memref_slice %arg13[%and3A_156, %dma_start3A_220] : memref<16x128xf32, #tpu.memory_space<vmem>> -> memref<1x128xf32, #tpu.memory_space<vmem>>
          %dma_start3A_222 = tpu.memref_squeeze %dma_start3A_221 : memref<1x128xf32, #tpu.memory_space<vmem>> -> memref<128xf32, #tpu.memory_space<vmem>>
          %dma_start3A_223 = arith.constant 0 : i32
          %dma_start3A_224 = tpu.memref_slice %arg5[%squeeze3A_154, %dma_start3A_223] : memref<16384x128xf32, #tpu.memory_space<hbm>> -> memref<1x128xf32, #tpu.memory_space<hbm>>
          %dma_start3A_225 = tpu.memref_squeeze %dma_start3A_224 : memref<1x128xf32, #tpu.memory_space<hbm>> -> memref<128xf32, #tpu.memory_space<hbm>>
          %dma_start3A_226 = tpu.memref_slice %arg14[%and3A_156] : memref<16x!tpu.dma_semaphore, #tpu.memory_space<semaphore_mem>> -> memref<1x!tpu.dma_semaphore, #tpu.memory_space<semaphore_mem>>
          %dma_start3A_227 = tpu.memref_squeeze %dma_start3A_226 : memref<1x!tpu.dma_semaphore, #tpu.memory_space<semaphore_mem>> -> memref<!tpu.dma_semaphore, #tpu.memory_space<semaphore_mem>>
          %dma_start3A_228 = arith.constant 0 : i32
          %dma_start3A_229 = tpu.memref_slice %arg5[%squeeze3A_154, %dma_start3A_228] : memref<16384x128xf32, #tpu.memory_space<hbm>> -> memref<1x128xf32, #tpu.memory_space<hbm>>
          %dma_start3A_230 = tpu.memref_squeeze %dma_start3A_229 : memref<1x128xf32, #tpu.memory_space<hbm>> -> memref<128xf32, #tpu.memory_space<hbm>>
          %dma_start3A_231 = arith.constant 0 : i32
          %dma_start3A_232 = tpu.memref_slice %arg13[%and3A_156, %dma_start3A_231] : memref<16x128xf32, #tpu.memory_space<vmem>> -> memref<1x128xf32, #tpu.memory_space<vmem>>
          %dma_start3A_233 = tpu.memref_squeeze %dma_start3A_232 : memref<1x128xf32, #tpu.memory_space<vmem>> -> memref<128xf32, #tpu.memory_space<vmem>>
          tpu.enqueue_dma source(%dma_start3A_233 : memref<128xf32, #tpu.memory_space<vmem>>) target(%dma_start3A_230 : memref<128xf32, #tpu.memory_space<hbm>>) target_semaphore(%dma_start3A_227 : memref<!tpu.dma_semaphore, #tpu.memory_space<semaphore_mem>>)
          %add3A_234 = arith.constant 1 : i32
          %add3A_235 = arith.addi %while3A_144, %add3A_234 : i32
          scf.yield %add3A_235 : i32
        }
        %while3A_141 = arith.constant 1 : i32
        %while3A_142 = scf.for %while3A_143 = %while3A_138 to %while3A_134 step %while3A_141 iter_args(%while3A_144 = %while3A_140) -> (i32)  : i32 {
          %broadcast_in_dim3A_145 = vector.broadcast %while3A_143 : i32 to vector<16xi32>
          %gather3A = arith.constant 0 : i32
          %gather3A_146 = tpu.memref_slice %arg11[%gather3A] : memref<16xi32, #tpu.memory_space<vmem>> -> memref<16xi32, #tpu.memory_space<vmem>>
          %gather3A_147 = tpu.vector_load_idx %gather3A_146[%broadcast_in_dim3A_145] : memref<16xi32, #tpu.memory_space<vmem>>[vector<16xi32>], vector<16xi32>,
          %sub3A_148 = vector.broadcast %mul3A_101 : i32 to vector<16xi32>
          %sub3A_149 = arith.subi %gather3A_147, %sub3A_148 : vector<16xi32>
          %gather3A_150 = arith.constant 0 : i32
          %gather3A_151 = tpu.memref_slice %arg12[%gather3A_150] : memref<16xi32, #tpu.memory_space<vmem>> -> memref<16xi32, #tpu.memory_space<vmem>>
          %gather3A_152 = tpu.vector_load_idx %gather3A_151[%broadcast_in_dim3A_145] : memref<16xi32, #tpu.memory_space<vmem>>[vector<16xi32>], vector<16xi32>,
          %slice3A_153 = vector.extract_strided_slice %gather3A_152 {offsets = [0], sizes = [1], strides = [1]} : vector<16xi32> to vector<1xi32>
          %squeeze3A_154 = vector.extract %slice3A_153[0] : i32 from vector<1xi32>
          %and3A_155 = arith.constant 15 : i32
          %and3A_156 = arith.andi %while3A_144, %and3A_155 : i32
          %ge3A = arith.constant 16 : i32
          %ge3A_157 = arith.cmpi sge, %while3A_144, %ge3A : i32
          %convert_element_type3A_158 = arith.extui %ge3A_157 : i1 to i32
          %cond3A_159 = arith.constant 0 : i32
          %cond3A_160 = arith.cmpi ne, %convert_element_type3A_158, %cond3A_159 : i32
          scf.if %cond3A_160 {
            %dma_wait3A_236 = arith.constant 0 : i32
            %dma_wait3A_237 = arith.constant 0 : i32
            %dma_wait3A_238 = arith.constant 0 : i32
            %dma_wait3A_239 = tpu.memref_slice %arg13[%dma_wait3A_237, %dma_wait3A_238] : memref<16x128xf32, #tpu.memory_space<vmem>> -> memref<1x128xf32, #tpu.memory_space<vmem>>
            %dma_wait3A_240 = tpu.memref_squeeze %dma_wait3A_239 : memref<1x128xf32, #tpu.memory_space<vmem>> -> memref<128xf32, #tpu.memory_space<vmem>>
            %dma_wait3A_241 = arith.constant 0 : i32
            %dma_wait3A_242 = tpu.memref_slice %arg5[%dma_wait3A_236, %dma_wait3A_241] : memref<16384x128xf32, #tpu.memory_space<hbm>> -> memref<1x128xf32, #tpu.memory_space<hbm>>
            %dma_wait3A_243 = tpu.memref_squeeze %dma_wait3A_242 : memref<1x128xf32, #tpu.memory_space<hbm>> -> memref<128xf32, #tpu.memory_space<hbm>>
            %dma_wait3A_244 = tpu.memref_slice %arg14[%and3A_156] : memref<16x!tpu.dma_semaphore, #tpu.memory_space<semaphore_mem>> -> memref<1x!tpu.dma_semaphore, #tpu.memory_space<semaphore_mem>>
            %dma_wait3A_245 = tpu.memref_squeeze %dma_wait3A_244 : memref<1x!tpu.dma_semaphore, #tpu.memory_space<semaphore_mem>> -> memref<!tpu.dma_semaphore, #tpu.memory_space<semaphore_mem>>
            %dma_wait3A_246 = arith.constant 0 : i32
            %dma_wait3A_247 = tpu.memref_slice %arg13[%dma_wait3A_237, %dma_wait3A_246] : memref<16x128xf32, #tpu.memory_space<vmem>> -> memref<1x128xf32, #tpu.memory_space<vmem>>
            %dma_wait3A_248 = tpu.memref_squeeze %dma_wait3A_247 : memref<1x128xf32, #tpu.memory_space<vmem>> -> memref<128xf32, #tpu.memory_space<vmem>>
            %dma_wait3A_249 = arith.constant 0 : i32
            %dma_wait3A_250 = tpu.memref_slice %arg5[%dma_wait3A_236, %dma_wait3A_249] : memref<16384x128xf32, #tpu.memory_space<hbm>> -> memref<1x128xf32, #tpu.memory_space<hbm>>
            %dma_wait3A_251 = tpu.memref_squeeze %dma_wait3A_250 : memref<1x128xf32, #tpu.memory_space<hbm>> -> memref<128xf32, #tpu.memory_space<hbm>>
            tpu.wait_dma2 semaphore(%dma_wait3A_245 : memref<!tpu.dma_semaphore, #tpu.memory_space<semaphore_mem>>) src(%dma_wait3A_251 : memref<128xf32, #tpu.memory_space<hbm>>) dst(%dma_wait3A_248 : memref<128xf32, #tpu.memory_space<vmem>>)
          } else {
          }
          %iota3A = tpu.iota {dimensions = array<i32: 0>} : vector<16xi32>
          %add3A_161 = arith.constant 0 : i32
          %add3A_162 = vector.broadcast %add3A_161 : i32 to vector<16xi32>
          %add3A_163 = arith.addi %iota3A, %add3A_162 : vector<16xi32>
          %gather3A_164 = arith.constant 0 : i32
          %gather3A_165 = arith.constant 0 : i32
          %gather3A_166 = tpu.memref_slice %arg9[%and3A_103, %gather3A_164, %gather3A_165] : memref<2x64x512xf32, #tpu.memory_space<vmem>> -> memref<1x64x512xf32, #tpu.memory_space<vmem>>
          %gather3A_167 = tpu.memref_squeeze %gather3A_166 : memref<1x64x512xf32, #tpu.memory_space<vmem>> -> memref<64x512xf32, #tpu.memory_space<vmem>>
          %gather3A_168 = arith.constant 0 : i32
          %gather3A_169 = arith.constant 0 : i32
          %gather3A_170 = tpu.memref_slice %gather3A_167[%gather3A_168, %gather3A_169] : memref<64x512xf32, #tpu.memory_space<vmem>> -> memref<64x512xf32, #tpu.memory_space<vmem>>
          %gather3A_171 = tpu.vector_load_idx %gather3A_170[%add3A_163, %sub3A_149] : memref<64x512xf32, #tpu.memory_space<vmem>>[vector<16xi32>, vector<16xi32>], vector<16xf32>,
          %swap3A_172 = arith.index_cast %and3A_156 : i32 to index
          %swap3A_173 = arith.constant 0 : index
          %swap3A_174 = tpu.vector_load %arg13[%swap3A_172, %swap3A_173] {strides = array<i32>} : memref<16x128xf32, #tpu.memory_space<vmem>>, vector<16xf32>,
          tpu.vector_store %arg13[%swap3A_172, %swap3A_173], %gather3A_171 {strides = array<i32>} : memref<16x128xf32, #tpu.memory_space<vmem>>, vector<16xf32>,
          %iota3A_175 = tpu.iota {dimensions = array<i32: 0>} : vector<16xi32>
          %add3A_176 = arith.constant 16 : i32
          %add3A_177 = vector.broadcast %add3A_176 : i32 to vector<16xi32>
          %add3A_178 = arith.addi %iota3A_175, %add3A_177 : vector<16xi32>
          %gather3A_179 = arith.constant 0 : i32
          %gather3A_180 = arith.constant 0 : i32
          %gather3A_181 = tpu.memref_slice %arg9[%and3A_103, %gather3A_179, %gather3A_180] : memref<2x64x512xf32, #tpu.memory_space<vmem>> -> memref<1x64x512xf32, #tpu.memory_space<vmem>>
          %gather3A_182 = tpu.memref_squeeze %gather3A_181 : memref<1x64x512xf32, #tpu.memory_space<vmem>> -> memref<64x512xf32, #tpu.memory_space<vmem>>
          %gather3A_183 = arith.constant 0 : i32
          %gather3A_184 = arith.constant 0 : i32
          %gather3A_185 = tpu.memref_slice %gather3A_182[%gather3A_183, %gather3A_184] : memref<64x512xf32, #tpu.memory_space<vmem>> -> memref<64x512xf32, #tpu.memory_space<vmem>>
          %gather3A_186 = tpu.vector_load_idx %gather3A_185[%add3A_178, %sub3A_149] : memref<64x512xf32, #tpu.memory_space<vmem>>[vector<16xi32>, vector<16xi32>], vector<16xf32>,
          %swap3A_187 = arith.index_cast %and3A_156 : i32 to index
          %swap3A_188 = arith.constant 16 : index
          %swap3A_189 = tpu.vector_load %arg13[%swap3A_187, %swap3A_188] {strides = array<i32>} : memref<16x128xf32, #tpu.memory_space<vmem>>, vector<16xf32>,
          tpu.vector_store %arg13[%swap3A_187, %swap3A_188], %gather3A_186 {strides = array<i32>} : memref<16x128xf32, #tpu.memory_space<vmem>>, vector<16xf32>,
          %iota3A_190 = tpu.iota {dimensions = array<i32: 0>} : vector<16xi32>
          %add3A_191 = arith.constant 32 : i32
          %add3A_192 = vector.broadcast %add3A_191 : i32 to vector<16xi32>
          %add3A_193 = arith.addi %iota3A_190, %add3A_192 : vector<16xi32>
          %gather3A_194 = arith.constant 0 : i32
          %gather3A_195 = arith.constant 0 : i32
          %gather3A_196 = tpu.memref_slice %arg9[%and3A_103, %gather3A_194, %gather3A_195] : memref<2x64x512xf32, #tpu.memory_space<vmem>> -> memref<1x64x512xf32, #tpu.memory_space<vmem>>
          %gather3A_197 = tpu.memref_squeeze %gather3A_196 : memref<1x64x512xf32, #tpu.memory_space<vmem>> -> memref<64x512xf32, #tpu.memory_space<vmem>>
          %gather3A_198 = arith.constant 0 : i32
          %gather3A_199 = arith.constant 0 : i32
          %gather3A_200 = tpu.memref_slice %gather3A_197[%gather3A_198, %gather3A_199] : memref<64x512xf32, #tpu.memory_space<vmem>> -> memref<64x512xf32, #tpu.memory_space<vmem>>
          %gather3A_201 = tpu.vector_load_idx %gather3A_200[%add3A_193, %sub3A_149] : memref<64x512xf32, #tpu.memory_space<vmem>>[vector<16xi32>, vector<16xi32>], vector<16xf32>,
          %swap3A_202 = arith.index_cast %and3A_156 : i32 to index
          %swap3A_203 = arith.constant 32 : index
          %swap3A_204 = tpu.vector_load %arg13[%swap3A_202, %swap3A_203] {strides = array<i32>} : memref<16x128xf32, #tpu.memory_space<vmem>>, vector<16xf32>,
          tpu.vector_store %arg13[%swap3A_202, %swap3A_203], %gather3A_201 {strides = array<i32>} : memref<16x128xf32, #tpu.memory_space<vmem>>, vector<16xf32>,
          %iota3A_205 = tpu.iota {dimensions = array<i32: 0>} : vector<16xi32>
          %add3A_206 = arith.constant 48 : i32
          %add3A_207 = vector.broadcast %add3A_206 : i32 to vector<16xi32>
          %add3A_208 = arith.addi %iota3A_205, %add3A_207 : vector<16xi32>
          %gather3A_209 = arith.constant 0 : i32
          %gather3A_210 = arith.constant 0 : i32
          %gather3A_211 = tpu.memref_slice %arg9[%and3A_103, %gather3A_209, %gather3A_210] : memref<2x64x512xf32, #tpu.memory_space<vmem>> -> memref<1x64x512xf32, #tpu.memory_space<vmem>>
          %gather3A_212 = tpu.memref_squeeze %gather3A_211 : memref<1x64x512xf32, #tpu.memory_space<vmem>> -> memref<64x512xf32, #tpu.memory_space<vmem>>
          %gather3A_213 = arith.constant 0 : i32
          %gather3A_214 = arith.constant 0 : i32
          %gather3A_215 = tpu.memref_slice %gather3A_212[%gather3A_213, %gather3A_214] : memref<64x512xf32, #tpu.memory_space<vmem>> -> memref<64x512xf32, #tpu.memory_space<vmem>>
          %gather3A_216 = tpu.vector_load_idx %gather3A_215[%add3A_208, %sub3A_149] : memref<64x512xf32, #tpu.memory_space<vmem>>[vector<16xi32>, vector<16xi32>], vector<16xf32>,
          %swap3A_217 = arith.index_cast %and3A_156 : i32 to index
          %swap3A_218 = arith.constant 48 : index
          %swap3A_219 = tpu.vector_load %arg13[%swap3A_217, %swap3A_218] {strides = array<i32>} : memref<16x128xf32, #tpu.memory_space<vmem>>, vector<16xf32>,
          tpu.vector_store %arg13[%swap3A_217, %swap3A_218], %gather3A_216 {strides = array<i32>} : memref<16x128xf32, #tpu.memory_space<vmem>>, vector<16xf32>,
          %dma_start3A_220 = arith.constant 0 : i32
          %dma_start3A_221 = tpu.memref_slice %arg13[%and3A_156, %dma_start3A_220] : memref<16x128xf32, #tpu.memory_space<vmem>> -> memref<1x128xf32, #tpu.memory_space<vmem>>
          %dma_start3A_222 = tpu.memref_squeeze %dma_start3A_221 : memref<1x128xf32, #tpu.memory_space<vmem>> -> memref<128xf32, #tpu.memory_space<vmem>>
          %dma_start3A_223 = arith.constant 0 : i32
          %dma_start3A_224 = tpu.memref_slice %arg5[%squeeze3A_154, %dma_start3A_223] : memref<16384x128xf32, #tpu.memory_space<hbm>> -> memref<1x128xf32, #tpu.memory_space<hbm>>
          %dma_start3A_225 = tpu.memref_squeeze %dma_start3A_224 : memref<1x128xf32, #tpu.memory_space<hbm>> -> memref<128xf32, #tpu.memory_space<hbm>>
          %dma_start3A_226 = tpu.memref_slice %arg14[%and3A_156] : memref<16x!tpu.dma_semaphore, #tpu.memory_space<semaphore_mem>> -> memref<1x!tpu.dma_semaphore, #tpu.memory_space<semaphore_mem>>
          %dma_start3A_227 = tpu.memref_squeeze %dma_start3A_226 : memref<1x!tpu.dma_semaphore, #tpu.memory_space<semaphore_mem>> -> memref<!tpu.dma_semaphore, #tpu.memory_space<semaphore_mem>>
          %dma_start3A_228 = arith.constant 0 : i32
          %dma_start3A_229 = tpu.memref_slice %arg5[%squeeze3A_154, %dma_start3A_228] : memref<16384x128xf32, #tpu.memory_space<hbm>> -> memref<1x128xf32, #tpu.memory_space<hbm>>
          %dma_start3A_230 = tpu.memref_squeeze %dma_start3A_229 : memref<1x128xf32, #tpu.memory_space<hbm>> -> memref<128xf32, #tpu.memory_space<hbm>>
          %dma_start3A_231 = arith.constant 0 : i32
          %dma_start3A_232 = tpu.memref_slice %arg13[%and3A_156, %dma_start3A_231] : memref<16x128xf32, #tpu.memory_space<vmem>> -> memref<1x128xf32, #tpu.memory_space<vmem>>
          %dma_start3A_233 = tpu.memref_squeeze %dma_start3A_232 : memref<1x128xf32, #tpu.memory_space<vmem>> -> memref<128xf32, #tpu.memory_space<vmem>>
          tpu.enqueue_dma source(%dma_start3A_233 : memref<128xf32, #tpu.memory_space<vmem>>) target(%dma_start3A_230 : memref<128xf32, #tpu.memory_space<hbm>>) target_semaphore(%dma_start3A_227 : memref<!tpu.dma_semaphore, #tpu.memory_space<semaphore_mem>>)
          %add3A_234 = arith.constant 1 : i32
          %add3A_235 = arith.addi %while3A_144, %add3A_234 : i32
          scf.yield %add3A_235 : i32
        }
        scf.yield %while3A_142 : i32
      }
      %while3A_113 = arith.constant 1 : i32
      %while3A_114 = scf.for %while3A_115 = %while3A_110 to %while3A_106 step %while3A_113 iter_args(%while3A_116 = %while3A_112) -> (i32)  : i32 {
        %mul3A_117 = arith.constant 16 : i32
        %mul3A_118 = arith.muli %while3A_115, %mul3A_117 : i32
        %get3A = arith.index_cast %mul3A_118 : i32 to index
        %get3A_119 = tpu.vector_load %arg6[%get3A] {strides = array<i32>} : memref<16416xi32, #tpu.memory_space<vmem>>, vector<16xi32>,
        %mul3A_120 = arith.constant 16 : i32
        %mul3A_121 = arith.muli %while3A_115, %mul3A_120 : i32
        %get3A_122 = arith.index_cast %mul3A_121 : i32 to index
        %get3A_123 = tpu.vector_load %arg7[%get3A_122] {strides = array<i32>} : memref<16416xi32, #tpu.memory_space<vmem>>, vector<16xi32>,
        %shift_right_arithmetic3A = arith.constant 9 : i32
        %shift_right_arithmetic3A_124 = vector.broadcast %shift_right_arithmetic3A : i32 to vector<16xi32>
        %shift_right_arithmetic3A_125 = arith.shrsi %get3A_119, %shift_right_arithmetic3A_124 : vector<16xi32>
        %eq3A_126 = vector.broadcast %add3A_99 : i32 to vector<16xi32>
        %eq3A_127 = arith.cmpi eq, %shift_right_arithmetic3A_125, %eq3A_126 : vector<16xi32>
        %all_reduce_population_count3A = tpu.all_reduce %eq3A_127 {dim = 0 : i64, kind = #tpu.reduction_kind<sum>} : vector<16xi1> -> vector<16xi32>
        %slice3A = vector.extract_strided_slice %all_reduce_population_count3A {offsets = [0], sizes = [1], strides = [1]} : vector<16xi32> to vector<1xi32>
        %squeeze3A = vector.extract %slice3A[0] : i32 from vector<1xi32>
        %swap3A_128 = arith.constant 0 : index
        %swap3A_129 = tpu.vector_load %arg11[%swap3A_128] masked %eq3A_127 {strides = array<i32>} : memref<16xi32, #tpu.memory_space<vmem>>, vector<16xi32>, vector<16xi1>
        tpu.vector_store %arg11[%swap3A_128], %get3A_119 masked %eq3A_127 {strides = array<i32>} : memref<16xi32, #tpu.memory_space<vmem>>, vector<16xi32>, vector<16xi1>
        %swap3A_130 = arith.constant 0 : index
        %swap3A_131 = tpu.vector_load %arg12[%swap3A_130] masked %eq3A_127 {strides = array<i32>} : memref<16xi32, #tpu.memory_space<vmem>>, vector<16xi32>, vector<16xi1>
        tpu.vector_store %arg12[%swap3A_130], %get3A_123 masked %eq3A_127 {strides = array<i32>} : memref<16xi32, #tpu.memory_space<vmem>>, vector<16xi32>, vector<16xi1>
        %while3A_132 = arith.constant 0 : i32
        %while3A_133 = arith.subi %squeeze3A, %while3A_132 : i32
        %while3A_134 = arith.addi %while3A_132, %while3A_133 : i32
        %while3A_135 = arith.constant 1 : i32
        %while3A_136 = arith.divsi %while3A_133, %while3A_135 : i32
        %while3A_137 = arith.muli %while3A_136, %while3A_135 : i32
        %while3A_138 = arith.addi %while3A_132, %while3A_137 : i32
        %while3A_139 = arith.constant 1 : i32
        %while3A_140 = scf.for %while3A_143 = %while3A_132 to %while3A_138 step %while3A_139 iter_args(%while3A_144 = %while3A_116) -> (i32)  : i32 {
          %broadcast_in_dim3A_145 = vector.broadcast %while3A_143 : i32 to vector<16xi32>
          %gather3A = arith.constant 0 : i32
          %gather3A_146 = tpu.memref_slice %arg11[%gather3A] : memref<16xi32, #tpu.memory_space<vmem>> -> memref<16xi32, #tpu.memory_space<vmem>>
          %gather3A_147 = tpu.vector_load_idx %gather3A_146[%broadcast_in_dim3A_145] : memref<16xi32, #tpu.memory_space<vmem>>[vector<16xi32>], vector<16xi32>,
          %sub3A_148 = vector.broadcast %mul3A_101 : i32 to vector<16xi32>
          %sub3A_149 = arith.subi %gather3A_147, %sub3A_148 : vector<16xi32>
          %gather3A_150 = arith.constant 0 : i32
          %gather3A_151 = tpu.memref_slice %arg12[%gather3A_150] : memref<16xi32, #tpu.memory_space<vmem>> -> memref<16xi32, #tpu.memory_space<vmem>>
          %gather3A_152 = tpu.vector_load_idx %gather3A_151[%broadcast_in_dim3A_145] : memref<16xi32, #tpu.memory_space<vmem>>[vector<16xi32>], vector<16xi32>,
          %slice3A_153 = vector.extract_strided_slice %gather3A_152 {offsets = [0], sizes = [1], strides = [1]} : vector<16xi32> to vector<1xi32>
          %squeeze3A_154 = vector.extract %slice3A_153[0] : i32 from vector<1xi32>
          %and3A_155 = arith.constant 15 : i32
          %and3A_156 = arith.andi %while3A_144, %and3A_155 : i32
          %ge3A = arith.constant 16 : i32
          %ge3A_157 = arith.cmpi sge, %while3A_144, %ge3A : i32
          %convert_element_type3A_158 = arith.extui %ge3A_157 : i1 to i32
          %cond3A_159 = arith.constant 0 : i32
          %cond3A_160 = arith.cmpi ne, %convert_element_type3A_158, %cond3A_159 : i32
          scf.if %cond3A_160 {
            %dma_wait3A_236 = arith.constant 0 : i32
            %dma_wait3A_237 = arith.constant 0 : i32
            %dma_wait3A_238 = arith.constant 0 : i32
            %dma_wait3A_239 = tpu.memref_slice %arg13[%dma_wait3A_237, %dma_wait3A_238] : memref<16x128xf32, #tpu.memory_space<vmem>> -> memref<1x128xf32, #tpu.memory_space<vmem>>
            %dma_wait3A_240 = tpu.memref_squeeze %dma_wait3A_239 : memref<1x128xf32, #tpu.memory_space<vmem>> -> memref<128xf32, #tpu.memory_space<vmem>>
            %dma_wait3A_241 = arith.constant 0 : i32
            %dma_wait3A_242 = tpu.memref_slice %arg5[%dma_wait3A_236, %dma_wait3A_241] : memref<16384x128xf32, #tpu.memory_space<hbm>> -> memref<1x128xf32, #tpu.memory_space<hbm>>
            %dma_wait3A_243 = tpu.memref_squeeze %dma_wait3A_242 : memref<1x128xf32, #tpu.memory_space<hbm>> -> memref<128xf32, #tpu.memory_space<hbm>>
            %dma_wait3A_244 = tpu.memref_slice %arg14[%and3A_156] : memref<16x!tpu.dma_semaphore, #tpu.memory_space<semaphore_mem>> -> memref<1x!tpu.dma_semaphore, #tpu.memory_space<semaphore_mem>>
            %dma_wait3A_245 = tpu.memref_squeeze %dma_wait3A_244 : memref<1x!tpu.dma_semaphore, #tpu.memory_space<semaphore_mem>> -> memref<!tpu.dma_semaphore, #tpu.memory_space<semaphore_mem>>
            %dma_wait3A_246 = arith.constant 0 : i32
            %dma_wait3A_247 = tpu.memref_slice %arg13[%dma_wait3A_237, %dma_wait3A_246] : memref<16x128xf32, #tpu.memory_space<vmem>> -> memref<1x128xf32, #tpu.memory_space<vmem>>
            %dma_wait3A_248 = tpu.memref_squeeze %dma_wait3A_247 : memref<1x128xf32, #tpu.memory_space<vmem>> -> memref<128xf32, #tpu.memory_space<vmem>>
            %dma_wait3A_249 = arith.constant 0 : i32
            %dma_wait3A_250 = tpu.memref_slice %arg5[%dma_wait3A_236, %dma_wait3A_249] : memref<16384x128xf32, #tpu.memory_space<hbm>> -> memref<1x128xf32, #tpu.memory_space<hbm>>
            %dma_wait3A_251 = tpu.memref_squeeze %dma_wait3A_250 : memref<1x128xf32, #tpu.memory_space<hbm>> -> memref<128xf32, #tpu.memory_space<hbm>>
            tpu.wait_dma2 semaphore(%dma_wait3A_245 : memref<!tpu.dma_semaphore, #tpu.memory_space<semaphore_mem>>) src(%dma_wait3A_251 : memref<128xf32, #tpu.memory_space<hbm>>) dst(%dma_wait3A_248 : memref<128xf32, #tpu.memory_space<vmem>>)
          } else {
          }
          %iota3A = tpu.iota {dimensions = array<i32: 0>} : vector<16xi32>
          %add3A_161 = arith.constant 0 : i32
          %add3A_162 = vector.broadcast %add3A_161 : i32 to vector<16xi32>
          %add3A_163 = arith.addi %iota3A, %add3A_162 : vector<16xi32>
          %gather3A_164 = arith.constant 0 : i32
          %gather3A_165 = arith.constant 0 : i32
          %gather3A_166 = tpu.memref_slice %arg9[%and3A_103, %gather3A_164, %gather3A_165] : memref<2x64x512xf32, #tpu.memory_space<vmem>> -> memref<1x64x512xf32, #tpu.memory_space<vmem>>
          %gather3A_167 = tpu.memref_squeeze %gather3A_166 : memref<1x64x512xf32, #tpu.memory_space<vmem>> -> memref<64x512xf32, #tpu.memory_space<vmem>>
          %gather3A_168 = arith.constant 0 : i32
          %gather3A_169 = arith.constant 0 : i32
          %gather3A_170 = tpu.memref_slice %gather3A_167[%gather3A_168, %gather3A_169] : memref<64x512xf32, #tpu.memory_space<vmem>> -> memref<64x512xf32, #tpu.memory_space<vmem>>
          %gather3A_171 = tpu.vector_load_idx %gather3A_170[%add3A_163, %sub3A_149] : memref<64x512xf32, #tpu.memory_space<vmem>>[vector<16xi32>, vector<16xi32>], vector<16xf32>,
          %swap3A_172 = arith.index_cast %and3A_156 : i32 to index
          %swap3A_173 = arith.constant 0 : index
          %swap3A_174 = tpu.vector_load %arg13[%swap3A_172, %swap3A_173] {strides = array<i32>} : memref<16x128xf32, #tpu.memory_space<vmem>>, vector<16xf32>,
          tpu.vector_store %arg13[%swap3A_172, %swap3A_173], %gather3A_171 {strides = array<i32>} : memref<16x128xf32, #tpu.memory_space<vmem>>, vector<16xf32>,
          %iota3A_175 = tpu.iota {dimensions = array<i32: 0>} : vector<16xi32>
          %add3A_176 = arith.constant 16 : i32
          %add3A_177 = vector.broadcast %add3A_176 : i32 to vector<16xi32>
          %add3A_178 = arith.addi %iota3A_175, %add3A_177 : vector<16xi32>
          %gather3A_179 = arith.constant 0 : i32
          %gather3A_180 = arith.constant 0 : i32
          %gather3A_181 = tpu.memref_slice %arg9[%and3A_103, %gather3A_179, %gather3A_180] : memref<2x64x512xf32, #tpu.memory_space<vmem>> -> memref<1x64x512xf32, #tpu.memory_space<vmem>>
          %gather3A_182 = tpu.memref_squeeze %gather3A_181 : memref<1x64x512xf32, #tpu.memory_space<vmem>> -> memref<64x512xf32, #tpu.memory_space<vmem>>
          %gather3A_183 = arith.constant 0 : i32
          %gather3A_184 = arith.constant 0 : i32
          %gather3A_185 = tpu.memref_slice %gather3A_182[%gather3A_183, %gather3A_184] : memref<64x512xf32, #tpu.memory_space<vmem>> -> memref<64x512xf32, #tpu.memory_space<vmem>>
          %gather3A_186 = tpu.vector_load_idx %gather3A_185[%add3A_178, %sub3A_149] : memref<64x512xf32, #tpu.memory_space<vmem>>[vector<16xi32>, vector<16xi32>], vector<16xf32>,
          %swap3A_187 = arith.index_cast %and3A_156 : i32 to index
          %swap3A_188 = arith.constant 16 : index
          %swap3A_189 = tpu.vector_load %arg13[%swap3A_187, %swap3A_188] {strides = array<i32>} : memref<16x128xf32, #tpu.memory_space<vmem>>, vector<16xf32>,
          tpu.vector_store %arg13[%swap3A_187, %swap3A_188], %gather3A_186 {strides = array<i32>} : memref<16x128xf32, #tpu.memory_space<vmem>>, vector<16xf32>,
          %iota3A_190 = tpu.iota {dimensions = array<i32: 0>} : vector<16xi32>
          %add3A_191 = arith.constant 32 : i32
          %add3A_192 = vector.broadcast %add3A_191 : i32 to vector<16xi32>
          %add3A_193 = arith.addi %iota3A_190, %add3A_192 : vector<16xi32>
          %gather3A_194 = arith.constant 0 : i32
          %gather3A_195 = arith.constant 0 : i32
          %gather3A_196 = tpu.memref_slice %arg9[%and3A_103, %gather3A_194, %gather3A_195] : memref<2x64x512xf32, #tpu.memory_space<vmem>> -> memref<1x64x512xf32, #tpu.memory_space<vmem>>
          %gather3A_197 = tpu.memref_squeeze %gather3A_196 : memref<1x64x512xf32, #tpu.memory_space<vmem>> -> memref<64x512xf32, #tpu.memory_space<vmem>>
          %gather3A_198 = arith.constant 0 : i32
          %gather3A_199 = arith.constant 0 : i32
          %gather3A_200 = tpu.memref_slice %gather3A_197[%gather3A_198, %gather3A_199] : memref<64x512xf32, #tpu.memory_space<vmem>> -> memref<64x512xf32, #tpu.memory_space<vmem>>
          %gather3A_201 = tpu.vector_load_idx %gather3A_200[%add3A_193, %sub3A_149] : memref<64x512xf32, #tpu.memory_space<vmem>>[vector<16xi32>, vector<16xi32>], vector<16xf32>,
          %swap3A_202 = arith.index_cast %and3A_156 : i32 to index
          %swap3A_203 = arith.constant 32 : index
          %swap3A_204 = tpu.vector_load %arg13[%swap3A_202, %swap3A_203] {strides = array<i32>} : memref<16x128xf32, #tpu.memory_space<vmem>>, vector<16xf32>,
          tpu.vector_store %arg13[%swap3A_202, %swap3A_203], %gather3A_201 {strides = array<i32>} : memref<16x128xf32, #tpu.memory_space<vmem>>, vector<16xf32>,
          %iota3A_205 = tpu.iota {dimensions = array<i32: 0>} : vector<16xi32>
          %add3A_206 = arith.constant 48 : i32
          %add3A_207 = vector.broadcast %add3A_206 : i32 to vector<16xi32>
          %add3A_208 = arith.addi %iota3A_205, %add3A_207 : vector<16xi32>
          %gather3A_209 = arith.constant 0 : i32
          %gather3A_210 = arith.constant 0 : i32
          %gather3A_211 = tpu.memref_slice %arg9[%and3A_103, %gather3A_209, %gather3A_210] : memref<2x64x512xf32, #tpu.memory_space<vmem>> -> memref<1x64x512xf32, #tpu.memory_space<vmem>>
          %gather3A_212 = tpu.memref_squeeze %gather3A_211 : memref<1x64x512xf32, #tpu.memory_space<vmem>> -> memref<64x512xf32, #tpu.memory_space<vmem>>
          %gather3A_213 = arith.constant 0 : i32
          %gather3A_214 = arith.constant 0 : i32
          %gather3A_215 = tpu.memref_slice %gather3A_212[%gather3A_213, %gather3A_214] : memref<64x512xf32, #tpu.memory_space<vmem>> -> memref<64x512xf32, #tpu.memory_space<vmem>>
          %gather3A_216 = tpu.vector_load_idx %gather3A_215[%add3A_208, %sub3A_149] : memref<64x512xf32, #tpu.memory_space<vmem>>[vector<16xi32>, vector<16xi32>], vector<16xf32>,
          %swap3A_217 = arith.index_cast %and3A_156 : i32 to index
          %swap3A_218 = arith.constant 48 : index
          %swap3A_219 = tpu.vector_load %arg13[%swap3A_217, %swap3A_218] {strides = array<i32>} : memref<16x128xf32, #tpu.memory_space<vmem>>, vector<16xf32>,
          tpu.vector_store %arg13[%swap3A_217, %swap3A_218], %gather3A_216 {strides = array<i32>} : memref<16x128xf32, #tpu.memory_space<vmem>>, vector<16xf32>,
          %dma_start3A_220 = arith.constant 0 : i32
          %dma_start3A_221 = tpu.memref_slice %arg13[%and3A_156, %dma_start3A_220] : memref<16x128xf32, #tpu.memory_space<vmem>> -> memref<1x128xf32, #tpu.memory_space<vmem>>
          %dma_start3A_222 = tpu.memref_squeeze %dma_start3A_221 : memref<1x128xf32, #tpu.memory_space<vmem>> -> memref<128xf32, #tpu.memory_space<vmem>>
          %dma_start3A_223 = arith.constant 0 : i32
          %dma_start3A_224 = tpu.memref_slice %arg5[%squeeze3A_154, %dma_start3A_223] : memref<16384x128xf32, #tpu.memory_space<hbm>> -> memref<1x128xf32, #tpu.memory_space<hbm>>
          %dma_start3A_225 = tpu.memref_squeeze %dma_start3A_224 : memref<1x128xf32, #tpu.memory_space<hbm>> -> memref<128xf32, #tpu.memory_space<hbm>>
          %dma_start3A_226 = tpu.memref_slice %arg14[%and3A_156] : memref<16x!tpu.dma_semaphore, #tpu.memory_space<semaphore_mem>> -> memref<1x!tpu.dma_semaphore, #tpu.memory_space<semaphore_mem>>
          %dma_start3A_227 = tpu.memref_squeeze %dma_start3A_226 : memref<1x!tpu.dma_semaphore, #tpu.memory_space<semaphore_mem>> -> memref<!tpu.dma_semaphore, #tpu.memory_space<semaphore_mem>>
          %dma_start3A_228 = arith.constant 0 : i32
          %dma_start3A_229 = tpu.memref_slice %arg5[%squeeze3A_154, %dma_start3A_228] : memref<16384x128xf32, #tpu.memory_space<hbm>> -> memref<1x128xf32, #tpu.memory_space<hbm>>
          %dma_start3A_230 = tpu.memref_squeeze %dma_start3A_229 : memref<1x128xf32, #tpu.memory_space<hbm>> -> memref<128xf32, #tpu.memory_space<hbm>>
          %dma_start3A_231 = arith.constant 0 : i32
          %dma_start3A_232 = tpu.memref_slice %arg13[%and3A_156, %dma_start3A_231] : memref<16x128xf32, #tpu.memory_space<vmem>> -> memref<1x128xf32, #tpu.memory_space<vmem>>
          %dma_start3A_233 = tpu.memref_squeeze %dma_start3A_232 : memref<1x128xf32, #tpu.memory_space<vmem>> -> memref<128xf32, #tpu.memory_space<vmem>>
          tpu.enqueue_dma source(%dma_start3A_233 : memref<128xf32, #tpu.memory_space<vmem>>) target(%dma_start3A_230 : memref<128xf32, #tpu.memory_space<hbm>>) target_semaphore(%dma_start3A_227 : memref<!tpu.dma_semaphore, #tpu.memory_space<semaphore_mem>>)
          %add3A_234 = arith.constant 1 : i32
          %add3A_235 = arith.addi %while3A_144, %add3A_234 : i32
          scf.yield %add3A_235 : i32
        }
        %while3A_141 = arith.constant 1 : i32
        %while3A_142 = scf.for %while3A_143 = %while3A_138 to %while3A_134 step %while3A_141 iter_args(%while3A_144 = %while3A_140) -> (i32)  : i32 {
          %broadcast_in_dim3A_145 = vector.broadcast %while3A_143 : i32 to vector<16xi32>
          %gather3A = arith.constant 0 : i32
          %gather3A_146 = tpu.memref_slice %arg11[%gather3A] : memref<16xi32, #tpu.memory_space<vmem>> -> memref<16xi32, #tpu.memory_space<vmem>>
          %gather3A_147 = tpu.vector_load_idx %gather3A_146[%broadcast_in_dim3A_145] : memref<16xi32, #tpu.memory_space<vmem>>[vector<16xi32>], vector<16xi32>,
          %sub3A_148 = vector.broadcast %mul3A_101 : i32 to vector<16xi32>
          %sub3A_149 = arith.subi %gather3A_147, %sub3A_148 : vector<16xi32>
          %gather3A_150 = arith.constant 0 : i32
          %gather3A_151 = tpu.memref_slice %arg12[%gather3A_150] : memref<16xi32, #tpu.memory_space<vmem>> -> memref<16xi32, #tpu.memory_space<vmem>>
          %gather3A_152 = tpu.vector_load_idx %gather3A_151[%broadcast_in_dim3A_145] : memref<16xi32, #tpu.memory_space<vmem>>[vector<16xi32>], vector<16xi32>,
          %slice3A_153 = vector.extract_strided_slice %gather3A_152 {offsets = [0], sizes = [1], strides = [1]} : vector<16xi32> to vector<1xi32>
          %squeeze3A_154 = vector.extract %slice3A_153[0] : i32 from vector<1xi32>
          %and3A_155 = arith.constant 15 : i32
          %and3A_156 = arith.andi %while3A_144, %and3A_155 : i32
          %ge3A = arith.constant 16 : i32
          %ge3A_157 = arith.cmpi sge, %while3A_144, %ge3A : i32
          %convert_element_type3A_158 = arith.extui %ge3A_157 : i1 to i32
          %cond3A_159 = arith.constant 0 : i32
          %cond3A_160 = arith.cmpi ne, %convert_element_type3A_158, %cond3A_159 : i32
          scf.if %cond3A_160 {
            %dma_wait3A_236 = arith.constant 0 : i32
            %dma_wait3A_237 = arith.constant 0 : i32
            %dma_wait3A_238 = arith.constant 0 : i32
            %dma_wait3A_239 = tpu.memref_slice %arg13[%dma_wait3A_237, %dma_wait3A_238] : memref<16x128xf32, #tpu.memory_space<vmem>> -> memref<1x128xf32, #tpu.memory_space<vmem>>
            %dma_wait3A_240 = tpu.memref_squeeze %dma_wait3A_239 : memref<1x128xf32, #tpu.memory_space<vmem>> -> memref<128xf32, #tpu.memory_space<vmem>>
            %dma_wait3A_241 = arith.constant 0 : i32
            %dma_wait3A_242 = tpu.memref_slice %arg5[%dma_wait3A_236, %dma_wait3A_241] : memref<16384x128xf32, #tpu.memory_space<hbm>> -> memref<1x128xf32, #tpu.memory_space<hbm>>
            %dma_wait3A_243 = tpu.memref_squeeze %dma_wait3A_242 : memref<1x128xf32, #tpu.memory_space<hbm>> -> memref<128xf32, #tpu.memory_space<hbm>>
            %dma_wait3A_244 = tpu.memref_slice %arg14[%and3A_156] : memref<16x!tpu.dma_semaphore, #tpu.memory_space<semaphore_mem>> -> memref<1x!tpu.dma_semaphore, #tpu.memory_space<semaphore_mem>>
            %dma_wait3A_245 = tpu.memref_squeeze %dma_wait3A_244 : memref<1x!tpu.dma_semaphore, #tpu.memory_space<semaphore_mem>> -> memref<!tpu.dma_semaphore, #tpu.memory_space<semaphore_mem>>
            %dma_wait3A_246 = arith.constant 0 : i32
            %dma_wait3A_247 = tpu.memref_slice %arg13[%dma_wait3A_237, %dma_wait3A_246] : memref<16x128xf32, #tpu.memory_space<vmem>> -> memref<1x128xf32, #tpu.memory_space<vmem>>
            %dma_wait3A_248 = tpu.memref_squeeze %dma_wait3A_247 : memref<1x128xf32, #tpu.memory_space<vmem>> -> memref<128xf32, #tpu.memory_space<vmem>>
            %dma_wait3A_249 = arith.constant 0 : i32
            %dma_wait3A_250 = tpu.memref_slice %arg5[%dma_wait3A_236, %dma_wait3A_249] : memref<16384x128xf32, #tpu.memory_space<hbm>> -> memref<1x128xf32, #tpu.memory_space<hbm>>
            %dma_wait3A_251 = tpu.memref_squeeze %dma_wait3A_250 : memref<1x128xf32, #tpu.memory_space<hbm>> -> memref<128xf32, #tpu.memory_space<hbm>>
            tpu.wait_dma2 semaphore(%dma_wait3A_245 : memref<!tpu.dma_semaphore, #tpu.memory_space<semaphore_mem>>) src(%dma_wait3A_251 : memref<128xf32, #tpu.memory_space<hbm>>) dst(%dma_wait3A_248 : memref<128xf32, #tpu.memory_space<vmem>>)
          } else {
          }
          %iota3A = tpu.iota {dimensions = array<i32: 0>} : vector<16xi32>
          %add3A_161 = arith.constant 0 : i32
          %add3A_162 = vector.broadcast %add3A_161 : i32 to vector<16xi32>
          %add3A_163 = arith.addi %iota3A, %add3A_162 : vector<16xi32>
          %gather3A_164 = arith.constant 0 : i32
          %gather3A_165 = arith.constant 0 : i32
          %gather3A_166 = tpu.memref_slice %arg9[%and3A_103, %gather3A_164, %gather3A_165] : memref<2x64x512xf32, #tpu.memory_space<vmem>> -> memref<1x64x512xf32, #tpu.memory_space<vmem>>
          %gather3A_167 = tpu.memref_squeeze %gather3A_166 : memref<1x64x512xf32, #tpu.memory_space<vmem>> -> memref<64x512xf32, #tpu.memory_space<vmem>>
          %gather3A_168 = arith.constant 0 : i32
          %gather3A_169 = arith.constant 0 : i32
          %gather3A_170 = tpu.memref_slice %gather3A_167[%gather3A_168, %gather3A_169] : memref<64x512xf32, #tpu.memory_space<vmem>> -> memref<64x512xf32, #tpu.memory_space<vmem>>
          %gather3A_171 = tpu.vector_load_idx %gather3A_170[%add3A_163, %sub3A_149] : memref<64x512xf32, #tpu.memory_space<vmem>>[vector<16xi32>, vector<16xi32>], vector<16xf32>,
          %swap3A_172 = arith.index_cast %and3A_156 : i32 to index
          %swap3A_173 = arith.constant 0 : index
          %swap3A_174 = tpu.vector_load %arg13[%swap3A_172, %swap3A_173] {strides = array<i32>} : memref<16x128xf32, #tpu.memory_space<vmem>>, vector<16xf32>,
          tpu.vector_store %arg13[%swap3A_172, %swap3A_173], %gather3A_171 {strides = array<i32>} : memref<16x128xf32, #tpu.memory_space<vmem>>, vector<16xf32>,
          %iota3A_175 = tpu.iota {dimensions = array<i32: 0>} : vector<16xi32>
          %add3A_176 = arith.constant 16 : i32
          %add3A_177 = vector.broadcast %add3A_176 : i32 to vector<16xi32>
          %add3A_178 = arith.addi %iota3A_175, %add3A_177 : vector<16xi32>
          %gather3A_179 = arith.constant 0 : i32
          %gather3A_180 = arith.constant 0 : i32
          %gather3A_181 = tpu.memref_slice %arg9[%and3A_103, %gather3A_179, %gather3A_180] : memref<2x64x512xf32, #tpu.memory_space<vmem>> -> memref<1x64x512xf32, #tpu.memory_space<vmem>>
          %gather3A_182 = tpu.memref_squeeze %gather3A_181 : memref<1x64x512xf32, #tpu.memory_space<vmem>> -> memref<64x512xf32, #tpu.memory_space<vmem>>
          %gather3A_183 = arith.constant 0 : i32
          %gather3A_184 = arith.constant 0 : i32
          %gather3A_185 = tpu.memref_slice %gather3A_182[%gather3A_183, %gather3A_184] : memref<64x512xf32, #tpu.memory_space<vmem>> -> memref<64x512xf32, #tpu.memory_space<vmem>>
          %gather3A_186 = tpu.vector_load_idx %gather3A_185[%add3A_178, %sub3A_149] : memref<64x512xf32, #tpu.memory_space<vmem>>[vector<16xi32>, vector<16xi32>], vector<16xf32>,
          %swap3A_187 = arith.index_cast %and3A_156 : i32 to index
          %swap3A_188 = arith.constant 16 : index
          %swap3A_189 = tpu.vector_load %arg13[%swap3A_187, %swap3A_188] {strides = array<i32>} : memref<16x128xf32, #tpu.memory_space<vmem>>, vector<16xf32>,
          tpu.vector_store %arg13[%swap3A_187, %swap3A_188], %gather3A_186 {strides = array<i32>} : memref<16x128xf32, #tpu.memory_space<vmem>>, vector<16xf32>,
          %iota3A_190 = tpu.iota {dimensions = array<i32: 0>} : vector<16xi32>
          %add3A_191 = arith.constant 32 : i32
          %add3A_192 = vector.broadcast %add3A_191 : i32 to vector<16xi32>
          %add3A_193 = arith.addi %iota3A_190, %add3A_192 : vector<16xi32>
          %gather3A_194 = arith.constant 0 : i32
          %gather3A_195 = arith.constant 0 : i32
          %gather3A_196 = tpu.memref_slice %arg9[%and3A_103, %gather3A_194, %gather3A_195] : memref<2x64x512xf32, #tpu.memory_space<vmem>> -> memref<1x64x512xf32, #tpu.memory_space<vmem>>
          %gather3A_197 = tpu.memref_squeeze %gather3A_196 : memref<1x64x512xf32, #tpu.memory_space<vmem>> -> memref<64x512xf32, #tpu.memory_space<vmem>>
          %gather3A_198 = arith.constant 0 : i32
          %gather3A_199 = arith.constant 0 : i32
          %gather3A_200 = tpu.memref_slice %gather3A_197[%gather3A_198, %gather3A_199] : memref<64x512xf32, #tpu.memory_space<vmem>> -> memref<64x512xf32, #tpu.memory_space<vmem>>
          %gather3A_201 = tpu.vector_load_idx %gather3A_200[%add3A_193, %sub3A_149] : memref<64x512xf32, #tpu.memory_space<vmem>>[vector<16xi32>, vector<16xi32>], vector<16xf32>,
          %swap3A_202 = arith.index_cast %and3A_156 : i32 to index
          %swap3A_203 = arith.constant 32 : index
          %swap3A_204 = tpu.vector_load %arg13[%swap3A_202, %swap3A_203] {strides = array<i32>} : memref<16x128xf32, #tpu.memory_space<vmem>>, vector<16xf32>,
          tpu.vector_store %arg13[%swap3A_202, %swap3A_203], %gather3A_201 {strides = array<i32>} : memref<16x128xf32, #tpu.memory_space<vmem>>, vector<16xf32>,
          %iota3A_205 = tpu.iota {dimensions = array<i32: 0>} : vector<16xi32>
          %add3A_206 = arith.constant 48 : i32
          %add3A_207 = vector.broadcast %add3A_206 : i32 to vector<16xi32>
          %add3A_208 = arith.addi %iota3A_205, %add3A_207 : vector<16xi32>
          %gather3A_209 = arith.constant 0 : i32
          %gather3A_210 = arith.constant 0 : i32
          %gather3A_211 = tpu.memref_slice %arg9[%and3A_103, %gather3A_209, %gather3A_210] : memref<2x64x512xf32, #tpu.memory_space<vmem>> -> memref<1x64x512xf32, #tpu.memory_space<vmem>>
          %gather3A_212 = tpu.memref_squeeze %gather3A_211 : memref<1x64x512xf32, #tpu.memory_space<vmem>> -> memref<64x512xf32, #tpu.memory_space<vmem>>
          %gather3A_213 = arith.constant 0 : i32
          %gather3A_214 = arith.constant 0 : i32
          %gather3A_215 = tpu.memref_slice %gather3A_212[%gather3A_213, %gather3A_214] : memref<64x512xf32, #tpu.memory_space<vmem>> -> memref<64x512xf32, #tpu.memory_space<vmem>>
          %gather3A_216 = tpu.vector_load_idx %gather3A_215[%add3A_208, %sub3A_149] : memref<64x512xf32, #tpu.memory_space<vmem>>[vector<16xi32>, vector<16xi32>], vector<16xf32>,
          %swap3A_217 = arith.index_cast %and3A_156 : i32 to index
          %swap3A_218 = arith.constant 48 : index
          %swap3A_219 = tpu.vector_load %arg13[%swap3A_217, %swap3A_218] {strides = array<i32>} : memref<16x128xf32, #tpu.memory_space<vmem>>, vector<16xf32>,
          tpu.vector_store %arg13[%swap3A_217, %swap3A_218], %gather3A_216 {strides = array<i32>} : memref<16x128xf32, #tpu.memory_space<vmem>>, vector<16xf32>,
          %dma_start3A_220 = arith.constant 0 : i32
          %dma_start3A_221 = tpu.memref_slice %arg13[%and3A_156, %dma_start3A_220] : memref<16x128xf32, #tpu.memory_space<vmem>> -> memref<1x128xf32, #tpu.memory_space<vmem>>
          %dma_start3A_222 = tpu.memref_squeeze %dma_start3A_221 : memref<1x128xf32, #tpu.memory_space<vmem>> -> memref<128xf32, #tpu.memory_space<vmem>>
          %dma_start3A_223 = arith.constant 0 : i32
          %dma_start3A_224 = tpu.memref_slice %arg5[%squeeze3A_154, %dma_start3A_223] : memref<16384x128xf32, #tpu.memory_space<hbm>> -> memref<1x128xf32, #tpu.memory_space<hbm>>
          %dma_start3A_225 = tpu.memref_squeeze %dma_start3A_224 : memref<1x128xf32, #tpu.memory_space<hbm>> -> memref<128xf32, #tpu.memory_space<hbm>>
          %dma_start3A_226 = tpu.memref_slice %arg14[%and3A_156] : memref<16x!tpu.dma_semaphore, #tpu.memory_space<semaphore_mem>> -> memref<1x!tpu.dma_semaphore, #tpu.memory_space<semaphore_mem>>
          %dma_start3A_227 = tpu.memref_squeeze %dma_start3A_226 : memref<1x!tpu.dma_semaphore, #tpu.memory_space<semaphore_mem>> -> memref<!tpu.dma_semaphore, #tpu.memory_space<semaphore_mem>>
          %dma_start3A_228 = arith.constant 0 : i32
          %dma_start3A_229 = tpu.memref_slice %arg5[%squeeze3A_154, %dma_start3A_228] : memref<16384x128xf32, #tpu.memory_space<hbm>> -> memref<1x128xf32, #tpu.memory_space<hbm>>
          %dma_start3A_230 = tpu.memref_squeeze %dma_start3A_229 : memref<1x128xf32, #tpu.memory_space<hbm>> -> memref<128xf32, #tpu.memory_space<hbm>>
          %dma_start3A_231 = arith.constant 0 : i32
          %dma_start3A_232 = tpu.memref_slice %arg13[%and3A_156, %dma_start3A_231] : memref<16x128xf32, #tpu.memory_space<vmem>> -> memref<1x128xf32, #tpu.memory_space<vmem>>
          %dma_start3A_233 = tpu.memref_squeeze %dma_start3A_232 : memref<1x128xf32, #tpu.memory_space<vmem>> -> memref<128xf32, #tpu.memory_space<vmem>>
          tpu.enqueue_dma source(%dma_start3A_233 : memref<128xf32, #tpu.memory_space<vmem>>) target(%dma_start3A_230 : memref<128xf32, #tpu.memory_space<hbm>>) target_semaphore(%dma_start3A_227 : memref<!tpu.dma_semaphore, #tpu.memory_space<semaphore_mem>>)
          %add3A_234 = arith.constant 1 : i32
          %add3A_235 = arith.addi %while3A_144, %add3A_234 : i32
          scf.yield %add3A_235 : i32
        }
        scf.yield %while3A_142 : i32
      }
      scf.yield %while3A_114 : i32
    }
    %eq3A_63 = arith.constant 1 : i32
    %eq3A_64 = arith.cmpi eq, %add3A, %eq3A_63 : i32
    %convert_element_type3A = arith.extui %eq3A_64 : i1 to i32
    %cond3A = arith.constant 0 : i32
    %cond3A_65 = arith.cmpi ne, %convert_element_type3A, %cond3A : i32
    scf.if %cond3A_65 {
      "tpu.region"() ({
        %run_scoped3A = tpu.sem_alloc : memref<!tpu.dma_semaphore, #tpu.memory_space<semaphore_mem>>
        tpu.enqueue_dma source(%arg4 : memref<64x64xf32, #tpu.memory_space<hbm>>) target(%arg10 : memref<64x64xf32, #tpu.memory_space<vmem>>) target_semaphore(%run_scoped3A : memref<!tpu.dma_semaphore, #tpu.memory_space<semaphore_mem>>)
        tpu.wait_dma2 semaphore(%run_scoped3A : memref<!tpu.dma_semaphore, #tpu.memory_space<semaphore_mem>>) src(%arg4 : memref<64x64xf32, #tpu.memory_space<hbm>>) dst(%arg10 : memref<64x64xf32, #tpu.memory_space<vmem>>)
        tpu.yield
      }) : () -> ()
      %while3A_71 = arith.constant 0 : i32
      %while3A_72 = arith.subi %select_n3A, %while3A_71 : i32
      %while3A_73 = arith.addi %while3A_71, %while3A_72 : i32
      %while3A_74 = arith.constant 1 : i32
      %while3A_75 = arith.divsi %while3A_72, %while3A_74 : i32
      %while3A_76 = arith.muli %while3A_75, %while3A_74 : i32
      %while3A_77 = arith.addi %while3A_71, %while3A_76 : i32
      %while3A_78 = arith.constant 1 : i32
      %while3A_79 = scf.for %while3A_93 = %while3A_71 to %while3A_77 step %while3A_78 iter_args(%while3A_94 = %while3A_62) -> (i32)  : i32 {
        %mul3A_95 = arith.constant 16 : i32
        %mul3A_96 = arith.muli %while3A_93, %mul3A_95 : i32
        %get3A = arith.index_cast %mul3A_96 : i32 to index
        %get3A_97 = tpu.vector_load %arg6[%get3A] {strides = array<i32>} : memref<16416xi32, #tpu.memory_space<vmem>>, vector<16xi32>,
        %mul3A_98 = arith.constant 16 : i32
        %mul3A_99 = arith.muli %while3A_93, %mul3A_98 : i32
        %get3A_100 = arith.index_cast %mul3A_99 : i32 to index
        %get3A_101 = tpu.vector_load %arg7[%get3A_100] {strides = array<i32>} : memref<16416xi32, #tpu.memory_space<vmem>>, vector<16xi32>,
        %shift_right_arithmetic3A = arith.constant 9 : i32
        %shift_right_arithmetic3A_102 = vector.broadcast %shift_right_arithmetic3A : i32 to vector<16xi32>
        %shift_right_arithmetic3A_103 = arith.shrsi %get3A_97, %shift_right_arithmetic3A_102 : vector<16xi32>
        %eq3A_104 = arith.constant 1953 : i32
        %eq3A_105 = vector.broadcast %eq3A_104 : i32 to vector<16xi32>
        %eq3A_106 = arith.cmpi eq, %shift_right_arithmetic3A_103, %eq3A_105 : vector<16xi32>
        %all_reduce_population_count3A = tpu.all_reduce %eq3A_106 {dim = 0 : i64, kind = #tpu.reduction_kind<sum>} : vector<16xi1> -> vector<16xi32>
        %slice3A = vector.extract_strided_slice %all_reduce_population_count3A {offsets = [0], sizes = [1], strides = [1]} : vector<16xi32> to vector<1xi32>
        %squeeze3A = vector.extract %slice3A[0] : i32 from vector<1xi32>
        %swap3A_107 = arith.constant 0 : index
        %swap3A_108 = tpu.vector_load %arg11[%swap3A_107] masked %eq3A_106 {strides = array<i32>} : memref<16xi32, #tpu.memory_space<vmem>>, vector<16xi32>, vector<16xi1>
        tpu.vector_store %arg11[%swap3A_107], %get3A_97 masked %eq3A_106 {strides = array<i32>} : memref<16xi32, #tpu.memory_space<vmem>>, vector<16xi32>, vector<16xi1>
        %swap3A_109 = arith.constant 0 : index
        %swap3A_110 = tpu.vector_load %arg12[%swap3A_109] masked %eq3A_106 {strides = array<i32>} : memref<16xi32, #tpu.memory_space<vmem>>, vector<16xi32>, vector<16xi1>
        tpu.vector_store %arg12[%swap3A_109], %get3A_101 masked %eq3A_106 {strides = array<i32>} : memref<16xi32, #tpu.memory_space<vmem>>, vector<16xi32>, vector<16xi1>
        %while3A_111 = arith.constant 0 : i32
        %while3A_112 = arith.subi %squeeze3A, %while3A_111 : i32
        %while3A_113 = arith.addi %while3A_111, %while3A_112 : i32
        %while3A_114 = arith.constant 1 : i32
        %while3A_115 = arith.divsi %while3A_112, %while3A_114 : i32
        %while3A_116 = arith.muli %while3A_115, %while3A_114 : i32
        %while3A_117 = arith.addi %while3A_111, %while3A_116 : i32
        %while3A_118 = arith.constant 1 : i32
        %while3A_119 = scf.for %while3A_122 = %while3A_111 to %while3A_117 step %while3A_118 iter_args(%while3A_123 = %while3A_94) -> (i32)  : i32 {
          %broadcast_in_dim3A_124 = vector.broadcast %while3A_122 : i32 to vector<16xi32>
          %gather3A = arith.constant 0 : i32
          %gather3A_125 = tpu.memref_slice %arg11[%gather3A] : memref<16xi32, #tpu.memory_space<vmem>> -> memref<16xi32, #tpu.memory_space<vmem>>
          %gather3A_126 = tpu.vector_load_idx %gather3A_125[%broadcast_in_dim3A_124] : memref<16xi32, #tpu.memory_space<vmem>>[vector<16xi32>], vector<16xi32>,
          %sub3A_127 = arith.constant 999936 : i32
          %sub3A_128 = vector.broadcast %sub3A_127 : i32 to vector<16xi32>
          %sub3A_129 = arith.subi %gather3A_126, %sub3A_128 : vector<16xi32>
          %gather3A_130 = arith.constant 0 : i32
          %gather3A_131 = tpu.memref_slice %arg12[%gather3A_130] : memref<16xi32, #tpu.memory_space<vmem>> -> memref<16xi32, #tpu.memory_space<vmem>>
          %gather3A_132 = tpu.vector_load_idx %gather3A_131[%broadcast_in_dim3A_124] : memref<16xi32, #tpu.memory_space<vmem>>[vector<16xi32>], vector<16xi32>,
          %slice3A_133 = vector.extract_strided_slice %gather3A_132 {offsets = [0], sizes = [1], strides = [1]} : vector<16xi32> to vector<1xi32>
          %squeeze3A_134 = vector.extract %slice3A_133[0] : i32 from vector<1xi32>
          %and3A_135 = arith.constant 15 : i32
          %and3A_136 = arith.andi %while3A_123, %and3A_135 : i32
          %ge3A = arith.constant 16 : i32
          %ge3A_137 = arith.cmpi sge, %while3A_123, %ge3A : i32
          %convert_element_type3A_138 = arith.extui %ge3A_137 : i1 to i32
          %cond3A_139 = arith.constant 0 : i32
          %cond3A_140 = arith.cmpi ne, %convert_element_type3A_138, %cond3A_139 : i32
          scf.if %cond3A_140 {
            %dma_wait3A = arith.constant 0 : i32
            %dma_wait3A_200 = arith.constant 0 : i32
            %dma_wait3A_201 = arith.constant 0 : i32
            %dma_wait3A_202 = tpu.memref_slice %arg13[%dma_wait3A_200, %dma_wait3A_201] : memref<16x128xf32, #tpu.memory_space<vmem>> -> memref<1x128xf32, #tpu.memory_space<vmem>>
            %dma_wait3A_203 = tpu.memref_squeeze %dma_wait3A_202 : memref<1x128xf32, #tpu.memory_space<vmem>> -> memref<128xf32, #tpu.memory_space<vmem>>
            %dma_wait3A_204 = arith.constant 0 : i32
            %dma_wait3A_205 = tpu.memref_slice %arg5[%dma_wait3A, %dma_wait3A_204] : memref<16384x128xf32, #tpu.memory_space<hbm>> -> memref<1x128xf32, #tpu.memory_space<hbm>>
            %dma_wait3A_206 = tpu.memref_squeeze %dma_wait3A_205 : memref<1x128xf32, #tpu.memory_space<hbm>> -> memref<128xf32, #tpu.memory_space<hbm>>
            %dma_wait3A_207 = tpu.memref_slice %arg14[%and3A_136] : memref<16x!tpu.dma_semaphore, #tpu.memory_space<semaphore_mem>> -> memref<1x!tpu.dma_semaphore, #tpu.memory_space<semaphore_mem>>
            %dma_wait3A_208 = tpu.memref_squeeze %dma_wait3A_207 : memref<1x!tpu.dma_semaphore, #tpu.memory_space<semaphore_mem>> -> memref<!tpu.dma_semaphore, #tpu.memory_space<semaphore_mem>>
            %dma_wait3A_209 = arith.constant 0 : i32
            %dma_wait3A_210 = tpu.memref_slice %arg13[%dma_wait3A_200, %dma_wait3A_209] : memref<16x128xf32, #tpu.memory_space<vmem>> -> memref<1x128xf32, #tpu.memory_space<vmem>>
            %dma_wait3A_211 = tpu.memref_squeeze %dma_wait3A_210 : memref<1x128xf32, #tpu.memory_space<vmem>> -> memref<128xf32, #tpu.memory_space<vmem>>
            %dma_wait3A_212 = arith.constant 0 : i32
            %dma_wait3A_213 = tpu.memref_slice %arg5[%dma_wait3A, %dma_wait3A_212] : memref<16384x128xf32, #tpu.memory_space<hbm>> -> memref<1x128xf32, #tpu.memory_space<hbm>>
            %dma_wait3A_214 = tpu.memref_squeeze %dma_wait3A_213 : memref<1x128xf32, #tpu.memory_space<hbm>> -> memref<128xf32, #tpu.memory_space<hbm>>
            tpu.wait_dma2 semaphore(%dma_wait3A_208 : memref<!tpu.dma_semaphore, #tpu.memory_space<semaphore_mem>>) src(%dma_wait3A_214 : memref<128xf32, #tpu.memory_space<hbm>>) dst(%dma_wait3A_211 : memref<128xf32, #tpu.memory_space<vmem>>)
          } else {
          }
          %iota3A = tpu.iota {dimensions = array<i32: 0>} : vector<16xi32>
          %add3A_141 = arith.constant 0 : i32
          %add3A_142 = vector.broadcast %add3A_141 : i32 to vector<16xi32>
          %add3A_143 = arith.addi %iota3A, %add3A_142 : vector<16xi32>
          %gather3A_144 = arith.constant 0 : i32
          %gather3A_145 = arith.constant 0 : i32
          %gather3A_146 = tpu.memref_slice %arg10[%gather3A_144, %gather3A_145] : memref<64x64xf32, #tpu.memory_space<vmem>> -> memref<64x64xf32, #tpu.memory_space<vmem>>
          %gather3A_147 = tpu.vector_load_idx %gather3A_146[%sub3A_129, %add3A_143] : memref<64x64xf32, #tpu.memory_space<vmem>>[vector<16xi32>, vector<16xi32>], vector<16xf32>,
          %swap3A_148 = arith.index_cast %and3A_136 : i32 to index
          %swap3A_149 = arith.constant 0 : index
          %swap3A_150 = tpu.vector_load %arg13[%swap3A_148, %swap3A_149] {strides = array<i32>} : memref<16x128xf32, #tpu.memory_space<vmem>>, vector<16xf32>,
          tpu.vector_store %arg13[%swap3A_148, %swap3A_149], %gather3A_147 {strides = array<i32>} : memref<16x128xf32, #tpu.memory_space<vmem>>, vector<16xf32>,
          %iota3A_151 = tpu.iota {dimensions = array<i32: 0>} : vector<16xi32>
          %add3A_152 = arith.constant 16 : i32
          %add3A_153 = vector.broadcast %add3A_152 : i32 to vector<16xi32>
          %add3A_154 = arith.addi %iota3A_151, %add3A_153 : vector<16xi32>
          %gather3A_155 = arith.constant 0 : i32
          %gather3A_156 = arith.constant 0 : i32
          %gather3A_157 = tpu.memref_slice %arg10[%gather3A_155, %gather3A_156] : memref<64x64xf32, #tpu.memory_space<vmem>> -> memref<64x64xf32, #tpu.memory_space<vmem>>
          %gather3A_158 = tpu.vector_load_idx %gather3A_157[%sub3A_129, %add3A_154] : memref<64x64xf32, #tpu.memory_space<vmem>>[vector<16xi32>, vector<16xi32>], vector<16xf32>,
          %swap3A_159 = arith.index_cast %and3A_136 : i32 to index
          %swap3A_160 = arith.constant 16 : index
          %swap3A_161 = tpu.vector_load %arg13[%swap3A_159, %swap3A_160] {strides = array<i32>} : memref<16x128xf32, #tpu.memory_space<vmem>>, vector<16xf32>,
          tpu.vector_store %arg13[%swap3A_159, %swap3A_160], %gather3A_158 {strides = array<i32>} : memref<16x128xf32, #tpu.memory_space<vmem>>, vector<16xf32>,
          %iota3A_162 = tpu.iota {dimensions = array<i32: 0>} : vector<16xi32>
          %add3A_163 = arith.constant 32 : i32
          %add3A_164 = vector.broadcast %add3A_163 : i32 to vector<16xi32>
          %add3A_165 = arith.addi %iota3A_162, %add3A_164 : vector<16xi32>
          %gather3A_166 = arith.constant 0 : i32
          %gather3A_167 = arith.constant 0 : i32
          %gather3A_168 = tpu.memref_slice %arg10[%gather3A_166, %gather3A_167] : memref<64x64xf32, #tpu.memory_space<vmem>> -> memref<64x64xf32, #tpu.memory_space<vmem>>
          %gather3A_169 = tpu.vector_load_idx %gather3A_168[%sub3A_129, %add3A_165] : memref<64x64xf32, #tpu.memory_space<vmem>>[vector<16xi32>, vector<16xi32>], vector<16xf32>,
          %swap3A_170 = arith.index_cast %and3A_136 : i32 to index
          %swap3A_171 = arith.constant 32 : index
          %swap3A_172 = tpu.vector_load %arg13[%swap3A_170, %swap3A_171] {strides = array<i32>} : memref<16x128xf32, #tpu.memory_space<vmem>>, vector<16xf32>,
          tpu.vector_store %arg13[%swap3A_170, %swap3A_171], %gather3A_169 {strides = array<i32>} : memref<16x128xf32, #tpu.memory_space<vmem>>, vector<16xf32>,
          %iota3A_173 = tpu.iota {dimensions = array<i32: 0>} : vector<16xi32>
          %add3A_174 = arith.constant 48 : i32
          %add3A_175 = vector.broadcast %add3A_174 : i32 to vector<16xi32>
          %add3A_176 = arith.addi %iota3A_173, %add3A_175 : vector<16xi32>
          %gather3A_177 = arith.constant 0 : i32
          %gather3A_178 = arith.constant 0 : i32
          %gather3A_179 = tpu.memref_slice %arg10[%gather3A_177, %gather3A_178] : memref<64x64xf32, #tpu.memory_space<vmem>> -> memref<64x64xf32, #tpu.memory_space<vmem>>
          %gather3A_180 = tpu.vector_load_idx %gather3A_179[%sub3A_129, %add3A_176] : memref<64x64xf32, #tpu.memory_space<vmem>>[vector<16xi32>, vector<16xi32>], vector<16xf32>,
          %swap3A_181 = arith.index_cast %and3A_136 : i32 to index
          %swap3A_182 = arith.constant 48 : index
          %swap3A_183 = tpu.vector_load %arg13[%swap3A_181, %swap3A_182] {strides = array<i32>} : memref<16x128xf32, #tpu.memory_space<vmem>>, vector<16xf32>,
          tpu.vector_store %arg13[%swap3A_181, %swap3A_182], %gather3A_180 {strides = array<i32>} : memref<16x128xf32, #tpu.memory_space<vmem>>, vector<16xf32>,
          %dma_start3A_184 = arith.constant 0 : i32
          %dma_start3A_185 = tpu.memref_slice %arg13[%and3A_136, %dma_start3A_184] : memref<16x128xf32, #tpu.memory_space<vmem>> -> memref<1x128xf32, #tpu.memory_space<vmem>>
          %dma_start3A_186 = tpu.memref_squeeze %dma_start3A_185 : memref<1x128xf32, #tpu.memory_space<vmem>> -> memref<128xf32, #tpu.memory_space<vmem>>
          %dma_start3A_187 = arith.constant 0 : i32
          %dma_start3A_188 = tpu.memref_slice %arg5[%squeeze3A_134, %dma_start3A_187] : memref<16384x128xf32, #tpu.memory_space<hbm>> -> memref<1x128xf32, #tpu.memory_space<hbm>>
          %dma_start3A_189 = tpu.memref_squeeze %dma_start3A_188 : memref<1x128xf32, #tpu.memory_space<hbm>> -> memref<128xf32, #tpu.memory_space<hbm>>
          %dma_start3A_190 = tpu.memref_slice %arg14[%and3A_136] : memref<16x!tpu.dma_semaphore, #tpu.memory_space<semaphore_mem>> -> memref<1x!tpu.dma_semaphore, #tpu.memory_space<semaphore_mem>>
          %dma_start3A_191 = tpu.memref_squeeze %dma_start3A_190 : memref<1x!tpu.dma_semaphore, #tpu.memory_space<semaphore_mem>> -> memref<!tpu.dma_semaphore, #tpu.memory_space<semaphore_mem>>
          %dma_start3A_192 = arith.constant 0 : i32
          %dma_start3A_193 = tpu.memref_slice %arg5[%squeeze3A_134, %dma_start3A_192] : memref<16384x128xf32, #tpu.memory_space<hbm>> -> memref<1x128xf32, #tpu.memory_space<hbm>>
          %dma_start3A_194 = tpu.memref_squeeze %dma_start3A_193 : memref<1x128xf32, #tpu.memory_space<hbm>> -> memref<128xf32, #tpu.memory_space<hbm>>
          %dma_start3A_195 = arith.constant 0 : i32
          %dma_start3A_196 = tpu.memref_slice %arg13[%and3A_136, %dma_start3A_195] : memref<16x128xf32, #tpu.memory_space<vmem>> -> memref<1x128xf32, #tpu.memory_space<vmem>>
          %dma_start3A_197 = tpu.memref_squeeze %dma_start3A_196 : memref<1x128xf32, #tpu.memory_space<vmem>> -> memref<128xf32, #tpu.memory_space<vmem>>
          tpu.enqueue_dma source(%dma_start3A_197 : memref<128xf32, #tpu.memory_space<vmem>>) target(%dma_start3A_194 : memref<128xf32, #tpu.memory_space<hbm>>) target_semaphore(%dma_start3A_191 : memref<!tpu.dma_semaphore, #tpu.memory_space<semaphore_mem>>)
          %add3A_198 = arith.constant 1 : i32
          %add3A_199 = arith.addi %while3A_123, %add3A_198 : i32
          scf.yield %add3A_199 : i32
        }
        %while3A_120 = arith.constant 1 : i32
        %while3A_121 = scf.for %while3A_122 = %while3A_117 to %while3A_113 step %while3A_120 iter_args(%while3A_123 = %while3A_119) -> (i32)  : i32 {
          %broadcast_in_dim3A_124 = vector.broadcast %while3A_122 : i32 to vector<16xi32>
          %gather3A = arith.constant 0 : i32
          %gather3A_125 = tpu.memref_slice %arg11[%gather3A] : memref<16xi32, #tpu.memory_space<vmem>> -> memref<16xi32, #tpu.memory_space<vmem>>
          %gather3A_126 = tpu.vector_load_idx %gather3A_125[%broadcast_in_dim3A_124] : memref<16xi32, #tpu.memory_space<vmem>>[vector<16xi32>], vector<16xi32>,
          %sub3A_127 = arith.constant 999936 : i32
          %sub3A_128 = vector.broadcast %sub3A_127 : i32 to vector<16xi32>
          %sub3A_129 = arith.subi %gather3A_126, %sub3A_128 : vector<16xi32>
          %gather3A_130 = arith.constant 0 : i32
          %gather3A_131 = tpu.memref_slice %arg12[%gather3A_130] : memref<16xi32, #tpu.memory_space<vmem>> -> memref<16xi32, #tpu.memory_space<vmem>>
          %gather3A_132 = tpu.vector_load_idx %gather3A_131[%broadcast_in_dim3A_124] : memref<16xi32, #tpu.memory_space<vmem>>[vector<16xi32>], vector<16xi32>,
          %slice3A_133 = vector.extract_strided_slice %gather3A_132 {offsets = [0], sizes = [1], strides = [1]} : vector<16xi32> to vector<1xi32>
          %squeeze3A_134 = vector.extract %slice3A_133[0] : i32 from vector<1xi32>
          %and3A_135 = arith.constant 15 : i32
          %and3A_136 = arith.andi %while3A_123, %and3A_135 : i32
          %ge3A = arith.constant 16 : i32
          %ge3A_137 = arith.cmpi sge, %while3A_123, %ge3A : i32
          %convert_element_type3A_138 = arith.extui %ge3A_137 : i1 to i32
          %cond3A_139 = arith.constant 0 : i32
          %cond3A_140 = arith.cmpi ne, %convert_element_type3A_138, %cond3A_139 : i32
          scf.if %cond3A_140 {
            %dma_wait3A = arith.constant 0 : i32
            %dma_wait3A_200 = arith.constant 0 : i32
            %dma_wait3A_201 = arith.constant 0 : i32
            %dma_wait3A_202 = tpu.memref_slice %arg13[%dma_wait3A_200, %dma_wait3A_201] : memref<16x128xf32, #tpu.memory_space<vmem>> -> memref<1x128xf32, #tpu.memory_space<vmem>>
            %dma_wait3A_203 = tpu.memref_squeeze %dma_wait3A_202 : memref<1x128xf32, #tpu.memory_space<vmem>> -> memref<128xf32, #tpu.memory_space<vmem>>
            %dma_wait3A_204 = arith.constant 0 : i32
            %dma_wait3A_205 = tpu.memref_slice %arg5[%dma_wait3A, %dma_wait3A_204] : memref<16384x128xf32, #tpu.memory_space<hbm>> -> memref<1x128xf32, #tpu.memory_space<hbm>>
            %dma_wait3A_206 = tpu.memref_squeeze %dma_wait3A_205 : memref<1x128xf32, #tpu.memory_space<hbm>> -> memref<128xf32, #tpu.memory_space<hbm>>
            %dma_wait3A_207 = tpu.memref_slice %arg14[%and3A_136] : memref<16x!tpu.dma_semaphore, #tpu.memory_space<semaphore_mem>> -> memref<1x!tpu.dma_semaphore, #tpu.memory_space<semaphore_mem>>
            %dma_wait3A_208 = tpu.memref_squeeze %dma_wait3A_207 : memref<1x!tpu.dma_semaphore, #tpu.memory_space<semaphore_mem>> -> memref<!tpu.dma_semaphore, #tpu.memory_space<semaphore_mem>>
            %dma_wait3A_209 = arith.constant 0 : i32
            %dma_wait3A_210 = tpu.memref_slice %arg13[%dma_wait3A_200, %dma_wait3A_209] : memref<16x128xf32, #tpu.memory_space<vmem>> -> memref<1x128xf32, #tpu.memory_space<vmem>>
            %dma_wait3A_211 = tpu.memref_squeeze %dma_wait3A_210 : memref<1x128xf32, #tpu.memory_space<vmem>> -> memref<128xf32, #tpu.memory_space<vmem>>
            %dma_wait3A_212 = arith.constant 0 : i32
            %dma_wait3A_213 = tpu.memref_slice %arg5[%dma_wait3A, %dma_wait3A_212] : memref<16384x128xf32, #tpu.memory_space<hbm>> -> memref<1x128xf32, #tpu.memory_space<hbm>>
            %dma_wait3A_214 = tpu.memref_squeeze %dma_wait3A_213 : memref<1x128xf32, #tpu.memory_space<hbm>> -> memref<128xf32, #tpu.memory_space<hbm>>
            tpu.wait_dma2 semaphore(%dma_wait3A_208 : memref<!tpu.dma_semaphore, #tpu.memory_space<semaphore_mem>>) src(%dma_wait3A_214 : memref<128xf32, #tpu.memory_space<hbm>>) dst(%dma_wait3A_211 : memref<128xf32, #tpu.memory_space<vmem>>)
          } else {
          }
          %iota3A = tpu.iota {dimensions = array<i32: 0>} : vector<16xi32>
          %add3A_141 = arith.constant 0 : i32
          %add3A_142 = vector.broadcast %add3A_141 : i32 to vector<16xi32>
          %add3A_143 = arith.addi %iota3A, %add3A_142 : vector<16xi32>
          %gather3A_144 = arith.constant 0 : i32
          %gather3A_145 = arith.constant 0 : i32
          %gather3A_146 = tpu.memref_slice %arg10[%gather3A_144, %gather3A_145] : memref<64x64xf32, #tpu.memory_space<vmem>> -> memref<64x64xf32, #tpu.memory_space<vmem>>
          %gather3A_147 = tpu.vector_load_idx %gather3A_146[%sub3A_129, %add3A_143] : memref<64x64xf32, #tpu.memory_space<vmem>>[vector<16xi32>, vector<16xi32>], vector<16xf32>,
          %swap3A_148 = arith.index_cast %and3A_136 : i32 to index
          %swap3A_149 = arith.constant 0 : index
          %swap3A_150 = tpu.vector_load %arg13[%swap3A_148, %swap3A_149] {strides = array<i32>} : memref<16x128xf32, #tpu.memory_space<vmem>>, vector<16xf32>,
          tpu.vector_store %arg13[%swap3A_148, %swap3A_149], %gather3A_147 {strides = array<i32>} : memref<16x128xf32, #tpu.memory_space<vmem>>, vector<16xf32>,
          %iota3A_151 = tpu.iota {dimensions = array<i32: 0>} : vector<16xi32>
          %add3A_152 = arith.constant 16 : i32
          %add3A_153 = vector.broadcast %add3A_152 : i32 to vector<16xi32>
          %add3A_154 = arith.addi %iota3A_151, %add3A_153 : vector<16xi32>
          %gather3A_155 = arith.constant 0 : i32
          %gather3A_156 = arith.constant 0 : i32
          %gather3A_157 = tpu.memref_slice %arg10[%gather3A_155, %gather3A_156] : memref<64x64xf32, #tpu.memory_space<vmem>> -> memref<64x64xf32, #tpu.memory_space<vmem>>
          %gather3A_158 = tpu.vector_load_idx %gather3A_157[%sub3A_129, %add3A_154] : memref<64x64xf32, #tpu.memory_space<vmem>>[vector<16xi32>, vector<16xi32>], vector<16xf32>,
          %swap3A_159 = arith.index_cast %and3A_136 : i32 to index
          %swap3A_160 = arith.constant 16 : index
          %swap3A_161 = tpu.vector_load %arg13[%swap3A_159, %swap3A_160] {strides = array<i32>} : memref<16x128xf32, #tpu.memory_space<vmem>>, vector<16xf32>,
          tpu.vector_store %arg13[%swap3A_159, %swap3A_160], %gather3A_158 {strides = array<i32>} : memref<16x128xf32, #tpu.memory_space<vmem>>, vector<16xf32>,
          %iota3A_162 = tpu.iota {dimensions = array<i32: 0>} : vector<16xi32>
          %add3A_163 = arith.constant 32 : i32
          %add3A_164 = vector.broadcast %add3A_163 : i32 to vector<16xi32>
          %add3A_165 = arith.addi %iota3A_162, %add3A_164 : vector<16xi32>
          %gather3A_166 = arith.constant 0 : i32
          %gather3A_167 = arith.constant 0 : i32
          %gather3A_168 = tpu.memref_slice %arg10[%gather3A_166, %gather3A_167] : memref<64x64xf32, #tpu.memory_space<vmem>> -> memref<64x64xf32, #tpu.memory_space<vmem>>
          %gather3A_169 = tpu.vector_load_idx %gather3A_168[%sub3A_129, %add3A_165] : memref<64x64xf32, #tpu.memory_space<vmem>>[vector<16xi32>, vector<16xi32>], vector<16xf32>,
          %swap3A_170 = arith.index_cast %and3A_136 : i32 to index
          %swap3A_171 = arith.constant 32 : index
          %swap3A_172 = tpu.vector_load %arg13[%swap3A_170, %swap3A_171] {strides = array<i32>} : memref<16x128xf32, #tpu.memory_space<vmem>>, vector<16xf32>,
          tpu.vector_store %arg13[%swap3A_170, %swap3A_171], %gather3A_169 {strides = array<i32>} : memref<16x128xf32, #tpu.memory_space<vmem>>, vector<16xf32>,
          %iota3A_173 = tpu.iota {dimensions = array<i32: 0>} : vector<16xi32>
          %add3A_174 = arith.constant 48 : i32
          %add3A_175 = vector.broadcast %add3A_174 : i32 to vector<16xi32>
          %add3A_176 = arith.addi %iota3A_173, %add3A_175 : vector<16xi32>
          %gather3A_177 = arith.constant 0 : i32
          %gather3A_178 = arith.constant 0 : i32
          %gather3A_179 = tpu.memref_slice %arg10[%gather3A_177, %gather3A_178] : memref<64x64xf32, #tpu.memory_space<vmem>> -> memref<64x64xf32, #tpu.memory_space<vmem>>
          %gather3A_180 = tpu.vector_load_idx %gather3A_179[%sub3A_129, %add3A_176] : memref<64x64xf32, #tpu.memory_space<vmem>>[vector<16xi32>, vector<16xi32>], vector<16xf32>,
          %swap3A_181 = arith.index_cast %and3A_136 : i32 to index
          %swap3A_182 = arith.constant 48 : index
          %swap3A_183 = tpu.vector_load %arg13[%swap3A_181, %swap3A_182] {strides = array<i32>} : memref<16x128xf32, #tpu.memory_space<vmem>>, vector<16xf32>,
          tpu.vector_store %arg13[%swap3A_181, %swap3A_182], %gather3A_180 {strides = array<i32>} : memref<16x128xf32, #tpu.memory_space<vmem>>, vector<16xf32>,
          %dma_start3A_184 = arith.constant 0 : i32
          %dma_start3A_185 = tpu.memref_slice %arg13[%and3A_136, %dma_start3A_184] : memref<16x128xf32, #tpu.memory_space<vmem>> -> memref<1x128xf32, #tpu.memory_space<vmem>>
          %dma_start3A_186 = tpu.memref_squeeze %dma_start3A_185 : memref<1x128xf32, #tpu.memory_space<vmem>> -> memref<128xf32, #tpu.memory_space<vmem>>
          %dma_start3A_187 = arith.constant 0 : i32
          %dma_start3A_188 = tpu.memref_slice %arg5[%squeeze3A_134, %dma_start3A_187] : memref<16384x128xf32, #tpu.memory_space<hbm>> -> memref<1x128xf32, #tpu.memory_space<hbm>>
          %dma_start3A_189 = tpu.memref_squeeze %dma_start3A_188 : memref<1x128xf32, #tpu.memory_space<hbm>> -> memref<128xf32, #tpu.memory_space<hbm>>
          %dma_start3A_190 = tpu.memref_slice %arg14[%and3A_136] : memref<16x!tpu.dma_semaphore, #tpu.memory_space<semaphore_mem>> -> memref<1x!tpu.dma_semaphore, #tpu.memory_space<semaphore_mem>>
          %dma_start3A_191 = tpu.memref_squeeze %dma_start3A_190 : memref<1x!tpu.dma_semaphore, #tpu.memory_space<semaphore_mem>> -> memref<!tpu.dma_semaphore, #tpu.memory_space<semaphore_mem>>
          %dma_start3A_192 = arith.constant 0 : i32
          %dma_start3A_193 = tpu.memref_slice %arg5[%squeeze3A_134, %dma_start3A_192] : memref<16384x128xf32, #tpu.memory_space<hbm>> -> memref<1x128xf32, #tpu.memory_space<hbm>>
          %dma_start3A_194 = tpu.memref_squeeze %dma_start3A_193 : memref<1x128xf32, #tpu.memory_space<hbm>> -> memref<128xf32, #tpu.memory_space<hbm>>
          %dma_start3A_195 = arith.constant 0 : i32
          %dma_start3A_196 = tpu.memref_slice %arg13[%and3A_136, %dma_start3A_195] : memref<16x128xf32, #tpu.memory_space<vmem>> -> memref<1x128xf32, #tpu.memory_space<vmem>>
          %dma_start3A_197 = tpu.memref_squeeze %dma_start3A_196 : memref<1x128xf32, #tpu.memory_space<vmem>> -> memref<128xf32, #tpu.memory_space<vmem>>
          tpu.enqueue_dma source(%dma_start3A_197 : memref<128xf32, #tpu.memory_space<vmem>>) target(%dma_start3A_194 : memref<128xf32, #tpu.memory_space<hbm>>) target_semaphore(%dma_start3A_191 : memref<!tpu.dma_semaphore, #tpu.memory_space<semaphore_mem>>)
          %add3A_198 = arith.constant 1 : i32
          %add3A_199 = arith.addi %while3A_123, %add3A_198 : i32
          scf.yield %add3A_199 : i32
        }
        scf.yield %while3A_121 : i32
      }
      %while3A_80 = arith.constant 1 : i32
      %while3A_81 = scf.for %while3A_93 = %while3A_77 to %while3A_73 step %while3A_80 iter_args(%while3A_94 = %while3A_79) -> (i32)  : i32 {
        %mul3A_95 = arith.constant 16 : i32
        %mul3A_96 = arith.muli %while3A_93, %mul3A_95 : i32
        %get3A = arith.index_cast %mul3A_96 : i32 to index
        %get3A_97 = tpu.vector_load %arg6[%get3A] {strides = array<i32>} : memref<16416xi32, #tpu.memory_space<vmem>>, vector<16xi32>,
        %mul3A_98 = arith.constant 16 : i32
        %mul3A_99 = arith.muli %while3A_93, %mul3A_98 : i32
        %get3A_100 = arith.index_cast %mul3A_99 : i32 to index
        %get3A_101 = tpu.vector_load %arg7[%get3A_100] {strides = array<i32>} : memref<16416xi32, #tpu.memory_space<vmem>>, vector<16xi32>,
        %shift_right_arithmetic3A = arith.constant 9 : i32
        %shift_right_arithmetic3A_102 = vector.broadcast %shift_right_arithmetic3A : i32 to vector<16xi32>
        %shift_right_arithmetic3A_103 = arith.shrsi %get3A_97, %shift_right_arithmetic3A_102 : vector<16xi32>
        %eq3A_104 = arith.constant 1953 : i32
        %eq3A_105 = vector.broadcast %eq3A_104 : i32 to vector<16xi32>
        %eq3A_106 = arith.cmpi eq, %shift_right_arithmetic3A_103, %eq3A_105 : vector<16xi32>
        %all_reduce_population_count3A = tpu.all_reduce %eq3A_106 {dim = 0 : i64, kind = #tpu.reduction_kind<sum>} : vector<16xi1> -> vector<16xi32>
        %slice3A = vector.extract_strided_slice %all_reduce_population_count3A {offsets = [0], sizes = [1], strides = [1]} : vector<16xi32> to vector<1xi32>
        %squeeze3A = vector.extract %slice3A[0] : i32 from vector<1xi32>
        %swap3A_107 = arith.constant 0 : index
        %swap3A_108 = tpu.vector_load %arg11[%swap3A_107] masked %eq3A_106 {strides = array<i32>} : memref<16xi32, #tpu.memory_space<vmem>>, vector<16xi32>, vector<16xi1>
        tpu.vector_store %arg11[%swap3A_107], %get3A_97 masked %eq3A_106 {strides = array<i32>} : memref<16xi32, #tpu.memory_space<vmem>>, vector<16xi32>, vector<16xi1>
        %swap3A_109 = arith.constant 0 : index
        %swap3A_110 = tpu.vector_load %arg12[%swap3A_109] masked %eq3A_106 {strides = array<i32>} : memref<16xi32, #tpu.memory_space<vmem>>, vector<16xi32>, vector<16xi1>
        tpu.vector_store %arg12[%swap3A_109], %get3A_101 masked %eq3A_106 {strides = array<i32>} : memref<16xi32, #tpu.memory_space<vmem>>, vector<16xi32>, vector<16xi1>
        %while3A_111 = arith.constant 0 : i32
        %while3A_112 = arith.subi %squeeze3A, %while3A_111 : i32
        %while3A_113 = arith.addi %while3A_111, %while3A_112 : i32
        %while3A_114 = arith.constant 1 : i32
        %while3A_115 = arith.divsi %while3A_112, %while3A_114 : i32
        %while3A_116 = arith.muli %while3A_115, %while3A_114 : i32
        %while3A_117 = arith.addi %while3A_111, %while3A_116 : i32
        %while3A_118 = arith.constant 1 : i32
        %while3A_119 = scf.for %while3A_122 = %while3A_111 to %while3A_117 step %while3A_118 iter_args(%while3A_123 = %while3A_94) -> (i32)  : i32 {
          %broadcast_in_dim3A_124 = vector.broadcast %while3A_122 : i32 to vector<16xi32>
          %gather3A = arith.constant 0 : i32
          %gather3A_125 = tpu.memref_slice %arg11[%gather3A] : memref<16xi32, #tpu.memory_space<vmem>> -> memref<16xi32, #tpu.memory_space<vmem>>
          %gather3A_126 = tpu.vector_load_idx %gather3A_125[%broadcast_in_dim3A_124] : memref<16xi32, #tpu.memory_space<vmem>>[vector<16xi32>], vector<16xi32>,
          %sub3A_127 = arith.constant 999936 : i32
          %sub3A_128 = vector.broadcast %sub3A_127 : i32 to vector<16xi32>
          %sub3A_129 = arith.subi %gather3A_126, %sub3A_128 : vector<16xi32>
          %gather3A_130 = arith.constant 0 : i32
          %gather3A_131 = tpu.memref_slice %arg12[%gather3A_130] : memref<16xi32, #tpu.memory_space<vmem>> -> memref<16xi32, #tpu.memory_space<vmem>>
          %gather3A_132 = tpu.vector_load_idx %gather3A_131[%broadcast_in_dim3A_124] : memref<16xi32, #tpu.memory_space<vmem>>[vector<16xi32>], vector<16xi32>,
          %slice3A_133 = vector.extract_strided_slice %gather3A_132 {offsets = [0], sizes = [1], strides = [1]} : vector<16xi32> to vector<1xi32>
          %squeeze3A_134 = vector.extract %slice3A_133[0] : i32 from vector<1xi32>
          %and3A_135 = arith.constant 15 : i32
          %and3A_136 = arith.andi %while3A_123, %and3A_135 : i32
          %ge3A = arith.constant 16 : i32
          %ge3A_137 = arith.cmpi sge, %while3A_123, %ge3A : i32
          %convert_element_type3A_138 = arith.extui %ge3A_137 : i1 to i32
          %cond3A_139 = arith.constant 0 : i32
          %cond3A_140 = arith.cmpi ne, %convert_element_type3A_138, %cond3A_139 : i32
          scf.if %cond3A_140 {
            %dma_wait3A = arith.constant 0 : i32
            %dma_wait3A_200 = arith.constant 0 : i32
            %dma_wait3A_201 = arith.constant 0 : i32
            %dma_wait3A_202 = tpu.memref_slice %arg13[%dma_wait3A_200, %dma_wait3A_201] : memref<16x128xf32, #tpu.memory_space<vmem>> -> memref<1x128xf32, #tpu.memory_space<vmem>>
            %dma_wait3A_203 = tpu.memref_squeeze %dma_wait3A_202 : memref<1x128xf32, #tpu.memory_space<vmem>> -> memref<128xf32, #tpu.memory_space<vmem>>
            %dma_wait3A_204 = arith.constant 0 : i32
            %dma_wait3A_205 = tpu.memref_slice %arg5[%dma_wait3A, %dma_wait3A_204] : memref<16384x128xf32, #tpu.memory_space<hbm>> -> memref<1x128xf32, #tpu.memory_space<hbm>>
            %dma_wait3A_206 = tpu.memref_squeeze %dma_wait3A_205 : memref<1x128xf32, #tpu.memory_space<hbm>> -> memref<128xf32, #tpu.memory_space<hbm>>
            %dma_wait3A_207 = tpu.memref_slice %arg14[%and3A_136] : memref<16x!tpu.dma_semaphore, #tpu.memory_space<semaphore_mem>> -> memref<1x!tpu.dma_semaphore, #tpu.memory_space<semaphore_mem>>
            %dma_wait3A_208 = tpu.memref_squeeze %dma_wait3A_207 : memref<1x!tpu.dma_semaphore, #tpu.memory_space<semaphore_mem>> -> memref<!tpu.dma_semaphore, #tpu.memory_space<semaphore_mem>>
            %dma_wait3A_209 = arith.constant 0 : i32
            %dma_wait3A_210 = tpu.memref_slice %arg13[%dma_wait3A_200, %dma_wait3A_209] : memref<16x128xf32, #tpu.memory_space<vmem>> -> memref<1x128xf32, #tpu.memory_space<vmem>>
            %dma_wait3A_211 = tpu.memref_squeeze %dma_wait3A_210 : memref<1x128xf32, #tpu.memory_space<vmem>> -> memref<128xf32, #tpu.memory_space<vmem>>
            %dma_wait3A_212 = arith.constant 0 : i32
            %dma_wait3A_213 = tpu.memref_slice %arg5[%dma_wait3A, %dma_wait3A_212] : memref<16384x128xf32, #tpu.memory_space<hbm>> -> memref<1x128xf32, #tpu.memory_space<hbm>>
            %dma_wait3A_214 = tpu.memref_squeeze %dma_wait3A_213 : memref<1x128xf32, #tpu.memory_space<hbm>> -> memref<128xf32, #tpu.memory_space<hbm>>
            tpu.wait_dma2 semaphore(%dma_wait3A_208 : memref<!tpu.dma_semaphore, #tpu.memory_space<semaphore_mem>>) src(%dma_wait3A_214 : memref<128xf32, #tpu.memory_space<hbm>>) dst(%dma_wait3A_211 : memref<128xf32, #tpu.memory_space<vmem>>)
          } else {
          }
          %iota3A = tpu.iota {dimensions = array<i32: 0>} : vector<16xi32>
          %add3A_141 = arith.constant 0 : i32
          %add3A_142 = vector.broadcast %add3A_141 : i32 to vector<16xi32>
          %add3A_143 = arith.addi %iota3A, %add3A_142 : vector<16xi32>
          %gather3A_144 = arith.constant 0 : i32
          %gather3A_145 = arith.constant 0 : i32
          %gather3A_146 = tpu.memref_slice %arg10[%gather3A_144, %gather3A_145] : memref<64x64xf32, #tpu.memory_space<vmem>> -> memref<64x64xf32, #tpu.memory_space<vmem>>
          %gather3A_147 = tpu.vector_load_idx %gather3A_146[%sub3A_129, %add3A_143] : memref<64x64xf32, #tpu.memory_space<vmem>>[vector<16xi32>, vector<16xi32>], vector<16xf32>,
          %swap3A_148 = arith.index_cast %and3A_136 : i32 to index
          %swap3A_149 = arith.constant 0 : index
          %swap3A_150 = tpu.vector_load %arg13[%swap3A_148, %swap3A_149] {strides = array<i32>} : memref<16x128xf32, #tpu.memory_space<vmem>>, vector<16xf32>,
          tpu.vector_store %arg13[%swap3A_148, %swap3A_149], %gather3A_147 {strides = array<i32>} : memref<16x128xf32, #tpu.memory_space<vmem>>, vector<16xf32>,
          %iota3A_151 = tpu.iota {dimensions = array<i32: 0>} : vector<16xi32>
          %add3A_152 = arith.constant 16 : i32
          %add3A_153 = vector.broadcast %add3A_152 : i32 to vector<16xi32>
          %add3A_154 = arith.addi %iota3A_151, %add3A_153 : vector<16xi32>
          %gather3A_155 = arith.constant 0 : i32
          %gather3A_156 = arith.constant 0 : i32
          %gather3A_157 = tpu.memref_slice %arg10[%gather3A_155, %gather3A_156] : memref<64x64xf32, #tpu.memory_space<vmem>> -> memref<64x64xf32, #tpu.memory_space<vmem>>
          %gather3A_158 = tpu.vector_load_idx %gather3A_157[%sub3A_129, %add3A_154] : memref<64x64xf32, #tpu.memory_space<vmem>>[vector<16xi32>, vector<16xi32>], vector<16xf32>,
          %swap3A_159 = arith.index_cast %and3A_136 : i32 to index
          %swap3A_160 = arith.constant 16 : index
          %swap3A_161 = tpu.vector_load %arg13[%swap3A_159, %swap3A_160] {strides = array<i32>} : memref<16x128xf32, #tpu.memory_space<vmem>>, vector<16xf32>,
          tpu.vector_store %arg13[%swap3A_159, %swap3A_160], %gather3A_158 {strides = array<i32>} : memref<16x128xf32, #tpu.memory_space<vmem>>, vector<16xf32>,
          %iota3A_162 = tpu.iota {dimensions = array<i32: 0>} : vector<16xi32>
          %add3A_163 = arith.constant 32 : i32
          %add3A_164 = vector.broadcast %add3A_163 : i32 to vector<16xi32>
          %add3A_165 = arith.addi %iota3A_162, %add3A_164 : vector<16xi32>
          %gather3A_166 = arith.constant 0 : i32
          %gather3A_167 = arith.constant 0 : i32
          %gather3A_168 = tpu.memref_slice %arg10[%gather3A_166, %gather3A_167] : memref<64x64xf32, #tpu.memory_space<vmem>> -> memref<64x64xf32, #tpu.memory_space<vmem>>
          %gather3A_169 = tpu.vector_load_idx %gather3A_168[%sub3A_129, %add3A_165] : memref<64x64xf32, #tpu.memory_space<vmem>>[vector<16xi32>, vector<16xi32>], vector<16xf32>,
          %swap3A_170 = arith.index_cast %and3A_136 : i32 to index
          %swap3A_171 = arith.constant 32 : index
          %swap3A_172 = tpu.vector_load %arg13[%swap3A_170, %swap3A_171] {strides = array<i32>} : memref<16x128xf32, #tpu.memory_space<vmem>>, vector<16xf32>,
          tpu.vector_store %arg13[%swap3A_170, %swap3A_171], %gather3A_169 {strides = array<i32>} : memref<16x128xf32, #tpu.memory_space<vmem>>, vector<16xf32>,
          %iota3A_173 = tpu.iota {dimensions = array<i32: 0>} : vector<16xi32>
          %add3A_174 = arith.constant 48 : i32
          %add3A_175 = vector.broadcast %add3A_174 : i32 to vector<16xi32>
          %add3A_176 = arith.addi %iota3A_173, %add3A_175 : vector<16xi32>
          %gather3A_177 = arith.constant 0 : i32
          %gather3A_178 = arith.constant 0 : i32
          %gather3A_179 = tpu.memref_slice %arg10[%gather3A_177, %gather3A_178] : memref<64x64xf32, #tpu.memory_space<vmem>> -> memref<64x64xf32, #tpu.memory_space<vmem>>
          %gather3A_180 = tpu.vector_load_idx %gather3A_179[%sub3A_129, %add3A_176] : memref<64x64xf32, #tpu.memory_space<vmem>>[vector<16xi32>, vector<16xi32>], vector<16xf32>,
          %swap3A_181 = arith.index_cast %and3A_136 : i32 to index
          %swap3A_182 = arith.constant 48 : index
          %swap3A_183 = tpu.vector_load %arg13[%swap3A_181, %swap3A_182] {strides = array<i32>} : memref<16x128xf32, #tpu.memory_space<vmem>>, vector<16xf32>,
          tpu.vector_store %arg13[%swap3A_181, %swap3A_182], %gather3A_180 {strides = array<i32>} : memref<16x128xf32, #tpu.memory_space<vmem>>, vector<16xf32>,
          %dma_start3A_184 = arith.constant 0 : i32
          %dma_start3A_185 = tpu.memref_slice %arg13[%and3A_136, %dma_start3A_184] : memref<16x128xf32, #tpu.memory_space<vmem>> -> memref<1x128xf32, #tpu.memory_space<vmem>>
          %dma_start3A_186 = tpu.memref_squeeze %dma_start3A_185 : memref<1x128xf32, #tpu.memory_space<vmem>> -> memref<128xf32, #tpu.memory_space<vmem>>
          %dma_start3A_187 = arith.constant 0 : i32
          %dma_start3A_188 = tpu.memref_slice %arg5[%squeeze3A_134, %dma_start3A_187] : memref<16384x128xf32, #tpu.memory_space<hbm>> -> memref<1x128xf32, #tpu.memory_space<hbm>>
          %dma_start3A_189 = tpu.memref_squeeze %dma_start3A_188 : memref<1x128xf32, #tpu.memory_space<hbm>> -> memref<128xf32, #tpu.memory_space<hbm>>
          %dma_start3A_190 = tpu.memref_slice %arg14[%and3A_136] : memref<16x!tpu.dma_semaphore, #tpu.memory_space<semaphore_mem>> -> memref<1x!tpu.dma_semaphore, #tpu.memory_space<semaphore_mem>>
          %dma_start3A_191 = tpu.memref_squeeze %dma_start3A_190 : memref<1x!tpu.dma_semaphore, #tpu.memory_space<semaphore_mem>> -> memref<!tpu.dma_semaphore, #tpu.memory_space<semaphore_mem>>
          %dma_start3A_192 = arith.constant 0 : i32
          %dma_start3A_193 = tpu.memref_slice %arg5[%squeeze3A_134, %dma_start3A_192] : memref<16384x128xf32, #tpu.memory_space<hbm>> -> memref<1x128xf32, #tpu.memory_space<hbm>>
          %dma_start3A_194 = tpu.memref_squeeze %dma_start3A_193 : memref<1x128xf32, #tpu.memory_space<hbm>> -> memref<128xf32, #tpu.memory_space<hbm>>
          %dma_start3A_195 = arith.constant 0 : i32
          %dma_start3A_196 = tpu.memref_slice %arg13[%and3A_136, %dma_start3A_195] : memref<16x128xf32, #tpu.memory_space<vmem>> -> memref<1x128xf32, #tpu.memory_space<vmem>>
          %dma_start3A_197 = tpu.memref_squeeze %dma_start3A_196 : memref<1x128xf32, #tpu.memory_space<vmem>> -> memref<128xf32, #tpu.memory_space<vmem>>
          tpu.enqueue_dma source(%dma_start3A_197 : memref<128xf32, #tpu.memory_space<vmem>>) target(%dma_start3A_194 : memref<128xf32, #tpu.memory_space<hbm>>) target_semaphore(%dma_start3A_191 : memref<!tpu.dma_semaphore, #tpu.memory_space<semaphore_mem>>)
          %add3A_198 = arith.constant 1 : i32
          %add3A_199 = arith.addi %while3A_123, %add3A_198 : i32
          scf.yield %add3A_199 : i32
        }
        %while3A_120 = arith.constant 1 : i32
        %while3A_121 = scf.for %while3A_122 = %while3A_117 to %while3A_113 step %while3A_120 iter_args(%while3A_123 = %while3A_119) -> (i32)  : i32 {
          %broadcast_in_dim3A_124 = vector.broadcast %while3A_122 : i32 to vector<16xi32>
          %gather3A = arith.constant 0 : i32
          %gather3A_125 = tpu.memref_slice %arg11[%gather3A] : memref<16xi32, #tpu.memory_space<vmem>> -> memref<16xi32, #tpu.memory_space<vmem>>
          %gather3A_126 = tpu.vector_load_idx %gather3A_125[%broadcast_in_dim3A_124] : memref<16xi32, #tpu.memory_space<vmem>>[vector<16xi32>], vector<16xi32>,
          %sub3A_127 = arith.constant 999936 : i32
          %sub3A_128 = vector.broadcast %sub3A_127 : i32 to vector<16xi32>
          %sub3A_129 = arith.subi %gather3A_126, %sub3A_128 : vector<16xi32>
          %gather3A_130 = arith.constant 0 : i32
          %gather3A_131 = tpu.memref_slice %arg12[%gather3A_130] : memref<16xi32, #tpu.memory_space<vmem>> -> memref<16xi32, #tpu.memory_space<vmem>>
          %gather3A_132 = tpu.vector_load_idx %gather3A_131[%broadcast_in_dim3A_124] : memref<16xi32, #tpu.memory_space<vmem>>[vector<16xi32>], vector<16xi32>,
          %slice3A_133 = vector.extract_strided_slice %gather3A_132 {offsets = [0], sizes = [1], strides = [1]} : vector<16xi32> to vector<1xi32>
          %squeeze3A_134 = vector.extract %slice3A_133[0] : i32 from vector<1xi32>
          %and3A_135 = arith.constant 15 : i32
          %and3A_136 = arith.andi %while3A_123, %and3A_135 : i32
          %ge3A = arith.constant 16 : i32
          %ge3A_137 = arith.cmpi sge, %while3A_123, %ge3A : i32
          %convert_element_type3A_138 = arith.extui %ge3A_137 : i1 to i32
          %cond3A_139 = arith.constant 0 : i32
          %cond3A_140 = arith.cmpi ne, %convert_element_type3A_138, %cond3A_139 : i32
          scf.if %cond3A_140 {
            %dma_wait3A = arith.constant 0 : i32
            %dma_wait3A_200 = arith.constant 0 : i32
            %dma_wait3A_201 = arith.constant 0 : i32
            %dma_wait3A_202 = tpu.memref_slice %arg13[%dma_wait3A_200, %dma_wait3A_201] : memref<16x128xf32, #tpu.memory_space<vmem>> -> memref<1x128xf32, #tpu.memory_space<vmem>>
            %dma_wait3A_203 = tpu.memref_squeeze %dma_wait3A_202 : memref<1x128xf32, #tpu.memory_space<vmem>> -> memref<128xf32, #tpu.memory_space<vmem>>
            %dma_wait3A_204 = arith.constant 0 : i32
            %dma_wait3A_205 = tpu.memref_slice %arg5[%dma_wait3A, %dma_wait3A_204] : memref<16384x128xf32, #tpu.memory_space<hbm>> -> memref<1x128xf32, #tpu.memory_space<hbm>>
            %dma_wait3A_206 = tpu.memref_squeeze %dma_wait3A_205 : memref<1x128xf32, #tpu.memory_space<hbm>> -> memref<128xf32, #tpu.memory_space<hbm>>
            %dma_wait3A_207 = tpu.memref_slice %arg14[%and3A_136] : memref<16x!tpu.dma_semaphore, #tpu.memory_space<semaphore_mem>> -> memref<1x!tpu.dma_semaphore, #tpu.memory_space<semaphore_mem>>
            %dma_wait3A_208 = tpu.memref_squeeze %dma_wait3A_207 : memref<1x!tpu.dma_semaphore, #tpu.memory_space<semaphore_mem>> -> memref<!tpu.dma_semaphore, #tpu.memory_space<semaphore_mem>>
            %dma_wait3A_209 = arith.constant 0 : i32
            %dma_wait3A_210 = tpu.memref_slice %arg13[%dma_wait3A_200, %dma_wait3A_209] : memref<16x128xf32, #tpu.memory_space<vmem>> -> memref<1x128xf32, #tpu.memory_space<vmem>>
            %dma_wait3A_211 = tpu.memref_squeeze %dma_wait3A_210 : memref<1x128xf32, #tpu.memory_space<vmem>> -> memref<128xf32, #tpu.memory_space<vmem>>
            %dma_wait3A_212 = arith.constant 0 : i32
            %dma_wait3A_213 = tpu.memref_slice %arg5[%dma_wait3A, %dma_wait3A_212] : memref<16384x128xf32, #tpu.memory_space<hbm>> -> memref<1x128xf32, #tpu.memory_space<hbm>>
            %dma_wait3A_214 = tpu.memref_squeeze %dma_wait3A_213 : memref<1x128xf32, #tpu.memory_space<hbm>> -> memref<128xf32, #tpu.memory_space<hbm>>
            tpu.wait_dma2 semaphore(%dma_wait3A_208 : memref<!tpu.dma_semaphore, #tpu.memory_space<semaphore_mem>>) src(%dma_wait3A_214 : memref<128xf32, #tpu.memory_space<hbm>>) dst(%dma_wait3A_211 : memref<128xf32, #tpu.memory_space<vmem>>)
          } else {
          }
          %iota3A = tpu.iota {dimensions = array<i32: 0>} : vector<16xi32>
          %add3A_141 = arith.constant 0 : i32
          %add3A_142 = vector.broadcast %add3A_141 : i32 to vector<16xi32>
          %add3A_143 = arith.addi %iota3A, %add3A_142 : vector<16xi32>
          %gather3A_144 = arith.constant 0 : i32
          %gather3A_145 = arith.constant 0 : i32
          %gather3A_146 = tpu.memref_slice %arg10[%gather3A_144, %gather3A_145] : memref<64x64xf32, #tpu.memory_space<vmem>> -> memref<64x64xf32, #tpu.memory_space<vmem>>
          %gather3A_147 = tpu.vector_load_idx %gather3A_146[%sub3A_129, %add3A_143] : memref<64x64xf32, #tpu.memory_space<vmem>>[vector<16xi32>, vector<16xi32>], vector<16xf32>,
          %swap3A_148 = arith.index_cast %and3A_136 : i32 to index
          %swap3A_149 = arith.constant 0 : index
          %swap3A_150 = tpu.vector_load %arg13[%swap3A_148, %swap3A_149] {strides = array<i32>} : memref<16x128xf32, #tpu.memory_space<vmem>>, vector<16xf32>,
          tpu.vector_store %arg13[%swap3A_148, %swap3A_149], %gather3A_147 {strides = array<i32>} : memref<16x128xf32, #tpu.memory_space<vmem>>, vector<16xf32>,
          %iota3A_151 = tpu.iota {dimensions = array<i32: 0>} : vector<16xi32>
          %add3A_152 = arith.constant 16 : i32
          %add3A_153 = vector.broadcast %add3A_152 : i32 to vector<16xi32>
          %add3A_154 = arith.addi %iota3A_151, %add3A_153 : vector<16xi32>
          %gather3A_155 = arith.constant 0 : i32
          %gather3A_156 = arith.constant 0 : i32
          %gather3A_157 = tpu.memref_slice %arg10[%gather3A_155, %gather3A_156] : memref<64x64xf32, #tpu.memory_space<vmem>> -> memref<64x64xf32, #tpu.memory_space<vmem>>
          %gather3A_158 = tpu.vector_load_idx %gather3A_157[%sub3A_129, %add3A_154] : memref<64x64xf32, #tpu.memory_space<vmem>>[vector<16xi32>, vector<16xi32>], vector<16xf32>,
          %swap3A_159 = arith.index_cast %and3A_136 : i32 to index
          %swap3A_160 = arith.constant 16 : index
          %swap3A_161 = tpu.vector_load %arg13[%swap3A_159, %swap3A_160] {strides = array<i32>} : memref<16x128xf32, #tpu.memory_space<vmem>>, vector<16xf32>,
          tpu.vector_store %arg13[%swap3A_159, %swap3A_160], %gather3A_158 {strides = array<i32>} : memref<16x128xf32, #tpu.memory_space<vmem>>, vector<16xf32>,
          %iota3A_162 = tpu.iota {dimensions = array<i32: 0>} : vector<16xi32>
          %add3A_163 = arith.constant 32 : i32
          %add3A_164 = vector.broadcast %add3A_163 : i32 to vector<16xi32>
          %add3A_165 = arith.addi %iota3A_162, %add3A_164 : vector<16xi32>
          %gather3A_166 = arith.constant 0 : i32
          %gather3A_167 = arith.constant 0 : i32
          %gather3A_168 = tpu.memref_slice %arg10[%gather3A_166, %gather3A_167] : memref<64x64xf32, #tpu.memory_space<vmem>> -> memref<64x64xf32, #tpu.memory_space<vmem>>
          %gather3A_169 = tpu.vector_load_idx %gather3A_168[%sub3A_129, %add3A_165] : memref<64x64xf32, #tpu.memory_space<vmem>>[vector<16xi32>, vector<16xi32>], vector<16xf32>,
          %swap3A_170 = arith.index_cast %and3A_136 : i32 to index
          %swap3A_171 = arith.constant 32 : index
          %swap3A_172 = tpu.vector_load %arg13[%swap3A_170, %swap3A_171] {strides = array<i32>} : memref<16x128xf32, #tpu.memory_space<vmem>>, vector<16xf32>,
          tpu.vector_store %arg13[%swap3A_170, %swap3A_171], %gather3A_169 {strides = array<i32>} : memref<16x128xf32, #tpu.memory_space<vmem>>, vector<16xf32>,
          %iota3A_173 = tpu.iota {dimensions = array<i32: 0>} : vector<16xi32>
          %add3A_174 = arith.constant 48 : i32
          %add3A_175 = vector.broadcast %add3A_174 : i32 to vector<16xi32>
          %add3A_176 = arith.addi %iota3A_173, %add3A_175 : vector<16xi32>
          %gather3A_177 = arith.constant 0 : i32
          %gather3A_178 = arith.constant 0 : i32
          %gather3A_179 = tpu.memref_slice %arg10[%gather3A_177, %gather3A_178] : memref<64x64xf32, #tpu.memory_space<vmem>> -> memref<64x64xf32, #tpu.memory_space<vmem>>
          %gather3A_180 = tpu.vector_load_idx %gather3A_179[%sub3A_129, %add3A_176] : memref<64x64xf32, #tpu.memory_space<vmem>>[vector<16xi32>, vector<16xi32>], vector<16xf32>,
          %swap3A_181 = arith.index_cast %and3A_136 : i32 to index
          %swap3A_182 = arith.constant 48 : index
          %swap3A_183 = tpu.vector_load %arg13[%swap3A_181, %swap3A_182] {strides = array<i32>} : memref<16x128xf32, #tpu.memory_space<vmem>>, vector<16xf32>,
          tpu.vector_store %arg13[%swap3A_181, %swap3A_182], %gather3A_180 {strides = array<i32>} : memref<16x128xf32, #tpu.memory_space<vmem>>, vector<16xf32>,
          %dma_start3A_184 = arith.constant 0 : i32
          %dma_start3A_185 = tpu.memref_slice %arg13[%and3A_136, %dma_start3A_184] : memref<16x128xf32, #tpu.memory_space<vmem>> -> memref<1x128xf32, #tpu.memory_space<vmem>>
          %dma_start3A_186 = tpu.memref_squeeze %dma_start3A_185 : memref<1x128xf32, #tpu.memory_space<vmem>> -> memref<128xf32, #tpu.memory_space<vmem>>
          %dma_start3A_187 = arith.constant 0 : i32
          %dma_start3A_188 = tpu.memref_slice %arg5[%squeeze3A_134, %dma_start3A_187] : memref<16384x128xf32, #tpu.memory_space<hbm>> -> memref<1x128xf32, #tpu.memory_space<hbm>>
          %dma_start3A_189 = tpu.memref_squeeze %dma_start3A_188 : memref<1x128xf32, #tpu.memory_space<hbm>> -> memref<128xf32, #tpu.memory_space<hbm>>
          %dma_start3A_190 = tpu.memref_slice %arg14[%and3A_136] : memref<16x!tpu.dma_semaphore, #tpu.memory_space<semaphore_mem>> -> memref<1x!tpu.dma_semaphore, #tpu.memory_space<semaphore_mem>>
          %dma_start3A_191 = tpu.memref_squeeze %dma_start3A_190 : memref<1x!tpu.dma_semaphore, #tpu.memory_space<semaphore_mem>> -> memref<!tpu.dma_semaphore, #tpu.memory_space<semaphore_mem>>
          %dma_start3A_192 = arith.constant 0 : i32
          %dma_start3A_193 = tpu.memref_slice %arg5[%squeeze3A_134, %dma_start3A_192] : memref<16384x128xf32, #tpu.memory_space<hbm>> -> memref<1x128xf32, #tpu.memory_space<hbm>>
          %dma_start3A_194 = tpu.memref_squeeze %dma_start3A_193 : memref<1x128xf32, #tpu.memory_space<hbm>> -> memref<128xf32, #tpu.memory_space<hbm>>
          %dma_start3A_195 = arith.constant 0 : i32
          %dma_start3A_196 = tpu.memref_slice %arg13[%and3A_136, %dma_start3A_195] : memref<16x128xf32, #tpu.memory_space<vmem>> -> memref<1x128xf32, #tpu.memory_space<vmem>>
          %dma_start3A_197 = tpu.memref_squeeze %dma_start3A_196 : memref<1x128xf32, #tpu.memory_space<vmem>> -> memref<128xf32, #tpu.memory_space<vmem>>
          tpu.enqueue_dma source(%dma_start3A_197 : memref<128xf32, #tpu.memory_space<vmem>>) target(%dma_start3A_194 : memref<128xf32, #tpu.memory_space<hbm>>) target_semaphore(%dma_start3A_191 : memref<!tpu.dma_semaphore, #tpu.memory_space<semaphore_mem>>)
          %add3A_198 = arith.constant 1 : i32
          %add3A_199 = arith.addi %while3A_123, %add3A_198 : i32
          scf.yield %add3A_199 : i32
        }
        scf.yield %while3A_121 : i32
      }
      %min3A = arith.constant 16 : i32
      %min3A_82 = arith.minsi %while3A_81, %min3A : i32
      %while3A_83 = arith.constant 0 : i32
      %while3A_84 = arith.constant 0 : i32
      %while3A_85 = arith.subi %min3A_82, %while3A_84 : i32
      %while3A_86 = arith.addi %while3A_84, %while3A_85 : i32
      %while3A_87 = arith.constant 1 : i32
      %while3A_88 = arith.divsi %while3A_85, %while3A_87 : i32
      %while3A_89 = arith.muli %while3A_88, %while3A_87 : i32
      %while3A_90 = arith.addi %while3A_84, %while3A_89 : i32
      %while3A_91 = arith.constant 1 : i32
      scf.for %while3A_93 = %while3A_84 to %while3A_90 step %while3A_91  : i32 {
        %dma_wait3A = arith.constant 0 : i32
        %dma_wait3A_94 = arith.constant 0 : i32
        %dma_wait3A_95 = arith.constant 0 : i32
        %dma_wait3A_96 = tpu.memref_slice %arg13[%dma_wait3A_94, %dma_wait3A_95] : memref<16x128xf32, #tpu.memory_space<vmem>> -> memref<1x128xf32, #tpu.memory_space<vmem>>
        %dma_wait3A_97 = tpu.memref_squeeze %dma_wait3A_96 : memref<1x128xf32, #tpu.memory_space<vmem>> -> memref<128xf32, #tpu.memory_space<vmem>>
        %dma_wait3A_98 = arith.constant 0 : i32
        %dma_wait3A_99 = tpu.memref_slice %arg5[%dma_wait3A, %dma_wait3A_98] : memref<16384x128xf32, #tpu.memory_space<hbm>> -> memref<1x128xf32, #tpu.memory_space<hbm>>
        %dma_wait3A_100 = tpu.memref_squeeze %dma_wait3A_99 : memref<1x128xf32, #tpu.memory_space<hbm>> -> memref<128xf32, #tpu.memory_space<hbm>>
        %dma_wait3A_101 = tpu.memref_slice %arg14[%while3A_93] : memref<16x!tpu.dma_semaphore, #tpu.memory_space<semaphore_mem>> -> memref<1x!tpu.dma_semaphore, #tpu.memory_space<semaphore_mem>>
        %dma_wait3A_102 = tpu.memref_squeeze %dma_wait3A_101 : memref<1x!tpu.dma_semaphore, #tpu.memory_space<semaphore_mem>> -> memref<!tpu.dma_semaphore, #tpu.memory_space<semaphore_mem>>
        %dma_wait3A_103 = arith.constant 0 : i32
        %dma_wait3A_104 = tpu.memref_slice %arg13[%dma_wait3A_94, %dma_wait3A_103] : memref<16x128xf32, #tpu.memory_space<vmem>> -> memref<1x128xf32, #tpu.memory_space<vmem>>
        %dma_wait3A_105 = tpu.memref_squeeze %dma_wait3A_104 : memref<1x128xf32, #tpu.memory_space<vmem>> -> memref<128xf32, #tpu.memory_space<vmem>>
        %dma_wait3A_106 = arith.constant 0 : i32
        %dma_wait3A_107 = tpu.memref_slice %arg5[%dma_wait3A, %dma_wait3A_106] : memref<16384x128xf32, #tpu.memory_space<hbm>> -> memref<1x128xf32, #tpu.memory_space<hbm>>
        %dma_wait3A_108 = tpu.memref_squeeze %dma_wait3A_107 : memref<1x128xf32, #tpu.memory_space<hbm>> -> memref<128xf32, #tpu.memory_space<hbm>>
        tpu.wait_dma2 semaphore(%dma_wait3A_102 : memref<!tpu.dma_semaphore, #tpu.memory_space<semaphore_mem>>) src(%dma_wait3A_108 : memref<128xf32, #tpu.memory_space<hbm>>) dst(%dma_wait3A_105 : memref<128xf32, #tpu.memory_space<vmem>>)
      }
      %while3A_92 = arith.constant 1 : i32
      scf.for %while3A_93 = %while3A_90 to %while3A_86 step %while3A_92  : i32 {
        %dma_wait3A = arith.constant 0 : i32
        %dma_wait3A_94 = arith.constant 0 : i32
        %dma_wait3A_95 = arith.constant 0 : i32
        %dma_wait3A_96 = tpu.memref_slice %arg13[%dma_wait3A_94, %dma_wait3A_95] : memref<16x128xf32, #tpu.memory_space<vmem>> -> memref<1x128xf32, #tpu.memory_space<vmem>>
        %dma_wait3A_97 = tpu.memref_squeeze %dma_wait3A_96 : memref<1x128xf32, #tpu.memory_space<vmem>> -> memref<128xf32, #tpu.memory_space<vmem>>
        %dma_wait3A_98 = arith.constant 0 : i32
        %dma_wait3A_99 = tpu.memref_slice %arg5[%dma_wait3A, %dma_wait3A_98] : memref<16384x128xf32, #tpu.memory_space<hbm>> -> memref<1x128xf32, #tpu.memory_space<hbm>>
        %dma_wait3A_100 = tpu.memref_squeeze %dma_wait3A_99 : memref<1x128xf32, #tpu.memory_space<hbm>> -> memref<128xf32, #tpu.memory_space<hbm>>
        %dma_wait3A_101 = tpu.memref_slice %arg14[%while3A_93] : memref<16x!tpu.dma_semaphore, #tpu.memory_space<semaphore_mem>> -> memref<1x!tpu.dma_semaphore, #tpu.memory_space<semaphore_mem>>
        %dma_wait3A_102 = tpu.memref_squeeze %dma_wait3A_101 : memref<1x!tpu.dma_semaphore, #tpu.memory_space<semaphore_mem>> -> memref<!tpu.dma_semaphore, #tpu.memory_space<semaphore_mem>>
        %dma_wait3A_103 = arith.constant 0 : i32
        %dma_wait3A_104 = tpu.memref_slice %arg13[%dma_wait3A_94, %dma_wait3A_103] : memref<16x128xf32, #tpu.memory_space<vmem>> -> memref<1x128xf32, #tpu.memory_space<vmem>>
        %dma_wait3A_105 = tpu.memref_squeeze %dma_wait3A_104 : memref<1x128xf32, #tpu.memory_space<vmem>> -> memref<128xf32, #tpu.memory_space<vmem>>
        %dma_wait3A_106 = arith.constant 0 : i32
        %dma_wait3A_107 = tpu.memref_slice %arg5[%dma_wait3A, %dma_wait3A_106] : memref<16384x128xf32, #tpu.memory_space<hbm>> -> memref<1x128xf32, #tpu.memory_space<hbm>>
        %dma_wait3A_108 = tpu.memref_squeeze %dma_wait3A_107 : memref<1x128xf32, #tpu.memory_space<hbm>> -> memref<128xf32, #tpu.memory_space<hbm>>
        tpu.wait_dma2 semaphore(%dma_wait3A_102 : memref<!tpu.dma_semaphore, #tpu.memory_space<semaphore_mem>>) src(%dma_wait3A_108 : memref<128xf32, #tpu.memory_space<hbm>>) dst(%dma_wait3A_105 : memref<128xf32, #tpu.memory_space<vmem>>)
      }
    } else {
    }
    %ne3A_66 = arith.constant 1 : i32
    %ne3A_67 = arith.cmpi ne, %add3A, %ne3A_66 : i32
    %convert_element_type3A_68 = arith.extui %ne3A_67 : i1 to i32
    %cond3A_69 = arith.constant 0 : i32
    %cond3A_70 = arith.cmpi ne, %convert_element_type3A_68, %cond3A_69 : i32
    scf.if %cond3A_70 {
      %min3A = arith.constant 16 : i32
      %min3A_71 = arith.minsi %while3A_62, %min3A : i32
      %while3A_72 = arith.constant 0 : i32
      %while3A_73 = arith.constant 0 : i32
      %while3A_74 = arith.subi %min3A_71, %while3A_73 : i32
      %while3A_75 = arith.addi %while3A_73, %while3A_74 : i32
      %while3A_76 = arith.constant 1 : i32
      %while3A_77 = arith.divsi %while3A_74, %while3A_76 : i32
      %while3A_78 = arith.muli %while3A_77, %while3A_76 : i32
      %while3A_79 = arith.addi %while3A_73, %while3A_78 : i32
      %while3A_80 = arith.constant 1 : i32
      scf.for %while3A_82 = %while3A_73 to %while3A_79 step %while3A_80  : i32 {
        %dma_wait3A = arith.constant 0 : i32
        %dma_wait3A_83 = arith.constant 0 : i32
        %dma_wait3A_84 = arith.constant 0 : i32
        %dma_wait3A_85 = tpu.memref_slice %arg13[%dma_wait3A_83, %dma_wait3A_84] : memref<16x128xf32, #tpu.memory_space<vmem>> -> memref<1x128xf32, #tpu.memory_space<vmem>>
        %dma_wait3A_86 = tpu.memref_squeeze %dma_wait3A_85 : memref<1x128xf32, #tpu.memory_space<vmem>> -> memref<128xf32, #tpu.memory_space<vmem>>
        %dma_wait3A_87 = arith.constant 0 : i32
        %dma_wait3A_88 = tpu.memref_slice %arg5[%dma_wait3A, %dma_wait3A_87] : memref<16384x128xf32, #tpu.memory_space<hbm>> -> memref<1x128xf32, #tpu.memory_space<hbm>>
        %dma_wait3A_89 = tpu.memref_squeeze %dma_wait3A_88 : memref<1x128xf32, #tpu.memory_space<hbm>> -> memref<128xf32, #tpu.memory_space<hbm>>
        %dma_wait3A_90 = tpu.memref_slice %arg14[%while3A_82] : memref<16x!tpu.dma_semaphore, #tpu.memory_space<semaphore_mem>> -> memref<1x!tpu.dma_semaphore, #tpu.memory_space<semaphore_mem>>
        %dma_wait3A_91 = tpu.memref_squeeze %dma_wait3A_90 : memref<1x!tpu.dma_semaphore, #tpu.memory_space<semaphore_mem>> -> memref<!tpu.dma_semaphore, #tpu.memory_space<semaphore_mem>>
        %dma_wait3A_92 = arith.constant 0 : i32
        %dma_wait3A_93 = tpu.memref_slice %arg13[%dma_wait3A_83, %dma_wait3A_92] : memref<16x128xf32, #tpu.memory_space<vmem>> -> memref<1x128xf32, #tpu.memory_space<vmem>>
        %dma_wait3A_94 = tpu.memref_squeeze %dma_wait3A_93 : memref<1x128xf32, #tpu.memory_space<vmem>> -> memref<128xf32, #tpu.memory_space<vmem>>
        %dma_wait3A_95 = arith.constant 0 : i32
        %dma_wait3A_96 = tpu.memref_slice %arg5[%dma_wait3A, %dma_wait3A_95] : memref<16384x128xf32, #tpu.memory_space<hbm>> -> memref<1x128xf32, #tpu.memory_space<hbm>>
        %dma_wait3A_97 = tpu.memref_squeeze %dma_wait3A_96 : memref<1x128xf32, #tpu.memory_space<hbm>> -> memref<128xf32, #tpu.memory_space<hbm>>
        tpu.wait_dma2 semaphore(%dma_wait3A_91 : memref<!tpu.dma_semaphore, #tpu.memory_space<semaphore_mem>>) src(%dma_wait3A_97 : memref<128xf32, #tpu.memory_space<hbm>>) dst(%dma_wait3A_94 : memref<128xf32, #tpu.memory_space<vmem>>)
      }
      %while3A_81 = arith.constant 1 : i32
      scf.for %while3A_82 = %while3A_79 to %while3A_75 step %while3A_81  : i32 {
        %dma_wait3A = arith.constant 0 : i32
        %dma_wait3A_83 = arith.constant 0 : i32
        %dma_wait3A_84 = arith.constant 0 : i32
        %dma_wait3A_85 = tpu.memref_slice %arg13[%dma_wait3A_83, %dma_wait3A_84] : memref<16x128xf32, #tpu.memory_space<vmem>> -> memref<1x128xf32, #tpu.memory_space<vmem>>
        %dma_wait3A_86 = tpu.memref_squeeze %dma_wait3A_85 : memref<1x128xf32, #tpu.memory_space<vmem>> -> memref<128xf32, #tpu.memory_space<vmem>>
        %dma_wait3A_87 = arith.constant 0 : i32
        %dma_wait3A_88 = tpu.memref_slice %arg5[%dma_wait3A, %dma_wait3A_87] : memref<16384x128xf32, #tpu.memory_space<hbm>> -> memref<1x128xf32, #tpu.memory_space<hbm>>
        %dma_wait3A_89 = tpu.memref_squeeze %dma_wait3A_88 : memref<1x128xf32, #tpu.memory_space<hbm>> -> memref<128xf32, #tpu.memory_space<hbm>>
        %dma_wait3A_90 = tpu.memref_slice %arg14[%while3A_82] : memref<16x!tpu.dma_semaphore, #tpu.memory_space<semaphore_mem>> -> memref<1x!tpu.dma_semaphore, #tpu.memory_space<semaphore_mem>>
        %dma_wait3A_91 = tpu.memref_squeeze %dma_wait3A_90 : memref<1x!tpu.dma_semaphore, #tpu.memory_space<semaphore_mem>> -> memref<!tpu.dma_semaphore, #tpu.memory_space<semaphore_mem>>
        %dma_wait3A_92 = arith.constant 0 : i32
        %dma_wait3A_93 = tpu.memref_slice %arg13[%dma_wait3A_83, %dma_wait3A_92] : memref<16x128xf32, #tpu.memory_space<vmem>> -> memref<1x128xf32, #tpu.memory_space<vmem>>
        %dma_wait3A_94 = tpu.memref_squeeze %dma_wait3A_93 : memref<1x128xf32, #tpu.memory_space<vmem>> -> memref<128xf32, #tpu.memory_space<vmem>>
        %dma_wait3A_95 = arith.constant 0 : i32
        %dma_wait3A_96 = tpu.memref_slice %arg5[%dma_wait3A, %dma_wait3A_95] : memref<16384x128xf32, #tpu.memory_space<hbm>> -> memref<1x128xf32, #tpu.memory_space<hbm>>
        %dma_wait3A_97 = tpu.memref_squeeze %dma_wait3A_96 : memref<1x128xf32, #tpu.memory_space<hbm>> -> memref<128xf32, #tpu.memory_space<hbm>>
        tpu.wait_dma2 semaphore(%dma_wait3A_91 : memref<!tpu.dma_semaphore, #tpu.memory_space<semaphore_mem>>) src(%dma_wait3A_97 : memref<128xf32, #tpu.memory_space<hbm>>) dst(%dma_wait3A_94 : memref<128xf32, #tpu.memory_space<vmem>>)
      }
    } else {
    }
    return
  }
}

</mosaic_0001>

<sc_bundles>
// kernel: kernel.3.cloned.1.call-start
scs
__scs_entry_jumppad:
0x0: {  	(pc) =	sbr.rel $0x88, $3  }
0x1: {  	(tag) =	ssettag $0x0;
	lr =	simm.s32 $0x1  }
0x2: {  	[smem:$0x3F9F] =	sst lr;
	_ =	strace $0xD0000000  }
0x3: {  	_ = 	snop  }
0x4: {  	_ = 	snop  }
0x5: {  	_ = 	snop  }
0x6: {  	_ = 	snop  }
0x7: {  	_ = 	snop  }
__scs_overlays_trampoline_lowered:
0x8: {  	[smem:$0x3FAE] =	sst s0  }
0x9: {  	[smem:$0x3FAF] =	sst s1  }
0xa: {  	[smem:$0x3FB0] =	sst s2  }
0xb: {  	[smem:$0x3FB1] =	sst s3  }
0xc: {  	[smem:$0x3FB2] =	sst s4  }
0xd: {  	[smem:$0x3FB3] =	sst s5  }
0xe: {  	[smem:$0x3FB4] =	sst s6  }
0xf: {  	[smem:$0x3FB5] =	sst s7  }
0x10: {  	[smem:$0x3FB6] =	sst s8  }
0x11: {  	[smem:$0x3FB7] =	sst s9;
	s0 =	simm.s32 @!p0 $0x0  }
0x12: {  	s1 =	sld [smem:$0x3F9D];
	s0 =	simm.s32 @p0 $0x1  }
0x13: {  	[smem:$0x3FB8] =	sst s0;
	s0 =	simm.s32 @!p1 $0x0  }
0x14: {  	s2 =	sld [smem:$0x3F9C];
	s0 =	simm.s32 @p1 $0x1  }
0x15: {  	[smem:$0x3FB9] =	sst s0;
	s0 =	simm.s32 @!p2 $0x0  }
0x16: {  	s3 =	sld [smem:$0x3FDB];
	s0 =	simm.s32 @p2 $0x1  }
0x17: {  	s4 =	simm.s32 $0x1BF5;
	[smem:$0x3FBB] =	sst s0  }
0x18: {  	s0 =	sld [smem:$0x3F9E];
	_ =	swait.ge [sflag:s4], $0x0  }
0x19: {  	s7 =	sld [smem:$0x3F9F]  }
0x1a: {  	s8 =	sadd.s32 $0xFFFFE003, lr  }
0x1b: {  	s9 =	sadd.s32 $0xFFFFFEF7, lr;
	s5 =	simm.s32 $0xFFFFFFFF;
	p2 =	slt.u32 s8, $0xFFFFF086  }
0x1c: {  	p1 =	slt.u32 s9, $0xF7A;
	s5 =	simm.s32 @!p2 $0x0  }
0x1d: {  	s5 =	simm.s32 @p1 $0x1;
	p0 =	seq.s32 s7, s2  }
0x1e: {  	s7 =	smul.u32 @!p0 $0xF7A, s2;
	p2 =	seq.s32 @!p0 s5, $0x0  }
0x1f: {  	s9 =	smul.u32 $0xF7A, s1;
	s8 =	simm.s32 @!p0 $0x1BF5;
	p2 =	por !p2, p0  }
0x20: {  	[sflag:s8] =	ssyncset.s32 @!p0 $0xFFFFF086;
	s6 =	sadd.s32 @!p0 s3, s7;
	s7 =	simm.s32 @!p0 $0x108  }
0x21: {  	s3 =	sadd.s32 s3, s9;
	s6 =	sadd.s32 @!p0 $0x88, s6;
	s7 =	simm.s32 @p2 $0x1082  }
0x22: {  	[simem:s7], [sflag:s8] =	dma.local @!p0 [hbm:s6], $0xF7A  }
0x23: {  	s9 =	sor.u32 $0xD0000000, s2;
	s6 =	simm.s32 $0x108;
	_ =	swait.ge @!p0 [sflag:s8], $0x0  }
0x24: {  	s3 =	sadd.s32 $0x88, s3;
	s6 =	simm.s32 @!p1 $0x1082;
	[sflag:s4] =	ssyncset.s32 $0xFFFFF086  }
0x25: {  	[simem:s6], [sflag:s4] =	dma.local [hbm:s3], $0xF7A  }
0x26: {  	[smem:$0x3F9F] =	sst s1;
	(tag) =	ssettag s2;
	_ =	strace s9  }
0x27: {  	s1 =	sld [smem:$0x3FAF]  }
0x28: {  	s2 =	sld [smem:$0x3FB0]  }
0x29: {  	s4 =	sld [smem:$0x3FB2]  }
0x2a: {  	p0 =	seq.s32 s5, $0x0;
	s5 =	sld [smem:$0x3FB3]  }
0x2b: {  	s6 =	sld [smem:$0x3FB4]  }
0x2c: {  	s7 =	sld [smem:$0x3FB5]  }
0x2d: {  	s3 =	simm.s32 $0x108;
	s8 =	sld [smem:$0x3FB6]  }
0x2e: {  	s3 =	simm.s32 @!p0 $0x1082;
	s9 =	sld [smem:$0x3FB7]  }
0x2f: {  	lr =	sadd.s32 s0, s3;
	s0 =	sld [smem:$0x3FAE]  }
0x30: {  	s3 =	sld [smem:$0x3FB1]  }
0x31: {  	[smem:$0x3FBA] =	sst s10  }
0x32: {  	s10 =	sld [smem:$0x3FB8];
	_ =	sdelay $0x3  }
0x33: {  	p0 =	seq.s32 s10, $0x1;
	s10 =	sld [smem:$0x3FBA];
	_ =	sdelay $0x3  }
0x34: {  	[smem:$0x3FBA] =	sst s10  }
0x35: {  	s10 =	sld [smem:$0x3FB9];
	_ =	sdelay $0x3  }
0x36: {  	p1 =	seq.s32 s10, $0x1;
	s10 =	sld [smem:$0x3FBA];
	_ =	sdelay $0x3  }
0x37: {  	[smem:$0x3FBA] =	sst s10  }
0x38: {  	s10 =	sld [smem:$0x3FBB]  }
0x39: {  	_ = 	snop;
	(pc) =	sbr.ind lr, $3  }
0x3a: {  	_ = 	snop  }
0x3b: {  	_ = 	snop  }
0x3c: {  	p2 =	seq.s32 s10, $0x1;
	s10 =	sld [smem:$0x3FBA]  }
0x3d: {  	_ =	shalt  }
0x3e: {  	_ =	shalt  }
0x3f: {  	_ =	shalt  }
0x40: {  	_ =	shalt  }
0x41: {  	_ =	shalt  }
0x42: {  	_ =	shalt  }
0x43: {  	_ =	shalt  }
0x44: {  	_ =	shalt  }
0x45: {  	_ =	shalt  }
0x46: {  	_ =	shalt  }
0x47: {  	_ =	shalt  }
0x48: {  	_ =	shalt  }
0x49: {  	_ =	shalt  }
0x4a: {  	_ =	shalt  }
0x4b: {  	_ =	shalt  }
0x4c: {  	_ =	shalt  }
0x4d: {  	_ =	shalt  }
0x4e: {  	_ =	shalt  }
0x4f: {  	_ =	shalt  }
0x50: {  	_ =	shalt  }
0x51: {  	_ =	shalt  }
0x52: {  	_ =	shalt  }
0x53: {  	_ =	shalt  }
0x54: {  	_ =	shalt  }
0x55: {  	_ =	shalt  }
0x56: {  	_ =	shalt  }
0x57: {  	_ =	shalt  }
0x58: {  	_ =	shalt  }
0x59: {  	_ =	shalt  }
0x5a: {  	_ =	shalt  }
0x5b: {  	_ =	shalt  }
0x5c: {  	_ =	shalt  }
0x5d: {  	_ =	shalt  }
0x5e: {  	_ =	shalt  }
0x5f: {  	_ =	shalt  }
0x60: {  	_ =	shalt  }
0x61: {  	_ =	shalt  }
0x62: {  	_ =	shalt  }
0x63: {  	_ =	shalt  }
0x64: {  	_ =	shalt  }
0x65: {  	_ =	shalt  }
0x66: {  	_ =	shalt  }
0x67: {  	_ =	shalt  }
0x68: {  	_ =	shalt  }
0x69: {  	_ =	shalt  }
0x6a: {  	_ =	shalt  }
0x6b: {  	_ =	shalt  }
0x6c: {  	_ =	shalt  }
0x6d: {  	_ =	shalt  }
0x6e: {  	_ =	shalt  }
0x6f: {  	_ =	shalt  }
0x70: {  	_ =	shalt  }
0x71: {  	_ =	shalt  }
0x72: {  	_ =	shalt  }
0x73: {  	_ =	shalt  }
0x74: {  	_ =	shalt  }
0x75: {  	_ =	shalt  }
0x76: {  	_ =	shalt  }
0x77: {  	_ =	shalt  }
0x78: {  	_ =	shalt  }
0x79: {  	_ =	shalt  }
0x7a: {  	_ =	shalt  }
0x7b: {  	_ =	shalt  }
0x7c: {  	_ =	shalt  }
0x7d: {  	_ =	shalt  }
0x7e: {  	_ =	shalt  }
0x7f: {  	_ =	shalt  }
0x80: {  	_ =	shalt  }
0x81: {  	_ =	shalt  }
0x82: {  	_ =	shalt  }
0x83: {  	_ =	shalt  }
0x84: {  	_ =	shalt  }
0x85: {  	_ =	shalt  }
0x86: {  	_ =	shalt  }
0x87: {  	_ =	shalt  }
.Lfunc_end0:
.L_simem_size_0:
called_computation_lowered:
.L_overlay_start_0:
0x88: {  	s2 =	sld [smem:$0x3FD9]  }
0x89: {  	s3 =	sld [smem:$0x3FFE];
	_ =	sdelay $0x1  }
0x8a: {  	s1 =	srdreg.scid  }
0x8b: {  	s0 =	sand.u32 $0x1, s1  }
0x8c: {  	s17 =	sshll.u32 s0, $0xA;
	s2 =	sadd.s32 s3, s2  }
0x8d: {  	s2 =	sadd.s32 s2, s17  }
0x8e: {  	[smem:$0x3FC6] =	sst s2  }
0x8f: {  	_ = 	snop  }
0x90: {  	s2 =	sld [smem:$0x3FC9]  }
0x91: {  	s18 =	sld [smem:$0x3FC8]  }
0x92: {  	s4 =	sld [smem:$0x3FD0];
	(tm) =	ssettm $0x1  }
0x93: {  	s5 =	sld [smem:$0x3FFB];
	_ =	sdelay $0x3  }
0x94: {  	_ =	strace s5  }
0x95: {  	s5 =	sld [smem:$0x3FFC];
	_ =	sdelay $0x3  }
0x96: {  	_ =	strace s5  }
0x97: {  	s5 =	sld [smem:$0x3FFD];
	_ =	sdelay $0x3  }
0x98: {  	_ =	strace s5  }
0x99: {  	_ =	strace $0x8FFFFFFF  }
0x9a: {  	s19 =	sld [smem:$0x3FDB];
	_ =	sdelay $0x1  }
0x9b: {  	s6 =	simm.s32 $_scs_section_size  }
0x9c: {  	s7 =	simm.s32 $_size__tile_overlayer_lowered;
	s8 =	simm.s32 $_tile_overlayer_lowered  }
0x9d: {  	s22 =	simm.s32 $0x1BFF;
	s21 =	sshll.u32 s8, $0x1;
	s5 =	sadd.s32 s6, s19  }
0x9e: {  	s9 =	simm.s32 $0x0;
	s20 =	sshll.u32 s7, $0x1;
	s7 =	sadd.s32 s21, s5  }
0x9f: {  	[timem:s9], [sflag:s22] =	dma.local [hbm:s7], s20  }
0xa0: {  	_ =	swait.ge [sflag:s22], s20  }
0xa1: {  	s6 =	ssub.s32 $0x0, s20;
	[sflag:s22] =	ssyncset.done $0x0  }
0xa2: {  	[sflag:s22] =	ssyncadd.s32 s6;
	_ =	sdelay $0x1  }
0xa3: {  	s23 =	simm.s32 $0x1B8B  }
0xa4: {  	_ =	swait.ge [sflag:s23], $0x1  }
0xa5: {  	[sflag:s23] =	ssyncset.done $0x0  }
0xa6: {  	s25 =	simm.s32 $0x1B8E;
	s24 =	sld [smem:$0x3FFE];
	[sflag:s23] =	ssyncadd.s32 $0xFFFFFFFF  }
0xa7: {  	s26 =	simm.s32 $execute0_lowered;
	[smem:$0x3FD2] =	sst s25  }
0xa8: {  	s7 =	sshll.u32 s26, $0x1;
	_ =	strace $0x80000046;
	[dreg:$0x1] =	wrdreg $0xFFFFFFFF  }
0xa9: {  	s28 =	simm.s32 $_size_execute0_lowered;
	s5 =	sadd.s32 s5, s7;
	[dreg:$0x0] =	wrdreg $0x0  }
0xaa: {  	s7 =	sshll.u32 s28, $0x1;
	[dreg:$0x2] =	wrdreg s5  }
0xab: {  	[dreg:$0x3] =	wrdreg s7  }
0xac: {  	[dreg:$0x4] =	wrdreg $0xC0  }
0xad: {  	_ =	task [dreg:s9], $0x5FFFF  }
0xae: {  	[dreg:$0x1] =	wrdreg $0xFFFFFFFF  }
0xaf: {  	[dreg:$0x0] =	wrdreg $0x60  }
0xb0: {  	[dreg:$0x2] =	wrdreg s2  }
0xb1: {  	[dreg:$0x3] =	wrdreg s18  }
0xb2: {  	[dreg:$0x4] =	wrdreg s4  }
0xb3: {  	[dreg:$0x5] =	wrdreg s24  }
0xb4: {  	[dreg:$0x6] =	wrdreg $0x9  }
0xb5: {  	_ =	task.clear_ibuf [dreg:s9], $0x7FFFF;
	_ =	strace $0x90000046  }
0xb6: {  	s29 =	simm.s32 $0x9;
	_ =	strace $0x80000048  }
0xb7: {  	_ =	swait.ge [sflag:s29], $0x1  }
0xb8: {  	[sflag:s29] =	ssyncadd.s32 $0xFFFFFFFF  }
0xb9: {  	_ =	strace $0x90000048  }
0xba: {  	_ =	sfence  }
0xbb: {  	s30 =	sld [smem:$0x0];
	_ =	sdelay $0x2  }
0xbc: {  	s31 =	sshll.u32 s1, $0xD;
	s1 =	sshrl.u32 s1, $0x2  }
0xbd: {  	s3 =	sand.u32 $0x4000, s31;
	s1 =	sadd.s32 s1, s30  }
0xbe: {  	s0 =	sor.u32 s3, s0;
	s1 =	sshll.u32 s1, $0x11  }
0xbf: {  	s0 =	sor.u32 s1, s0  }
0xc0: {  	s0 =	sadd.s32 $0x8F2B, s0  }
0xc1: {  	[sflag:s0] =	ssyncadd.remote.s32 $0x1  }
0xc2: {  	_ =	sfence.sel $0xFFFF  }
0xc3: {  	[dreg:$0x0] =	wrdreg $0xFFFFFFFF;
	(pc) =	sbr.abs _section_cstart, $3  }
0xc4: {  	[dreg:$0x1] =	wrdreg $0xFFFFFFFF  }
0xc5: {  	_ =	task.clear_ibuf [dreg:s9], $0x2FFFF;
	_ =	strace $0x9FFFFFFF  }
0xc6: {  	(tm) =	ssettm $0x7FFFFFFF  }
0xc7: {  	_ =	shalt  }
tec
execute0_lowered:
.L_overlay_start_1:
0x0: {  	(tag) =	ssettag $0x1  }
0x1: {  	v0 =	vimm.s32 $0x1380;
	vm14 =	vcmask $0x300  }
0x2: {  	vm13 =	vcmask $0x704;
	vm12 =	vcmask $0xB08;
	vm11 =	vcmask $0xF0C  }
0x3: {  	vm10 =	vcmask $0x1310;
	vm9 =	vcmask $0x1714;
	vm8 =	vcmask $0x1B18  }
0x4: {  	vm7 =	vcmask $0x1F1C;
	vm6 =	vcmask $0x2320;
	vm5 =	vcmask $0x2724  }
0x5: {  	vm4 =	vcmask $0x2B28;
	vm3 =	vcmask $0x2F2C;
	vm2 =	vcmask $0x3330  }
0x6: {  	vm1 =	vcmask $0x3734;
	vm0 =	vcmask $0x3B38;
	v4 =	vimm.s32 $0x3380  }
0x7: {  	v5 =	vimm.s32 $0x5380;
	v6 =	vimm.s32 $0x7380;
	v0 =	vsel vm14, $0x0, v0  }
0x8: {  	v4 =	vsel vm14, $0x2000, v4;
	v5 =	vsel vm14, $0x4000, v5;
	v6 =	vsel vm14, $0x6000, v6  }
0x9: {  	v0 =	vsel vm13, $0x80, v0;
	v4 =	vsel vm13, $0x2080, v4;
	v5 =	vsel vm13, $0x4080, v5  }
0xa: {  	v6 =	vsel vm13, $0x6080, v6;
	v0 =	vsel vm12, $0x100, v0;
	v4 =	vsel vm12, $0x2100, v4  }
0xb: {  	v5 =	vsel vm12, $0x4100, v5;
	v6 =	vsel vm12, $0x6100, v6;
	v0 =	vsel vm11, $0x180, v0  }
0xc: {  	v4 =	vsel vm11, $0x2180, v4;
	v5 =	vsel vm11, $0x4180, v5;
	v6 =	vsel vm11, $0x6180, v6  }
0xd: {  	v0 =	vsel vm10, $0x200, v0;
	v4 =	vsel vm10, $0x2200, v4;
	v5 =	vsel vm10, $0x4200, v5  }
0xe: {  	v6 =	vsel vm10, $0x6200, v6;
	v0 =	vsel vm9, $0x280, v0;
	v4 =	vsel vm9, $0x2280, v4  }
0xf: {  	v5 =	vsel vm9, $0x4280, v5;
	v6 =	vsel vm9, $0x6280, v6;
	v0 =	vsel vm8, $0x300, v0  }
0x10: {  	v4 =	vsel vm8, $0x2300, v4;
	v5 =	vsel vm8, $0x4300, v5;
	v6 =	vsel vm8, $0x6300, v6  }
0x11: {  	v0 =	vsel vm7, $0x380, v0;
	v4 =	vsel vm7, $0x2380, v4;
	v5 =	vsel vm7, $0x4380, v5  }
0x12: {  	s1 =	srdreg.scid;
	s2 =	rddreg [dreg:$0x0];
	v6 =	vsel vm7, $0x6380, v6;
	v0 =	vsel vm6, $0x1000, v0;
	v4 =	vsel vm6, $0x3000, v4  }
0x13: {  	s0 =	stileid.u32;
	s3 =	rddreg [dreg:$0x1];
	v5 =	vsel vm6, $0x5000, v5;
	v6 =	vsel vm6, $0x7000, v6;
	v0 =	vsel vm5, $0x1080, v0  }
0x14: {  	s7 =	rddreg [dreg:$0x3];
	s5 =	sand.u32 $0x1, s1;
	s31 =	sshll.u32 s0, $0x1;
	v4 =	vsel vm5, $0x3080, v4;
	v5 =	vsel vm5, $0x5080, v5;
	v6 =	vsel vm5, $0x7080, v6  }
0x15: {  	s6 =	simm.s32 $0x0;
	s8 =	simm.s32 $0x3E;
	s1 =	sor.u32 s5, s31;
	v0 =	vsel vm4, $0x1100, v0;
	v4 =	vsel vm4, $0x3100, v4;
	v5 =	vsel vm4, $0x5100, v5  }
0x16: {  	s10 =	simm.s32 $0x13;
	s11 =	simm.s32 $0x1000;
	s13 =	simm.s32 $0x7A1400;
	v6 =	vsel vm4, $0x7100, v6;
	v1 =	vsel vm3, $0x1180, v0;
	v0 =	vmov s1  }
0x17: {  	s14 =	simm.s32 $0xC180;
	s15 =	simm.s32 $0x1E180;
	s16 =	simm.s32 $0x1E200;
	v4 =	vsel vm3, $0x3180, v4;
	v5 =	vsel vm3, $0x5180, v5;
	v6 =	vsel vm3, $0x7180, v6  }
0x18: {  	s17 =	simm.s32 $0x1C180;
	[smem:$0x7FF] =	sst s6;
	s7 =	sadd.s32 $0x400, s7;
	v2 =	vsel vm2, $0x1200, v1;
	v1 =	vlaneseq.u32;
	v4 =	vsel vm2, $0x3200, v4  }
.Ltmp0:
0x19: {  	_ =	strace $0x80000047;
	s5 =	ssub.s32 $0x2, s5;
	v5 =	vsel vm2, $0x5200, v5;
	v6 =	vsel vm2, $0x7200, v6;
	v3 =	vsel vm1, $0x1280, v2;
	(pc) =	sbr.rel .LBB2_1-.Ltmp0, $4  }
0x1a: {  	s9 =	sshrl.u32 s5, $0x1;
	p0 =	seq.s32 s1, $0x0;
	s12 =	sshll.u32 s1, $0x9;
	v2 =	vimm.s32 $0x7F000000;
	v4 =	vsel vm1, $0x3280, v4;
	v5 =	vsel vm1, $0x5280, v5  }
0x1b: {  	s5 =	ssub.s32 s5, s9;
	s8 =	simm.s32 @!p0 $0x3D;
	s9 =	sshll.u32 s1, $0xC;
	v6 =	vsel vm1, $0x7280, v6;
	v7 =	vor.u32 $0xF85F0000, v1;
	v8 =	vor.u32 $0xF85F0010, v1  }
0x1c: {  	s19 =	simm.s32 $0x0;
	v9 =	vor.u32 $0xF85F0020, v1;
	v10 =	vor.u32 $0xF85F0030, v1;
	v3 =	vsel vm0, $0x1300, v3  }
0x1d: {  	s12 =	sadd.s32 s3, s12;
	p0 =	sne.s32 s1, $0x1;
	s18 =	smax.u32 s5, $0x1;
	v4 =	vsel vm0, $0x3300, v4;
	v5 =	vsel vm0, $0x5300, v5;
	v6 =	vsel vm0, $0x7300, v6  }
.LBB2_30:
0x1e: {  	[sflag:s21] =	ssyncadd.s32 $0xFFFFFF80  }
.LBB2_31:
0x1f: {  	s19 =	sadd.s32 $0x1, s19  }
0x20: {  	p1 =	sne.s32 s19, s18  }
.Ltmp1:
0x21: {  	_ = 	snop;
	(pc) =	sbr.rel @!p1 .LBB2_32-.Ltmp1, $1  }
0x22: {  	_ =	sdelay $0x3  }
.LBB2_1:
0x23: {  	s5 =	simm.s32 $0x8100  }
0x24: {  	[tilespmem:s5], [sflag:$0x13] =	stream.linear.gather [hbm4b:s2+s6], $0x4000, $0x38;
	[tilespmem:$0x1EA80] =	vst v63  }
0x25: {  	_ =	swait.ge [sflag:s10], $0x4000  }
0x26: {  	[sflag:s10] =	ssyncset.done $0x0  }
0x27: {  	[sflag:s10] =	ssyncadd.s32 $0xFFFFC000  }
0x28: {  	v11 =	vld [tilespmem:s5+$0x0];
	_ =	sdelay $0x4  }
0x29: {  	v12 =	vshrl.u32 v11, $0x9  }
0x2a: {  	v12 =	vand.u32 $0x1F, v12  }
0x2b: {  	vm0 =	veq.s32 v12, v0  }
0x2c: {  	v12 =	vmpcnt.ones.xlane vm0;
	_ =	sdelay $0x1  }
0x2d: {  	(v2sf) =	vpush v12, $0x0;
	_ =	sdelay $0x3  }
0x2e: {  	[tilespmem:s6+$0x0] =	vst.msk vm0, v11;
	v11 =	vor.u32 s6, v1  }
0x2f: {  	s22 =	simm.s32 $0x8110;
	[tilespmem:s6+$0x4080] =	vst.msk vm0, v11  }
0x30: {  	s20 =	simm.s32 $0x10;
	s23 =	simm.s32 $0x20;
	s21 =	simm.s32 $0x0;
	v11 =	vld [tilespmem:s22+$0x0]  }
.LBB2_2:
0x31: {  	p1 =	sne.s32 s23, $0x3FF0;
	_ =	sdelay $0x3  }
0x32: {  	v12 =	vshrl.u32 v11, $0x9  }
0x33: {  	v12 =	vand.u32 $0x1F, v12  }
0x34: {  	vm0 =	veq.s32 v12, v0  }
0x35: {  	v12 =	vmpcnt.ones.xlane vm0  }
0x36: {  	s5 =	spop (v2sf)  }
0x37: {  	(v2sf) =	vpush v12, $0x0;
	s21 =	sadd.s32 s21, s5  }
0x38: {  	v12 =	vor.u32 s20, v1;
	s20 =	smov.u32 s23;
	[tilespmem:s21+$0x0] =	vst.msk vm0, v11  }
.Ltmp2:
0x39: {  	[tilespmem:s21+$0x4080] =	vst.msk vm0, v12;
	(pc) =	sbr.rel @p1 .LBB2_2-.Ltmp2, $3  }
0x3a: {  	_ =	sdelay $0x1  }
0x3b: {  	s22 =	sadd.s32 $0x10, s22  }
0x3c: {  	s23 =	sadd.s32 $0x10, s23;
	v11 =	vld [tilespmem:s22+$0x0]  }
0x3d: {  	_ =	sdelay $0x3  }
0x3e: {  	v12 =	vshrl.u32 v11, $0x9  }
0x3f: {  	v12 =	vand.u32 $0x1F, v12  }
0x40: {  	vm0 =	veq.s32 v12, v0  }
0x41: {  	v12 =	vmpcnt.ones.xlane vm0;
	_ =	sdelay $0x1  }
0x42: {  	(v2sf) =	vpush v12, $0x0;
	_ =	sdelay $0xd  }
0x43: {  	s5 =	spop (v2sf)  }
0x44: {  	s5 =	sadd.s32 s21, s5;
	s28 =	spop (v2sf)  }
0x45: {  	v63 =	vor.u32 s20, v1;
	[tilespmem:s5+$0x0] =	vst.msk vm0, v11;
	s21 =	sadd.s32 s5, s28  }
0x46: {  	[tilespmem:s5+$0x4080] =	vst.msk vm0, v63;
	s22 =	sadd.s32 $0xF, s21  }
0x47: {  	[tilespmem:s21+$0x0] =	vst v2;
	s23 =	sand.u32 $0xF, s22  }
0x48: {  	[tilespmem:s14], [sflag:$0x11] =	stream.strided.gather [hbm4b:s12+s11], $0x8000, s13, s11, $0x38;
	[tilespmem:$0x1EA80] =	vst v63  }
0x49: {  	s29 =	sshra.s32 s22, $0x1F;
	p2 =	slt.s32 s22, $0x1;
	p1 =	sne.s32 s23, $0x0  }
.Ltmp3:
0x4a: {  	s30 =	sshrl.u32 s29, $0x1C;
	p1 =	por !p2, !p1;
	(pc) =	sbr.rel .LBB2_5-.Ltmp3, $4  }
0x4b: {  	s20 =	simm.s32 $0x1;
	s31 =	sadd.s32 s30, s22;
	p1 =	por !p1, !p1  }
0x4c: {  	s5 =	sshra.s32 s31, $0x4;
	s20 =	simm.s32 @!p1 $0x0  }
0x4d: {  	s21 =	ssub.s32 s5, s20  }
0x4e: {  	s22 =	simm.s32 $0x0;
	s20 =	simm.s32 $0x0;
	p1 =	slt.s32 s21, $0x1  }
.LBB2_4:
0x4f: {  	p2 =	seq.s32 s22, s8  }
.Ltmp4:
0x50: {  	_ = 	snop;
	(pc) =	sbr.rel @p2 .LBB2_14-.Ltmp4, $1  }
0x51: {  	_ =	sdelay $0x3  }
.LBB2_5:
0x52: {  	s23 =	smov.u32 s22;
	s22 =	sadd.s32 $0x1, s22  }
0x53: {  	p2 =	sge.u32 s22, s8  }
0x54: {  	s24 =	sshll.u32 @!p2 s22, $0x11  }
0x55: {  	s5 =	sand.u32 @!p2 $0x1, s22;
	s26 =	simm.s32 @!p2 $0x1000;
	s24 =	sor.u32 @!p2 s9, s24  }
0x56: {  	s28 =	simm.s32 @!p2 $0x7A1400;
	s25 =	sshll.u32 @!p2 s5, $0xF;
	s24 =	sshrl.u32 @!p2 s24, $0x3  }
0x57: {  	s5 =	sadd.s32 @!p2 $0x11, s5;
	s25 =	sadd.s32 @!p2 $0xC180, s25;
	s24 =	sadd.s32 @!p2 s3, s24  }
0x58: {  	[tilespmem:s25], [sflag:s5] =	stream.strided.gather @!p2 [hbm4b:s24+s26], $0x8000, s28, s26, $0x38;
	[tilespmem:$0x1EA80] =	vst v63  }
.Ltmp5:
0x59: {  	s5 =	sand.u32 $0x1, s23;
	(pc) =	sbr.rel @p1 .LBB2_4-.Ltmp5, $4  }
0x5a: {  	s31 =	sadd.s32 $0x11, s5  }
0x5b: {  	_ =	swait.ge [sflag:s31], $0x8000  }
0x5c: {  	[sflag:s31] =	ssyncset.done $0x0  }
0x5d: {  	[sflag:s31] =	ssyncadd.s32 $0xFFFF8000  }
.Ltmp6:
0x5e: {  	(pc) =	sbr.rel .LBB2_7-.Ltmp6, $4  }
0x5f: {  	s23 =	sshll.u32 s23, $0x5  }
0x60: {  	s24 =	sor.u32 s1, s23  }
0x61: {  	s5 =	sshll.u32 s5, $0xF;
	s25 =	sshll.u32 s24, $0x9  }
0x62: {  	s23 =	sadd.s32 $0xC180, s5;
	v11 =	vmov s24;
	s24 =	simm.s32 $0x0;
	v12 =	vmov s25;
	s25 =	simm.s32 $0x0  }
.LBB2_9:
0x63: {  	s28 =	simm.s32 $0x1;
	s26 =	simm.s32 $0x0  }
.LBB2_12:
0x64: {  	_ =	sdelay $0x2  }
0x65: {  	[hbm4b:s5+s6] =	stream.linear.scatter @p2 [tilespmem:s30], [sflag:s31], $0x80, $0x38;
	[tilespmem:$0x1EA80] =	vst v63  }
0x66: {  	v14 =	vld.idx.msk [tilespmem:v13+s15+$0x0], $0xffff;
	_ =	sdelay $0x4  }
0x67: {  	v13 =	vld.idx.msk [tilespmem:v13+s16+$0x0], $0xffff;
	v15 =	vsub.s32 v14, v12  }
0x68: {  	v15 =	vshll.u32 v15, $0x3  }
0x69: {  	v14 =	vand.u32 $0x7F, v14;
	v15 =	vand.u32 $0xFFFFFC00, v15  }
0x6a: {  	s0 =	sadd.s32 s26, s20;
	v14 =	vor.u32 v14, v15  }
0x6b: {  	s4 =	sand.u32 $0xF, s0;
	p2 =	slt.s32 s0, $0x10;
	v15 =	vadd.s32 v3, v14  }
0x6c: {  	s0 =	sadd.s32 @!p2 $0x1, s4;
	(v2sf) =	vpush v13, $0x0  }
0x6d: {  	_ =	swait.ge @!p2 [sflag:s0], $0x80  }
0x6e: {  	[sflag:s0] =	ssyncset.done @!p2 $0x0  }
0x6f: {  	[sflag:s0] =	ssyncadd.s32 @!p2 $0xFFFFFF80  }
0x70: {  	v13 =	vld.idx.msk [tilespmem:v15+s23+$0x0], $0xffff  }
0x71: {  	v15 =	vadd.s32 v4, v14;
	_ =	sdelay $0x2  }
0x72: {  	s31 =	sshll.u32 s4, $0x7  }
0x73: {  	[tilespmem:s31+$0x1E280] =	vst v13  }
0x74: {  	v13 =	vld.idx.msk [tilespmem:v15+s23+$0x0], $0xffff  }
0x75: {  	v15 =	vadd.s32 v5, v14;
	_ =	sdelay $0x3  }
0x76: {  	[tilespmem:s31+$0x1E290] =	vst v13  }
0x77: {  	v13 =	vld.idx.msk [tilespmem:v15+s23+$0x0], $0xffff  }
0x78: {  	v14 =	vadd.s32 v6, v14;
	_ =	sdelay $0x3  }
0x79: {  	[tilespmem:s31+$0x1E2A0] =	vst v13  }
0x7a: {  	v13 =	vld.idx.msk [tilespmem:v14+s23+$0x0], $0xffff;
	_ =	sdelay $0x1  }
0x7b: {  	s26 =	spop (v2sf)  }
0x7c: {  	s5 =	sshll.u32 s26, $0x4  }
0x7d: {  	s20 =	sadd.s32 s28, s20;
	s5 =	sand.u32 $0x1FFFFFF0, s5  }
0x7e: {  	s30 =	sadd.s32 $0x1, s4;
	s29 =	sadd.s32 $0x1E280, s31;
	[tilespmem:s31+$0x1E2B0] =	vst v13;
	s31 =	sadd.s32 s7, s5  }
0x7f: {  	[hbm4b:s31+s6] =	stream.linear.scatter [tilespmem:s29], [sflag:s30], $0x80, $0x38;
	[tilespmem:$0x1EA80] =	vst v63  }
.LBB2_13:
0x80: {  	s25 =	sadd.s32 $0x1, s25  }
0x81: {  	p2 =	seq.s32 s25, s21  }
.Ltmp7:
0x82: {  	_ = 	snop;
	(pc) =	sbr.rel @p2 .LBB2_4-.Ltmp7, $1  }
0x83: {  	_ =	sdelay $0x3  }
.LBB2_7:
0x84: {  	s5 =	sshll.u32 s25, $0x4  }
0x85: {  	v13 =	vld [tilespmem:s5+$0x0];
	_ =	sdelay $0x4  }
0x86: {  	v14 =	vshra.s32 v13, $0x9  }
0x87: {  	vm0 =	veq.s32 v14, v11  }
0x88: {  	v14 =	vmpcnt.ones.xlane vm0;
	_ =	sdelay $0x1  }
0x89: {  	(v2sf) =	vpush v14, $0x0;
	_ =	sdelay $0xe  }
0x8a: {  	s29 =	spop (v2sf)  }
0x8b: {  	v14 =	vld [tilespmem:s5+$0x4080];
	p2 =	slt.s32 s29, $0x1  }
.Ltmp8:
0x8c: {  	_ = 	snop;
	(pc) =	sbr.rel @p2 .LBB2_13-.Ltmp8, $3  }
0x8d: {  	_ =	sdelay $0x1  }
0x8e: {  	[tilespmem:s15+$0x0] =	vst.msk vm0, v13  }
0x8f: {  	[tilespmem:s16+$0x0] =	vst.msk vm0, v14  }
0x90: {  	p3 =	sne.s32 s29, $0x1  }
.Ltmp9:
0x91: {  	_ = 	snop;
	(pc) =	sbr.rel @!p3 .LBB2_9-.Ltmp9, $2  }
0x92: {  	_ =	sdelay $0x2  }
0x93: {  	s26 =	simm.s32 $0x1;
	v13 =	vmov s24;
	p2 =	por $0x0, $0x0  }
0x94: {  	_ =	sdelay $0x3  }
0x95: {  	v14 =	vld.idx.msk [tilespmem:v13+s15+$0x0], $0xffff;
	_ =	sdelay $0x4  }
0x96: {  	v13 =	vld.idx.msk [tilespmem:v13+s16+$0x0], $0xffff;
	v15 =	vsub.s32 v14, v12  }
0x97: {  	v15 =	vshll.u32 v15, $0x3  }
0x98: {  	v14 =	vand.u32 $0x7F, v14;
	v15 =	vand.u32 $0xFFFFFC00, v15  }
0x99: {  	s5 =	sadd.s32 $0x0, s20;
	v14 =	vor.u32 v14, v15  }
0x9a: {  	s31 =	sand.u32 $0xF, s5;
	p2 =	slt.s32 s5, $0x10;
	v15 =	vadd.s32 v3, v14  }
0x9b: {  	s5 =	sadd.s32 @!p2 $0x1, s31;
	(v2sf) =	vpush v13, $0x0  }
0x9c: {  	_ =	swait.ge @!p2 [sflag:s5], $0x80  }
0x9d: {  	[sflag:s5] =	ssyncset.done @!p2 $0x0  }
0x9e: {  	[sflag:s5] =	ssyncadd.s32 @!p2 $0xFFFFFF80  }
0x9f: {  	v13 =	vld.idx.msk [tilespmem:v15+s23+$0x0], $0xffff  }
0xa0: {  	v15 =	vadd.s32 v4, v14;
	_ =	sdelay $0x2  }
0xa1: {  	s4 =	sshll.u32 s31, $0x7  }
0xa2: {  	[tilespmem:s4+$0x1E280] =	vst v13  }
0xa3: {  	v13 =	vld.idx.msk [tilespmem:v15+s23+$0x0], $0xffff  }
0xa4: {  	v15 =	vadd.s32 v5, v14;
	_ =	sdelay $0x3  }
0xa5: {  	[tilespmem:s4+$0x1E290] =	vst v13  }
0xa6: {  	v13 =	vld.idx.msk [tilespmem:v15+s23+$0x0], $0xffff  }
0xa7: {  	v14 =	vadd.s32 v6, v14;
	_ =	sdelay $0x3  }
0xa8: {  	[tilespmem:s4+$0x1E2A0] =	vst v13  }
0xa9: {  	p3 =	sne.s32 s29, $0x2;
	v14 =	vld.idx.msk [tilespmem:v14+s23+$0x0], $0xffff  }
.Ltmp10:
0xaa: {  	_ = 	snop;
	(pc) =	sbr.rel @!p3 .LBB2_12-.Ltmp10, $4  }
0xab: {  	s30 =	spop (v2sf);
	v13 =	vmov s26  }
0xac: {  	s30 =	sshll.u32 s30, $0x4  }
0xad: {  	s28 =	simm.s32 $0x2;
	s31 =	sadd.s32 $0x1, s31;
	s0 =	sand.u32 $0x1FFFFFF0, s30  }
0xae: {  	p2 =	por $0x1, $0x1;
	s30 =	sadd.s32 $0x1E280, s4;
	s5 =	sadd.s32 s7, s0;
	[tilespmem:s4+$0x1E2B0] =	vst v14  }
.LBB2_11:
0xaf: {  	[hbm4b:s5+s6] =	stream.linear.scatter [tilespmem:s30], [sflag:s31], $0x80, $0x38;
	[tilespmem:$0x1EA80] =	vst v63  }
0xb0: {  	s0 =	smov.u32 s28;
	s28 =	sadd.s32 $0x1, s28;
	v14 =	vld.idx.msk [tilespmem:v13+s15+$0x0], $0xffff  }
0xb1: {  	p3 =	sne.s32 s29, s28;
	v13 =	vld.idx.msk [tilespmem:v13+s16+$0x0], $0xffff;
	_ =	sdelay $0x4  }
0xb2: {  	v15 =	vsub.s32 v14, v12  }
0xb3: {  	v15 =	vshll.u32 v15, $0x3;
	(v2sf) =	vpush v13, $0x0  }
0xb4: {  	v13 =	vand.u32 $0x7F, v14;
	v14 =	vand.u32 $0xFFFFFC00, v15  }
0xb5: {  	s5 =	sadd.s32 s26, s20;
	s26 =	smov.u32 s0;
	v13 =	vor.u32 v13, v14  }
0xb6: {  	s0 =	sand.u32 $0xF, s5;
	p4 =	slt.s32 s5, $0x10;
	v14 =	vadd.s32 v3, v13  }
0xb7: {  	s5 =	sadd.s32 @!p4 $0x1, s0  }
0xb8: {  	_ =	swait.ge @!p4 [sflag:s5], $0x80  }
0xb9: {  	[sflag:s5] =	ssyncset.done @!p4 $0x0  }
0xba: {  	[sflag:s5] =	ssyncadd.s32 @!p4 $0xFFFFFF80  }
0xbb: {  	v14 =	vld.idx.msk [tilespmem:v14+s23+$0x0], $0xffff;
	_ =	sdelay $0x1  }
0xbc: {  	v15 =	vadd.s32 v4, v13;
	_ =	sdelay $0x2  }
0xbd: {  	s5 =	sshll.u32 s0, $0x7  }
0xbe: {  	[tilespmem:s5+$0x1E280] =	vst v14  }
0xbf: {  	v14 =	vld.idx.msk [tilespmem:v15+s23+$0x0], $0xffff;
	s30 =	spop (v2sf)  }
0xc0: {  	s30 =	sshll.u32 s30, $0x4  }
0xc1: {  	v15 =	vadd.s32 v5, v13;
	s4 =	sand.u32 $0x1FFFFFF0, s30;
	_ =	sdelay $0x3  }
0xc2: {  	[tilespmem:s5+$0x1E290] =	vst v14  }
0xc3: {  	v14 =	vld.idx.msk [tilespmem:v15+s23+$0x0], $0xffff;
	_ =	sdelay $0x1  }
0xc4: {  	v13 =	vadd.s32 v6, v13;
	_ =	sdelay $0x3  }
0xc5: {  	[tilespmem:s5+$0x1E2A0] =	vst v14  }
0xc6: {  	v14 =	vld.idx.msk [tilespmem:v13+s23+$0x0], $0xffff;
	_ =	sdelay $0x1  }
.Ltmp11:
0xc7: {  	(pc) =	sbr.rel @p3 .LBB2_11-.Ltmp11, $2  }
0xc8: {  	v13 =	vmov s26;
	_ =	sdelay $0x2  }
0xc9: {  	s31 =	sadd.s32 $0x1, s0;
	s30 =	sadd.s32 $0x1E280, s5;
	[tilespmem:s5+$0x1E2B0] =	vst v14;
	s5 =	sadd.s32 s7, s4  }
.Ltmp12:
0xca: {  	_ = 	snop;
	(pc) =	sbr.rel .LBB2_12-.Ltmp12, $1  }
0xcb: {  	_ =	sdelay $0x3  }
.LBB2_14:
.Ltmp13:
0xcc: {  	(pc) =	sbr.rel @p0 .LBB2_27-.Ltmp13, $1  }
0xcd: {  	_ =	sdelay $0x3  }
.Ltmp14:
0xce: {  	s22 =	simm.s32 $0x0;
	s0 =	rddreg [dreg:$0x2];
	(pc) =	sbr.rel @!p1 .LBB2_16-.Ltmp14, $4  }
0xcf: {  	[tilespmem:s17], [sflag:$0x13] =	stream.linear.gather [hbm4b:s0+s22], $0x2000, $0x38;
	[tilespmem:$0x1EA80] =	vst v63  }
0xd0: {  	_ =	swait.ge [sflag:s10], $0x2000  }
0xd1: {  	[sflag:s10] =	ssyncset.done $0x0  }
0xd2: {  	s23 =	simm.s32 $0x0;
	[sflag:s10] =	ssyncadd.s32 $0xFFFFE000  }
.LBB2_23:
0xd3: {  	p1 =	slt.s32 s20, $0x1  }
.Ltmp15:
0xd4: {  	_ = 	snop;
	(pc) =	sbr.rel @p1 .LBB2_31-.Ltmp15, $1  }
0xd5: {  	_ =	sdelay $0x3  }
0xd6: {  	p1 =	slt.s32 s20, $0x10  }
0xd7: {  	s20 =	simm.s32 @!p1 $0x10  }
0xd8: {  	p1 =	seq.s32 s20, $0x1  }
.Ltmp16:
0xd9: {  	_ = 	snop;
	(pc) =	sbr.rel @p1 .LBB2_26-.Ltmp16, $4  }
0xda: {  	_ = 	snop  }
0xdb: {  	s21 =	simm.s32 $0x1  }
0xdc: {  	_ =	swait.ge [sflag:s21], $0x80  }
0xdd: {  	s20 =	sadd.s32 $0xFFFFFFFF, s20;
	[sflag:s21] =	ssyncset.done $0x0  }
.LBB2_25:
0xde: {  	p1 =	seq.s32 s20, $0x1;
	[sflag:s21] =	ssyncadd.s32 $0xFFFFFF80;
	s21 =	sadd.s32 $0x1, s21  }
.Ltmp17:
0xdf: {  	s20 =	sadd.s32 $0xFFFFFFFF, s20;
	(pc) =	sbr.rel @!p1 .LBB2_25-.Ltmp17, $3  }
0xe0: {  	_ =	sdelay $0x1  }
0xe1: {  	_ =	swait.ge [sflag:s21], $0x80  }
0xe2: {  	[sflag:s21] =	ssyncset.done $0x0  }
.LBB2_26:
.Ltmp18:
0xe3: {  	(pc) =	sbr.rel .LBB2_31-.Ltmp18, $2  }
0xe4: {  	_ =	sdelay $0x2  }
0xe5: {  	[sflag:s21] =	ssyncadd.s32 $0xFFFFFF80  }
.LBB2_27:
0xe6: {  	p1 =	slt.s32 s20, $0x1  }
.Ltmp19:
0xe7: {  	_ = 	snop;
	(pc) =	sbr.rel @p1 .LBB2_31-.Ltmp19, $1  }
0xe8: {  	_ =	sdelay $0x3  }
0xe9: {  	p1 =	slt.s32 s20, $0x10  }
0xea: {  	s20 =	simm.s32 @!p1 $0x10  }
0xeb: {  	p1 =	sne.s32 s20, $0x1  }
.Ltmp20:
0xec: {  	_ = 	snop;
	(pc) =	sbr.rel @!p1 .LBB2_30-.Ltmp20, $4  }
0xed: {  	_ = 	snop  }
0xee: {  	s21 =	simm.s32 $0x1  }
0xef: {  	_ =	swait.ge [sflag:s21], $0x80  }
0xf0: {  	s20 =	sadd.s32 $0xFFFFFFFF, s20;
	[sflag:s21] =	ssyncset.done $0x0  }
.LBB2_29:
0xf1: {  	p1 =	sne.s32 s20, $0x1;
	[sflag:s21] =	ssyncadd.s32 $0xFFFFFF80;
	s21 =	sadd.s32 $0x1, s21  }
.Ltmp21:
0xf2: {  	s20 =	sadd.s32 $0xFFFFFFFF, s20;
	(pc) =	sbr.rel @p1 .LBB2_29-.Ltmp21, $3  }
0xf3: {  	_ =	sdelay $0x1  }
0xf4: {  	_ =	swait.ge [sflag:s21], $0x80  }
0xf5: {  	[sflag:s21] =	ssyncset.done $0x0  }
.Ltmp22:
0xf6: {  	_ = 	snop;
	(pc) =	sbr.rel .LBB2_30-.Ltmp22, $1  }
0xf7: {  	_ =	sdelay $0x3  }
.LBB2_18:
0xf8: {  	s24 =	simm.s32 $0x1;
	s25 =	simm.s32 $0x0  }
.LBB2_21:
0xf9: {  	_ =	sdelay $0x2  }
0xfa: {  	[hbm4b:s5+s6] =	stream.linear.scatter @p1 [tilespmem:s28], [sflag:s29], $0x80, $0x38;
	[tilespmem:$0x1EA80] =	vst v63  }
0xfb: {  	v12 =	vld.idx.msk [tilespmem:v11+s15+$0x0], $0xffff;
	_ =	sdelay $0x1  }
0xfc: {  	v11 =	vld.idx.msk [tilespmem:v11+s16+$0x0], $0xffff;
	_ =	sdelay $0x2  }
0xfd: {  	s0 =	sadd.s32 s25, s20;
	v12 =	vshll.u32 v12, $0x7  }
0xfe: {  	s4 =	sand.u32 $0xF, s0;
	p1 =	slt.s32 s0, $0x10;
	v13 =	vadd.s32 v7, v12  }
0xff: {  	s0 =	sadd.s32 @!p1 $0x1, s4;
	(v2sf) =	vpush v11, $0x0  }
0x100: {  	_ =	swait.ge @!p1 [sflag:s0], $0x80  }
0x101: {  	[sflag:s0] =	ssyncset.done @!p1 $0x0  }
0x102: {  	[sflag:s0] =	ssyncadd.s32 @!p1 $0xFFFFFF80  }
0x103: {  	v11 =	vld.idx.msk [tilespmem:v13+s17+$0x0], $0xffff  }
0x104: {  	v62 =	vadd.s32 v8, v12;
	_ =	sdelay $0x2  }
0x105: {  	s26 =	sshll.u32 s4, $0x7  }
0x106: {  	[tilespmem:s26+$0x1E280] =	vst v11  }
0x107: {  	v11 =	vld.idx.msk [tilespmem:v62+s17+$0x0], $0xffff  }
0x108: {  	v63 =	vadd.s32 v9, v12;
	_ =	sdelay $0x3  }
0x109: {  	[tilespmem:s26+$0x1E290] =	vst v11  }
0x10a: {  	v11 =	vld.idx.msk [tilespmem:v63+s17+$0x0], $0xffff  }
0x10b: {  	v12 =	vadd.s32 v10, v12;
	_ =	sdelay $0x3  }
0x10c: {  	[tilespmem:s26+$0x1E2A0] =	vst v11  }
0x10d: {  	v11 =	vld.idx.msk [tilespmem:v12+s17+$0x0], $0xffff;
	_ =	sdelay $0x1  }
0x10e: {  	s28 =	spop (v2sf)  }
0x10f: {  	s5 =	sshll.u32 s28, $0x4  }
0x110: {  	s20 =	sadd.s32 s24, s20;
	s5 =	sand.u32 $0x1FFFFFF0, s5  }
0x111: {  	s30 =	sadd.s32 $0x1, s4;
	s29 =	sadd.s32 $0x1E280, s26;
	s31 =	sadd.s32 s7, s5;
	[tilespmem:s26+$0x1E2B0] =	vst v11  }
0x112: {  	[hbm4b:s31+s6] =	stream.linear.scatter [tilespmem:s29], [sflag:s30], $0x80, $0x38;
	[tilespmem:$0x1EA80] =	vst v63  }
.LBB2_22:
0x113: {  	s23 =	sadd.s32 $0x1, s23  }
0x114: {  	p1 =	sne.s32 s23, s21  }
.Ltmp23:
0x115: {  	_ = 	snop;
	(pc) =	sbr.rel @!p1 .LBB2_23-.Ltmp23, $1  }
0x116: {  	_ =	sdelay $0x3  }
.LBB2_16:
0x117: {  	s0 =	sshll.u32 s23, $0x4  }
0x118: {  	v11 =	vld [tilespmem:s0+$0x0];
	_ =	sdelay $0x4  }
0x119: {  	v12 =	vand.u32 $0xFFFFFE00, v11  }
0x11a: {  	vm0 =	veq.s32 v12, $0xF4200  }
0x11b: {  	v12 =	vmpcnt.ones.xlane vm0;
	_ =	sdelay $0x1  }
0x11c: {  	(v2sf) =	vpush v12, $0x0;
	_ =	sdelay $0xe  }
0x11d: {  	s26 =	spop (v2sf)  }
0x11e: {  	v63 =	vld [tilespmem:s0+$0x4080];
	p1 =	slt.s32 s26, $0x1  }
.Ltmp24:
0x11f: {  	_ = 	snop;
	(pc) =	sbr.rel @p1 .LBB2_22-.Ltmp24, $3  }
0x120: {  	_ =	sdelay $0x1  }
0x121: {  	[tilespmem:s15+$0x0] =	vst.msk vm0, v11  }
0x122: {  	[tilespmem:s16+$0x0] =	vst.msk vm0, v63  }
0x123: {  	p2 =	sne.s32 s26, $0x1  }
.Ltmp25:
0x124: {  	_ = 	snop;
	(pc) =	sbr.rel @!p2 .LBB2_18-.Ltmp25, $2  }
0x125: {  	_ =	sdelay $0x2  }
0x126: {  	s25 =	simm.s32 $0x1;
	v11 =	vmov s22;
	p1 =	por $0x0, $0x0  }
0x127: {  	_ =	sdelay $0x3  }
0x128: {  	v12 =	vld.idx.msk [tilespmem:v11+s15+$0x0], $0xffff;
	_ =	sdelay $0x1  }
0x129: {  	v11 =	vld.idx.msk [tilespmem:v11+s16+$0x0], $0xffff;
	_ =	sdelay $0x2  }
0x12a: {  	s0 =	sadd.s32 $0x0, s20;
	v12 =	vshll.u32 v12, $0x7  }
0x12b: {  	s4 =	sand.u32 $0xF, s0;
	p1 =	slt.s32 s0, $0x10;
	v13 =	vadd.s32 v7, v12  }
0x12c: {  	s0 =	sadd.s32 @!p1 $0x1, s4;
	(v2sf) =	vpush v11, $0x0  }
0x12d: {  	_ =	swait.ge @!p1 [sflag:s0], $0x80  }
0x12e: {  	[sflag:s0] =	ssyncset.done @!p1 $0x0  }
0x12f: {  	[sflag:s0] =	ssyncadd.s32 @!p1 $0xFFFFFF80  }
0x130: {  	v11 =	vld.idx.msk [tilespmem:v13+s17+$0x0], $0xffff  }
0x131: {  	v62 =	vadd.s32 v8, v12;
	_ =	sdelay $0x2  }
0x132: {  	s31 =	sshll.u32 s4, $0x7  }
0x133: {  	[tilespmem:s31+$0x1E280] =	vst v11  }
0x134: {  	v11 =	vld.idx.msk [tilespmem:v62+s17+$0x0], $0xffff  }
0x135: {  	v63 =	vadd.s32 v9, v12;
	_ =	sdelay $0x3  }
0x136: {  	[tilespmem:s31+$0x1E290] =	vst v11  }
0x137: {  	v11 =	vld.idx.msk [tilespmem:v63+s17+$0x0], $0xffff  }
0x138: {  	v12 =	vadd.s32 v10, v12;
	_ =	sdelay $0x3  }
0x139: {  	[tilespmem:s31+$0x1E2A0] =	vst v11  }
0x13a: {  	p2 =	sne.s32 s26, $0x2;
	v12 =	vld.idx.msk [tilespmem:v12+s17+$0x0], $0xffff  }
.Ltmp26:
0x13b: {  	_ = 	snop;
	(pc) =	sbr.rel @!p2 .LBB2_21-.Ltmp26, $4  }
0x13c: {  	s5 =	spop (v2sf);
	v11 =	vmov s25  }
0x13d: {  	s5 =	sshll.u32 s5, $0x4  }
0x13e: {  	s24 =	simm.s32 $0x2;
	s29 =	sadd.s32 $0x1, s4;
	s5 =	sand.u32 $0x1FFFFFF0, s5  }
0x13f: {  	s28 =	sadd.s32 $0x1E280, s31;
	p1 =	por $0x1, $0x1;
	s5 =	sadd.s32 s7, s5;
	[tilespmem:s31+$0x1E2B0] =	vst v12  }
.LBB2_20:
0x140: {  	[hbm4b:s5+s6] =	stream.linear.scatter [tilespmem:s28], [sflag:s29], $0x80, $0x38;
	[tilespmem:$0x1EA80] =	vst v63  }
0x141: {  	s0 =	smov.u32 s24;
	s24 =	sadd.s32 $0x1, s24;
	v12 =	vld.idx.msk [tilespmem:v11+s15+$0x0], $0xffff  }
0x142: {  	p2 =	sne.s32 s26, s24;
	v11 =	vld.idx.msk [tilespmem:v11+s16+$0x0], $0xffff;
	_ =	sdelay $0x4  }
0x143: {  	s4 =	sadd.s32 s25, s20;
	s25 =	smov.u32 s0;
	v12 =	vshll.u32 v12, $0x7  }
0x144: {  	s0 =	sand.u32 $0xF, s4;
	p3 =	slt.s32 s4, $0x10;
	v13 =	vadd.s32 v7, v12;
	(v2sf) =	vpush v11, $0x0  }
0x145: {  	s4 =	sadd.s32 @!p3 $0x1, s0  }
0x146: {  	_ =	swait.ge @!p3 [sflag:s4], $0x80  }
0x147: {  	[sflag:s4] =	ssyncset.done @!p3 $0x0  }
0x148: {  	[sflag:s4] =	ssyncadd.s32 @!p3 $0xFFFFFF80  }
0x149: {  	v11 =	vld.idx.msk [tilespmem:v13+s17+$0x0], $0xffff;
	_ =	sdelay $0x1  }
0x14a: {  	v13 =	vadd.s32 v8, v12;
	_ =	sdelay $0x2  }
0x14b: {  	s4 =	sshll.u32 s0, $0x7  }
0x14c: {  	[tilespmem:s4+$0x1E280] =	vst v11  }
0x14d: {  	v11 =	vld.idx.msk [tilespmem:v13+s17+$0x0], $0xffff;
	_ =	sdelay $0x1  }
0x14e: {  	v13 =	vadd.s32 v9, v12  }
0x14f: {  	s5 =	spop (v2sf)  }
0x150: {  	s5 =	sshll.u32 s5, $0x4  }
0x151: {  	s5 =	sand.u32 $0x1FFFFFF0, s5  }
0x152: {  	[tilespmem:s4+$0x1E290] =	vst v11  }
0x153: {  	v11 =	vld.idx.msk [tilespmem:v13+s17+$0x0], $0xffff;
	_ =	sdelay $0x1  }
0x154: {  	v12 =	vadd.s32 v10, v12;
	_ =	sdelay $0x3  }
0x155: {  	[tilespmem:s4+$0x1E2A0] =	vst v11  }
0x156: {  	v12 =	vld.idx.msk [tilespmem:v12+s17+$0x0], $0xffff;
	_ =	sdelay $0x1  }
.Ltmp27:
0x157: {  	(pc) =	sbr.rel @p2 .LBB2_20-.Ltmp27, $2  }
0x158: {  	v11 =	vmov s25;
	_ =	sdelay $0x2  }
0x159: {  	s29 =	sadd.s32 $0x1, s0;
	s28 =	sadd.s32 $0x1E280, s4;
	s5 =	sadd.s32 s7, s5;
	[tilespmem:s4+$0x1E2B0] =	vst v12  }
.Ltmp28:
0x15a: {  	_ = 	snop;
	(pc) =	sbr.rel .LBB2_21-.Ltmp28, $1  }
0x15b: {  	_ =	sdelay $0x3  }
.LBB2_32:
0x15c: {  	_ =	sfence.sel $0x180000  }
0x15d: {  	[bflag:$0x0] =	sbarrier.arrive $0xFFFF  }
0x15e: {  	_ =	strace $0x90000047  }
0x15f: {  	s0 =	stileid.u32;
	[bflag:$0x2] =	sbarrier.arrive $0xFFFF  }
0x160: {  	p0 =	sne.s32 s0, $0x0;
	s0 =	rddreg [dreg:$0x4]  }
0x161: {  	s0 =	sadd.s32 @!p0 $0x100000, s0  }
0x162: {  	[sflag:s0] =	ssyncadd.tile.s32 @!p0 $0x1;
	_ =	shalt  }
.Lfunc_end2:
_tile_overlayer_lowered:
.L_overlay_start_2:
0x163: {  	(tag) =	ssettag $0x2  }
0x164: {  	s0 =	rddreg [dreg:$0x0];
	s2 =	stileid.u32  }
0x165: {  	s1 =	rddreg [dreg:$0x1];
	p0 =	sne.s32 s2, $0x0  }
0x166: {  	s3 =	rddreg [dreg:$0x2];
	[bflag:$0x3] =	sbarrier.arrive $0xFFFF;
	s2 =	simm.s32 @!p0 $0x1C13  }
0x167: {  	[timem:s3], [sflag:s2] =	dma.local @!p0 [hbm:s0], s1  }
0x168: {  	s0 =	simm.s32 @!p0 $0x13  }
0x169: {  	_ =	swait.ge @!p0 [sflag:s0], s1  }
0x16a: {  	s1 =	ssub.s32 @!p0 $0x0, s1;
	[sflag:s0] =	ssyncset.done @!p0 $0x0  }
0x16b: {  	[sflag:s0] =	ssyncadd.s32 @!p0 s1  }
0x16c: {  	[bflag:$0x3] =	sbarrier.arrive $0xFFFF  }
0x16d: {  	_ =	shalt  }

</sc_bundles>
